<compile_context>
chip_gen: v7x
topology: tpu7x:2x2x1
jax: 0.10.2.dev20260603
libtpu: 0.0.44.dev20260713+nightly
codegen_flags: <defaults>
</compile_context>

<pallas_src>
import jax
import jax.numpy as jnp
from jax import lax
from jax.experimental import pallas as pl
from jax.experimental.pallas import tpu as pltpu
from jax.experimental.pallas import tpu_sc as plsc

N = 10000
NP = 10240
E = 320000
H = 128
NG = 64
NTILES = 32
FPT = H // NTILES
CH = 3200
NCH = E // CH
VPC = CH // 16
NEG_BIG = -3.0e38

_f32 = jnp.float32
_i32 = jnp.int32



def _sc_edge_body(nf_hbm, aa_hbm, mm_hbm, ep_hbm, u_hbm, s_hbm,
                  nf_v, aa_v, mm_v, u_v, s_v, eb0, eb1, sem0, sem1):
    c = lax.axis_index("c")
    sub = lax.axis_index("s")
    wid = sub * 2 + c

    pltpu.sync_copy(nf_hbm.at[pl.ds(wid * FPT * NP, FPT * NP)], nf_v)
    pltpu.sync_copy(aa_hbm.at[:], aa_v)
    pltpu.sync_copy(mm_hbm.at[:], mm_v)
    mtot = mm_v[...]

    def zb(i, _):
        u_v[pl.ds(i * 16, 16)] = jnp.zeros((16,), _f32)
        return 0
    lax.fori_loop(0, FPT * NP // 16, zb, 0)

    def zs(i, _):
        s_v[pl.ds(i * 16, 16)] = jnp.zeros((16,), _f32)
        return 0
    lax.fori_loop(0, NP // 16, zs, 0)

    def process(buf):
        def vbody(i, _):
            epk = buf[pl.ds(i * 16, 16)]
            src = lax.shift_right_logical(epk, 14)
            dst = lax.bitwise_and(epk, 16383)
            asrc = plsc.load_gather(aa_v, [src])
            adst = plsc.load_gather(aa_v, [dst + NP])
            w = jnp.exp((asrc - mtot) + adst)
            for r in range(FPT):
                v = plsc.load_gather(nf_v, [src + r * NP])
                plsc.addupdate_scatter(u_v, [dst + r * NP], v * w)
            plsc.addupdate_scatter(s_v, [dst], w)
            return 0
        lax.fori_loop(0, VPC, vbody, 0)

    pltpu.make_async_copy(ep_hbm.at[pl.ds(0, CH)], eb0, sem0).start()
    pltpu.make_async_copy(ep_hbm.at[pl.ds(CH, CH)], eb1, sem1).start()

    nouter = NCH // 2

    def outer(k, _):
        pltpu.make_async_copy(ep_hbm.at[pl.ds(0, CH)], eb0, sem0).wait()
        process(eb0)

        @pl.when(k < nouter - 1)
        def _():
            pltpu.make_async_copy(
                ep_hbm.at[pl.ds((2 * k + 2) * CH, CH)], eb0, sem0).start()

        pltpu.make_async_copy(ep_hbm.at[pl.ds(0, CH)], eb1, sem1).wait()
        process(eb1)

        @pl.when(k < nouter - 1)
        def _():
            pltpu.make_async_copy(
                ep_hbm.at[pl.ds((2 * k + 3) * CH, CH)], eb1, sem1).start()

        return 0

    lax.fori_loop(0, nouter, outer, 0)

    pltpu.sync_copy(u_v, u_hbm.at[pl.ds(wid * FPT * NP, FPT * NP)])

    @pl.when(wid == NTILES - 1)
    def _():
        pltpu.sync_copy(s_v, s_hbm.at[:])


_sc_edge = pl.kernel(
    _sc_edge_body,
    out_type=(jax.ShapeDtypeStruct((H * NP,), _f32),
              jax.ShapeDtypeStruct((NP,), _f32)),
    mesh=plsc.VectorSubcoreMesh(core_axis_name="c", subcore_axis_name="s"),
    scratch_types=[
        pltpu.VMEM((FPT * NP,), _f32),
        pltpu.VMEM((2 * NP,), _f32),
        pltpu.VMEM((16,), _f32),
        pltpu.VMEM((FPT * NP,), _f32),
        pltpu.VMEM((NP,), _f32),
        pltpu.VMEM((CH,), _i32),
        pltpu.VMEM((CH,), _i32),
        pltpu.SemaphoreType.DMA,
        pltpu.SemaphoreType.DMA,
    ],
    compiler_params=pltpu.CompilerParams(needs_layout_passes=False),
)




_bf16 = jnp.bfloat16


def _dotb(a, b, dims):
    return lax.dot_general(a.astype(_bf16), b.astype(_bf16), (dims, ((), ())),
                           preferred_element_type=_f32)

_NB = 2048
_GRID = NP // _NB


def _aa_and_max(nf, wa_ref, aa_ref, mm_ref, j):
    aab = _dotb(wa_ref[...], nf, ((1,), (0,)))
    aa_ref[...] = aab
    cur = jnp.max(aab, axis=1, keepdims=True)

    @pl.when(j == 0)
    def _():
        mm_ref[...] = cur

    @pl.when(j > 0)
    def _():
        mm_ref[...] = jnp.maximum(mm_ref[...], cur)


def _init_body(x_ref, wi_ref, bi_ref, wa_ref, nf_ref, aa_ref, mm_ref):
    j = pl.program_id(0)
    nf = _dotb(wi_ref[...], x_ref[...], ((1,), (1,))) + bi_ref[...]
    lane = j * _NB + lax.broadcasted_iota(_i32, (H, _NB), 1)
    nf = jnp.where(lane < N, nf, 0.0)
    nf_ref[...] = nf
    _aa_and_max(nf, wa_ref, aa_ref, mm_ref, j)


_init_tc = pl.pallas_call(
    _init_body,
    grid=(_GRID,),
    in_specs=[
        pl.BlockSpec((_NB, H), lambda j: (j, 0)),
        pl.BlockSpec((H, H), lambda j: (0, 0)),
        pl.BlockSpec((H, 1), lambda j: (0, 0)),
        pl.BlockSpec((2, H), lambda j: (0, 0)),
    ],
    out_specs=[
        pl.BlockSpec((H, _NB), lambda j: (0, j)),
        pl.BlockSpec((2, _NB), lambda j: (0, j)),
        pl.BlockSpec((2, 1), lambda j: (0, 0)),
    ],
    out_shape=[
        jax.ShapeDtypeStruct((H, NP), _f32),
        jax.ShapeDtypeStruct((2, NP), _f32),
        jax.ShapeDtypeStruct((2, 1), _f32),
    ],
)


def _layer_body(nf_ref, u_ref, s_ref, wll_ref, wlr_ref, wa_ref,
                nfo_ref, aao_ref, mm_ref):
    j = pl.program_id(0)
    agg = u_ref[...] * (1.0 / (s_ref[...] + 1e-30))
    h = (_dotb(wll_ref[...], nf_ref[...], ((1,), (0,)))
         + _dotb(wlr_ref[...], agg, ((1,), (0,))))
    nf2 = jnp.maximum(h, 0.0)
    nfo_ref[...] = nf2
    _aa_and_max(nf2, wa_ref, aao_ref, mm_ref, j)


_layer_tc = pl.pallas_call(
    _layer_body,
    grid=(_GRID,),
    in_specs=[
        pl.BlockSpec((H, _NB), lambda j: (0, j)),
        pl.BlockSpec((H, _NB), lambda j: (0, j)),
        pl.BlockSpec((1, _NB), lambda j: (0, j)),
        pl.BlockSpec((H, H), lambda j: (0, 0)),
        pl.BlockSpec((H, H), lambda j: (0, 0)),
        pl.BlockSpec((2, H), lambda j: (0, 0)),
    ],
    out_specs=[
        pl.BlockSpec((H, _NB), lambda j: (0, j)),
        pl.BlockSpec((2, _NB), lambda j: (0, j)),
        pl.BlockSpec((2, 1), lambda j: (0, 0)),
    ],
    out_shape=[
        jax.ShapeDtypeStruct((H, NP), _f32),
        jax.ShapeDtypeStruct((2, NP), _f32),
        jax.ShapeDtypeStruct((2, 1), _f32),
    ],
)


def _final_body(nf_ref, b_ref, wn1_ref, bn1_ref, gn_ref, betan_ref,
                wn2_ref, bn2_ref, wg1_ref, bg1_ref, gg_ref, betag_ref,
                wg2_ref, bg2_ref, nfo_ref, gfo_ref):
    nf = nf_ref[...]
    bt = b_ref[...]
    gid = lax.broadcasted_iota(_i32, (NG, NP), 0)
    BT = (gid == bt).astype(_f32)

    q = jnp.sum(nf * nf, axis=0, keepdims=True)
    l = q
    a = q
    for _ in range(3):
        masked = jnp.where(BT > 0.0, l, NEG_BIG)
        m = jnp.max(masked, axis=1, keepdims=True)
        m = jnp.where(m > NEG_BIG * 0.5, m, 0.0)
        mn = lax.dot_general(m, BT, (((0,), (0,)), ((), ())),
                             preferred_element_type=_f32, precision=lax.Precision.HIGHEST)
        e = jnp.exp(l - mn)
        sseg = lax.dot_general(BT, e, (((1,), (1,)), ((), ())),
                               preferred_element_type=_f32, precision=lax.Precision.HIGHEST)
        sn = lax.dot_general(sseg, BT, (((0,), (0,)), ((), ())),
                             preferred_element_type=_f32, precision=lax.Precision.HIGHEST)
        a = e / (sn + 1e-16)
        l = a * q

    gfT = lax.dot_general(nf * a, BT, (((1,), (1,)), ((), ())),
                          preferred_element_type=_f32, precision=lax.Precision.HIGHEST)

    vmask = (lax.broadcasted_iota(_i32, (H, NP), 1) < N).astype(_f32)

    z = _dotb(wn1_ref[...], nf, ((1,), (0,))) + bn1_ref[...]
    mu = jnp.sum(z * vmask, axis=1, keepdims=True) * (1.0 / N)
    zc = z - mu
    var = jnp.sum(zc * zc * vmask, axis=1, keepdims=True) * (1.0 / N)
    zh = gn_ref[...] * zc * lax.rsqrt(var + 1e-5) + betan_ref[...]
    r = jnp.maximum(zh, 0.0)
    nfo_ref[...] = _dotb(r, wn2_ref[...], ((0,), (1,))) + bn2_ref[...]

    z2 = _dotb(wg1_ref[...], gfT, ((1,), (0,))) + bg1_ref[...]
    mu2 = jnp.sum(z2, axis=1, keepdims=True) * (1.0 / NG)
    zc2 = z2 - mu2
    var2 = jnp.sum(zc2 * zc2, axis=1, keepdims=True) * (1.0 / NG)
    zh2 = gg_ref[...] * zc2 * lax.rsqrt(var2 + 1e-5) + betag_ref[...]
    r2 = jnp.maximum(zh2, 0.0)
    gfo_ref[...] = _dotb(r2, wg2_ref[...], ((0,), (1,))) + bg2_ref[...]


_final_tc = pl.pallas_call(
    _final_body,
    out_shape=[
        jax.ShapeDtypeStruct((NP, H), _f32),
        jax.ShapeDtypeStruct((NG, NG), _f32),
    ],
)



def kernel(x, edge_index, edge_attr, batch, W_init, b_init, Wl0, Wa0, Wl1,
           Wa1, Wl2, Wa2, Wn1, bn1, gn, betan, Wn2, bn2, Wg1, bg1, gg, betag,
           Wg2, bg2):
    src = edge_index[0].astype(_i32)
    dst = edge_index[1].astype(_i32)
    ep = src * 16384 + dst

    xp = jnp.pad(x, ((0, NP - N), (0, 0)))
    bp = jnp.pad(batch.astype(_i32), (0, NP - N),
                 constant_values=NG).reshape(1, NP)

    nf, aa, mm = _init_tc(xp, W_init, b_init.reshape(H, 1), Wa0.reshape(2, H))

    was = (Wa0.reshape(2, H), Wa1.reshape(2, H), Wa2.reshape(2, H))
    wls = (Wl0, Wl1, Wl2)
    for i in range(3):
        mvec = jnp.broadcast_to(mm[0, 0] + mm[1, 0], (16,))
        u, s = _sc_edge(nf.reshape(H * NP), aa.reshape(2 * NP), mvec, ep)
        wa_next = was[i + 1] if i < 2 else was[0]
        nf, aa, mm = _layer_tc(nf, u.reshape(H, NP), s.reshape(1, NP),
                               wls[i][:, :H], wls[i][:, H:], wa_next)

    nf_o, gf_o = _final_tc(
        nf, bp,
        Wn1, bn1.reshape(H, 1), gn.reshape(H, 1), betan.reshape(H, 1),
        Wn2, bn2.reshape(1, H),
        Wg1, bg1.reshape(H, 1), gg.reshape(H, 1), betag.reshape(H, 1),
        Wg2, bg2.reshape(1, NG))
    return (nf_o[:N], edge_attr, gf_o)

# --- scband reference (transcript-rebuilt; emitter-appended) ---
"""Pipeline reference for scband-deep-gen-u-7310034338077 (READ-ONLY COPY).

The authoritative reference and input builder live on the scoring server;
editing this copy changes nothing except your own understanding.
"""

import jax, jax.numpy as jnp
import numpy as np

N_NODES = 10000
N_EDGES = 320000
D_FEAT = 128
HIDDEN = 128
D_EDGE = 16
NF_OUT = 128
GF_OUT = 64
N_GRAPHS = 64
GNN_DEPTH = 3


def _scatter_softmax(logits, seg, num_segments):
    m = jax.ops.segment_max(logits, seg, num_segments=num_segments)
    m = jnp.where(jnp.isfinite(m), m, 0.0)
    e = jnp.exp(logits - m[seg])
    s = jax.ops.segment_sum(e, seg, num_segments=num_segments)
    return e / (s[seg] + 1e-16)


def _batchnorm(x, gamma, beta, eps=1e-5):
    mu = jnp.mean(x, axis=0, keepdims=True)
    var = jnp.var(x, axis=0, keepdims=True)
    return gamma * (x - mu) / jnp.sqrt(var + eps) + beta


def setup_inputs(seed: int = 0):
    key = jax.random.key(seed)
    ks = jax.random.split(key, 32)
    inp = {}
    inp['x'] = jax.random.normal(ks[0], (N_NODES, D_FEAT), jnp.float32)
    inp['edge_index'] = jax.random.randint(ks[1], (2, N_EDGES), 0, N_NODES, jnp.int32)
    inp['edge_attr'] = jax.random.normal(ks[2], (N_EDGES, D_EDGE), jnp.float32)
    b = jnp.sort(jax.random.randint(ks[3], (N_NODES,), 0, N_GRAPHS, jnp.int32))
    inp['batch'] = b.at[-1].set(N_GRAPHS - 1)

    def lin(k, out_d, in_d):
        return jax.random.normal(k, (out_d, in_d), jnp.float32) / np.sqrt(in_d)

    inp['W_init'] = lin(ks[4], HIDDEN, D_FEAT)
    inp['b_init'] = jnp.zeros((HIDDEN,), jnp.float32)
    for i in range(GNN_DEPTH):
        inp['Wl%d' % i] = lin(ks[5 + 2 * i], HIDDEN, 2 * HIDDEN)
        inp['Wa%d' % i] = lin(ks[6 + 2 * i], 1, 2 * HIDDEN)
    inp['Wn1'] = lin(ks[12], HIDDEN, HIDDEN)
    inp['bn1'] = jnp.zeros((HIDDEN,), jnp.float32)
    inp['gn'] = jnp.ones((HIDDEN,), jnp.float32)
    inp['betan'] = jnp.zeros((HIDDEN,), jnp.float32)
    inp['Wn2'] = lin(ks[13], NF_OUT, HIDDEN)
    inp['bn2'] = jnp.zeros((NF_OUT,), jnp.float32)
    inp['Wg1'] = lin(ks[14], HIDDEN, HIDDEN)
    inp['bg1'] = jnp.zeros((HIDDEN,), jnp.float32)
    inp['gg'] = jnp.ones((HIDDEN,), jnp.float32)
    inp['betag'] = jnp.zeros((HIDDEN,), jnp.float32)
    inp['Wg2'] = lin(ks[15], GF_OUT, HIDDEN)
    inp['bg2'] = jnp.zeros((GF_OUT,), jnp.float32)
    return inp


def reference(x, edge_index, edge_attr, batch, W_init, b_init, Wl0, Wa0, Wl1, Wa1, Wl2, Wa2, Wn1, bn1, gn, betan, Wn2, bn2, Wg1, bg1, gg, betag, Wg2, bg2):
    src, dst = edge_index[0], edge_index[1]
    n = x.shape[0]
    ng = N_GRAPHS
    nf = x @ W_init.T + b_init
    for Wl, Wa in ((Wl0, Wa0), (Wl1, Wa1), (Wl2, Wa2)):
        src_nf = nf[src]
        dst_nf = nf[dst]
        logits = (jnp.concatenate([src_nf, dst_nf], axis=-1) @ Wa.T)[:, 0]
        alpha = _scatter_softmax(logits, dst, n)[:, None]
        agg = jax.ops.segment_sum(alpha * src_nf, dst, num_segments=n)
        nf = jax.nn.relu(jnp.concatenate([nf, agg], axis=-1) @ Wl.T)
    h = nf
    for _ in range(3):
        a = _scatter_softmax(jnp.sum(h * nf, axis=-1), batch, ng)[:, None]
        h = a * nf
    gf = jax.ops.segment_sum(h, batch, num_segments=ng)
    nf_o = jax.nn.relu(_batchnorm(nf @ Wn1.T + bn1, gn, betan)) @ Wn2.T + bn2
    gf_o = jax.nn.relu(_batchnorm(gf @ Wg1.T + bg1, gg, betag)) @ Wg2.T + bg2
    return (nf_o, edge_attr, gf_o)

if __name__ == "__main__":
    import jax
    _d = setup_inputs()
    print(jax.jit(kernel)(*tuple(_d.values())))

</pallas_src>

<mosaic_0001>
#map = affine_map<(d0, d1) -> (0)>
module attributes {stable_mosaic.version = 14 : i64} {
  func.func @_sc_edge_body(%arg0: i32, %arg1: i32, %arg2: memref<1310720xf32, #tpu.memory_space<hbm>>, %arg3: memref<20480xf32, #tpu.memory_space<hbm>>, %arg4: memref<16xf32, #tpu.memory_space<hbm>>, %arg5: memref<320000xi32, #tpu.memory_space<hbm>>, %arg6: memref<1310720xf32, #tpu.memory_space<hbm>>, %arg7: memref<10240xf32, #tpu.memory_space<hbm>>, %arg8: memref<40960xf32, #tpu.memory_space<vmem>>, %arg9: memref<20480xf32, #tpu.memory_space<vmem>>, %arg10: memref<16xf32, #tpu.memory_space<vmem>>, %arg11: memref<40960xf32, #tpu.memory_space<vmem>>, %arg12: memref<10240xf32, #tpu.memory_space<vmem>>, %arg13: memref<3200xi32, #tpu.memory_space<vmem>>, %arg14: memref<3200xi32, #tpu.memory_space<vmem>>, %arg15: memref<!tpu.dma_semaphore, #tpu.memory_space<semaphore_mem>>, %arg16: memref<!tpu.dma_semaphore, #tpu.memory_space<semaphore_mem>>) attributes {dimension_semantics = [#tpu.dimension_semantics<core_parallel>, #tpu.dimension_semantics<subcore_parallel>], iteration_bounds = array<i64: 2, 16>, scalar_prefetch = 0 : i64, scratch_operands = 9 : i64, tpu.core_type = #tpu.core_type<sc_vector_subcore>, window_params = [{transform_indices = #map}, {transform_indices = #map}, {transform_indices = #map}, {transform_indices = #map}, {transform_indices = #map}, {transform_indices = #map}]} {
    %mul3A = arith.constant 2 : i32
    %mul3A_0 = arith.muli %arg1, %mul3A : i32
    %add3A = arith.addi %mul3A_0, %arg0 : i32
    %mul3A_1 = arith.constant 4 : i32
    %mul3A_2 = arith.muli %add3A, %mul3A_1 : i32
    %mul3A_3 = arith.constant 10240 : i32
    %mul3A_4 = arith.muli %mul3A_2, %mul3A_3 : i32
    "tpu.region"() ({
      %run_scoped3A = tpu.sem_alloc : memref<!tpu.dma_semaphore, #tpu.memory_space<semaphore_mem>>
      %dma_start3A_39 = tpu.memref_slice %arg2[%mul3A_4] : memref<1310720xf32, #tpu.memory_space<hbm>> -> memref<40960xf32, #tpu.memory_space<hbm>>
      %dma_start3A_40 = tpu.memref_slice %arg2[%mul3A_4] : memref<1310720xf32, #tpu.memory_space<hbm>> -> memref<40960xf32, #tpu.memory_space<hbm>>
      tpu.enqueue_dma source(%dma_start3A_40 : memref<40960xf32, #tpu.memory_space<hbm>>) target(%arg8 : memref<40960xf32, #tpu.memory_space<vmem>>) target_semaphore(%run_scoped3A : memref<!tpu.dma_semaphore, #tpu.memory_space<semaphore_mem>>)
      %dma_wait3A = tpu.memref_slice %arg2[%mul3A_4] : memref<1310720xf32, #tpu.memory_space<hbm>> -> memref<40960xf32, #tpu.memory_space<hbm>>
      %dma_wait3A_41 = tpu.memref_slice %arg2[%mul3A_4] : memref<1310720xf32, #tpu.memory_space<hbm>> -> memref<40960xf32, #tpu.memory_space<hbm>>
      tpu.wait_dma2 semaphore(%run_scoped3A : memref<!tpu.dma_semaphore, #tpu.memory_space<semaphore_mem>>) src(%dma_wait3A_41 : memref<40960xf32, #tpu.memory_space<hbm>>) dst(%arg8 : memref<40960xf32, #tpu.memory_space<vmem>>)
      tpu.yield
    }) : () -> ()
    "tpu.region"() ({
      %run_scoped3A = tpu.sem_alloc : memref<!tpu.dma_semaphore, #tpu.memory_space<semaphore_mem>>
      %dma_start3A_39 = arith.constant 0 : i32
      %dma_start3A_40 = tpu.memref_slice %arg3[%dma_start3A_39] : memref<20480xf32, #tpu.memory_space<hbm>> -> memref<20480xf32, #tpu.memory_space<hbm>>
      %dma_start3A_41 = arith.constant 0 : i32
      %dma_start3A_42 = tpu.memref_slice %arg3[%dma_start3A_41] : memref<20480xf32, #tpu.memory_space<hbm>> -> memref<20480xf32, #tpu.memory_space<hbm>>
      tpu.enqueue_dma source(%dma_start3A_42 : memref<20480xf32, #tpu.memory_space<hbm>>) target(%arg9 : memref<20480xf32, #tpu.memory_space<vmem>>) target_semaphore(%run_scoped3A : memref<!tpu.dma_semaphore, #tpu.memory_space<semaphore_mem>>)
      %dma_wait3A = arith.constant 0 : i32
      %dma_wait3A_43 = tpu.memref_slice %arg3[%dma_wait3A] : memref<20480xf32, #tpu.memory_space<hbm>> -> memref<20480xf32, #tpu.memory_space<hbm>>
      %dma_wait3A_44 = arith.constant 0 : i32
      %dma_wait3A_45 = tpu.memref_slice %arg3[%dma_wait3A_44] : memref<20480xf32, #tpu.memory_space<hbm>> -> memref<20480xf32, #tpu.memory_space<hbm>>
      tpu.wait_dma2 semaphore(%run_scoped3A : memref<!tpu.dma_semaphore, #tpu.memory_space<semaphore_mem>>) src(%dma_wait3A_45 : memref<20480xf32, #tpu.memory_space<hbm>>) dst(%arg9 : memref<20480xf32, #tpu.memory_space<vmem>>)
      tpu.yield
    }) : () -> ()
    "tpu.region"() ({
      %run_scoped3A = tpu.sem_alloc : memref<!tpu.dma_semaphore, #tpu.memory_space<semaphore_mem>>
      %dma_start3A_39 = arith.constant 0 : i32
      %dma_start3A_40 = tpu.memref_slice %arg4[%dma_start3A_39] : memref<16xf32, #tpu.memory_space<hbm>> -> memref<16xf32, #tpu.memory_space<hbm>>
      %dma_start3A_41 = arith.constant 0 : i32
      %dma_start3A_42 = tpu.memref_slice %arg4[%dma_start3A_41] : memref<16xf32, #tpu.memory_space<hbm>> -> memref<16xf32, #tpu.memory_space<hbm>>
      tpu.enqueue_dma source(%dma_start3A_42 : memref<16xf32, #tpu.memory_space<hbm>>) target(%arg10 : memref<16xf32, #tpu.memory_space<vmem>>) target_semaphore(%run_scoped3A : memref<!tpu.dma_semaphore, #tpu.memory_space<semaphore_mem>>)
      %dma_wait3A = arith.constant 0 : i32
      %dma_wait3A_43 = tpu.memref_slice %arg4[%dma_wait3A] : memref<16xf32, #tpu.memory_space<hbm>> -> memref<16xf32, #tpu.memory_space<hbm>>
      %dma_wait3A_44 = arith.constant 0 : i32
      %dma_wait3A_45 = tpu.memref_slice %arg4[%dma_wait3A_44] : memref<16xf32, #tpu.memory_space<hbm>> -> memref<16xf32, #tpu.memory_space<hbm>>
      tpu.wait_dma2 semaphore(%run_scoped3A : memref<!tpu.dma_semaphore, #tpu.memory_space<semaphore_mem>>) src(%dma_wait3A_45 : memref<16xf32, #tpu.memory_space<hbm>>) dst(%arg10 : memref<16xf32, #tpu.memory_space<vmem>>)
      tpu.yield
    }) : () -> ()
    %get3A = arith.constant 0 : index
    %get3A_5 = tpu.vector_load %arg10[%get3A] {strides = array<i32>} : memref<16xf32, #tpu.memory_space<vmem>>, vector<16xf32>,
    %scan3A = arith.constant 0 : i32
    %scan3A_6 = arith.constant 0 : i32
    %scan3A_7 = arith.constant 2560 : i32
    %scan3A_8 = arith.addi %scan3A_6, %scan3A_7 : i32
    %scan3A_9 = arith.constant 1 : i32
    %scan3A_10 = scf.for %scan3A_39 = %scan3A_6 to %scan3A_8 step %scan3A_9 iter_args(%scan3A_40 = %scan3A) -> (i32)  : i32 {
      %broadcast_in_dim3A = arith.constant 0.000000e+00 : f32
      %broadcast_in_dim3A_41 = vector.broadcast %broadcast_in_dim3A : f32 to vector<16xf32>
      %mul3A_42 = arith.constant 16 : i32
      %mul3A_43 = arith.muli %scan3A_39, %mul3A_42 : i32
      %swap3A = arith.index_cast %mul3A_43 : i32 to index
      %swap3A_44 = tpu.vector_load %arg11[%swap3A] {strides = array<i32>} : memref<40960xf32, #tpu.memory_space<vmem>>, vector<16xf32>,
      tpu.vector_store %arg11[%swap3A], %broadcast_in_dim3A_41 {strides = array<i32>} : memref<40960xf32, #tpu.memory_space<vmem>>, vector<16xf32>,
      %scan3A_45 = arith.constant 0 : i32
      scf.yield %scan3A_45 : i32
    }
    %scan3A_11 = arith.constant 2560 : i32
    %scan3A_12 = arith.constant 0 : i32
    %scan3A_13 = arith.constant 0 : i32
    %scan3A_14 = arith.constant 640 : i32
    %scan3A_15 = arith.addi %scan3A_13, %scan3A_14 : i32
    %scan3A_16 = arith.constant 1 : i32
    %scan3A_17 = scf.for %scan3A_39 = %scan3A_13 to %scan3A_15 step %scan3A_16 iter_args(%scan3A_40 = %scan3A_12) -> (i32)  : i32 {
      %broadcast_in_dim3A = arith.constant 0.000000e+00 : f32
      %broadcast_in_dim3A_41 = vector.broadcast %broadcast_in_dim3A : f32 to vector<16xf32>
      %mul3A_42 = arith.constant 16 : i32
      %mul3A_43 = arith.muli %scan3A_39, %mul3A_42 : i32
      %swap3A = arith.index_cast %mul3A_43 : i32 to index
      %swap3A_44 = tpu.vector_load %arg12[%swap3A] {strides = array<i32>} : memref<10240xf32, #tpu.memory_space<vmem>>, vector<16xf32>,
      tpu.vector_store %arg12[%swap3A], %broadcast_in_dim3A_41 {strides = array<i32>} : memref<10240xf32, #tpu.memory_space<vmem>>, vector<16xf32>,
      %scan3A_45 = arith.constant 0 : i32
      scf.yield %scan3A_45 : i32
    }
    %scan3A_18 = arith.constant 640 : i32
    %dma_start3A = arith.constant 0 : i32
    %dma_start3A_19 = tpu.memref_slice %arg5[%dma_start3A] : memref<320000xi32, #tpu.memory_space<hbm>> -> memref<3200xi32, #tpu.memory_space<hbm>>
    %dma_start3A_20 = arith.constant 0 : i32
    %dma_start3A_21 = tpu.memref_slice %arg5[%dma_start3A_20] : memref<320000xi32, #tpu.memory_space<hbm>> -> memref<3200xi32, #tpu.memory_space<hbm>>
    tpu.enqueue_dma source(%dma_start3A_21 : memref<3200xi32, #tpu.memory_space<hbm>>) target(%arg13 : memref<3200xi32, #tpu.memory_space<vmem>>) target_semaphore(%arg15 : memref<!tpu.dma_semaphore, #tpu.memory_space<semaphore_mem>>)
    %dma_start3A_22 = arith.constant 3200 : i32
    %dma_start3A_23 = tpu.memref_slice %arg5[%dma_start3A_22] : memref<320000xi32, #tpu.memory_space<hbm>> -> memref<3200xi32, #tpu.memory_space<hbm>>
    %dma_start3A_24 = arith.constant 3200 : i32
    %dma_start3A_25 = tpu.memref_slice %arg5[%dma_start3A_24] : memref<320000xi32, #tpu.memory_space<hbm>> -> memref<3200xi32, #tpu.memory_space<hbm>>
    tpu.enqueue_dma source(%dma_start3A_25 : memref<3200xi32, #tpu.memory_space<hbm>>) target(%arg14 : memref<3200xi32, #tpu.memory_space<vmem>>) target_semaphore(%arg16 : memref<!tpu.dma_semaphore, #tpu.memory_space<semaphore_mem>>)
    %scan3A_26 = arith.constant 0 : i32
    %scan3A_27 = arith.constant 0 : i32
    %scan3A_28 = arith.constant 50 : i32
    %scan3A_29 = arith.addi %scan3A_27, %scan3A_28 : i32
    %scan3A_30 = arith.constant 1 : i32
    %scan3A_31 = scf.for %scan3A_39 = %scan3A_27 to %scan3A_29 step %scan3A_30 iter_args(%scan3A_40 = %scan3A_26) -> (i32)  : i32 {
      %dma_wait3A = arith.constant 0 : i32
      %dma_wait3A_41 = tpu.memref_slice %arg5[%dma_wait3A] : memref<320000xi32, #tpu.memory_space<hbm>> -> memref<3200xi32, #tpu.memory_space<hbm>>
      %dma_wait3A_42 = arith.constant 0 : i32
      %dma_wait3A_43 = tpu.memref_slice %arg5[%dma_wait3A_42] : memref<320000xi32, #tpu.memory_space<hbm>> -> memref<3200xi32, #tpu.memory_space<hbm>>
      tpu.wait_dma2 semaphore(%arg15 : memref<!tpu.dma_semaphore, #tpu.memory_space<semaphore_mem>>) src(%dma_wait3A_43 : memref<3200xi32, #tpu.memory_space<hbm>>) dst(%arg13 : memref<3200xi32, #tpu.memory_space<vmem>>)
      %scan3A_44 = arith.constant 0 : i32
      %scan3A_45 = arith.constant 0 : i32
      %scan3A_46 = arith.constant 200 : i32
      %scan3A_47 = arith.addi %scan3A_45, %scan3A_46 : i32
      %scan3A_48 = arith.constant 1 : i32
      %scan3A_49 = scf.for %scan3A_72 = %scan3A_45 to %scan3A_47 step %scan3A_48 iter_args(%scan3A_73 = %scan3A_44) -> (i32)  : i32 {
        %mul3A_74 = arith.constant 16 : i32
        %mul3A_75 = arith.muli %scan3A_72, %mul3A_74 : i32
        %get3A_76 = arith.index_cast %mul3A_75 : i32 to index
        %get3A_77 = tpu.vector_load %arg13[%get3A_76] {strides = array<i32>} : memref<3200xi32, #tpu.memory_space<vmem>>, vector<16xi32>,
        %shift_right_logical3A = arith.constant 14 : i32
        %shift_right_logical3A_78 = vector.broadcast %shift_right_logical3A : i32 to vector<16xi32>
        %shift_right_logical3A_79 = arith.shrui %get3A_77, %shift_right_logical3A_78 : vector<16xi32>
        %and3A = arith.constant 16383 : i32
        %and3A_80 = vector.broadcast %and3A : i32 to vector<16xi32>
        %and3A_81 = arith.andi %get3A_77, %and3A_80 : vector<16xi32>
        %gather3A = tpu.vector_load_idx %arg9[%shift_right_logical3A_79] : memref<20480xf32, #tpu.memory_space<vmem>>[vector<16xi32>], vector<16xf32>,
        %add3A_82 = arith.constant 10240 : i32
        %add3A_83 = vector.broadcast %add3A_82 : i32 to vector<16xi32>
        %add3A_84 = arith.addi %and3A_81, %add3A_83 : vector<16xi32>
        %gather3A_85 = tpu.vector_load_idx %arg9[%add3A_84] : memref<20480xf32, #tpu.memory_space<vmem>>[vector<16xi32>], vector<16xf32>,
        %sub3A = arith.subf %gather3A, %get3A_5 : vector<16xf32>
        %add3A_86 = arith.addf %sub3A, %gather3A_85 : vector<16xf32>
        %exp3A = math.exp %add3A_86 : vector<16xf32>
        %add3A_87 = arith.constant 0 : i32
        %add3A_88 = vector.broadcast %add3A_87 : i32 to vector<16xi32>
        %add3A_89 = arith.addi %shift_right_logical3A_79, %add3A_88 : vector<16xi32>
        %gather3A_90 = tpu.vector_load_idx %arg8[%add3A_89] : memref<40960xf32, #tpu.memory_space<vmem>>[vector<16xi32>], vector<16xf32>,
        %add3A_91 = arith.constant 0 : i32
        %add3A_92 = vector.broadcast %add3A_91 : i32 to vector<16xi32>
        %add3A_93 = arith.addi %and3A_81, %add3A_92 : vector<16xi32>
        %mul3A_94 = arith.mulf %gather3A_90, %exp3A : vector<16xf32>
        tpu.vector_store_idx %arg11[%add3A_93], %mul3A_94 {add = true} : memref<40960xf32, #tpu.memory_space<vmem>>[vector<16xi32>], vector<16xf32>,
        %add3A_95 = arith.constant 10240 : i32
        %add3A_96 = vector.broadcast %add3A_95 : i32 to vector<16xi32>
        %add3A_97 = arith.addi %shift_right_logical3A_79, %add3A_96 : vector<16xi32>
        %gather3A_98 = tpu.vector_load_idx %arg8[%add3A_97] : memref<40960xf32, #tpu.memory_space<vmem>>[vector<16xi32>], vector<16xf32>,
        %add3A_99 = arith.constant 10240 : i32
        %add3A_100 = vector.broadcast %add3A_99 : i32 to vector<16xi32>
        %add3A_101 = arith.addi %and3A_81, %add3A_100 : vector<16xi32>
        %mul3A_102 = arith.mulf %gather3A_98, %exp3A : vector<16xf32>
        tpu.vector_store_idx %arg11[%add3A_101], %mul3A_102 {add = true} : memref<40960xf32, #tpu.memory_space<vmem>>[vector<16xi32>], vector<16xf32>,
        %add3A_103 = arith.constant 20480 : i32
        %add3A_104 = vector.broadcast %add3A_103 : i32 to vector<16xi32>
        %add3A_105 = arith.addi %shift_right_logical3A_79, %add3A_104 : vector<16xi32>
        %gather3A_106 = tpu.vector_load_idx %arg8[%add3A_105] : memref<40960xf32, #tpu.memory_space<vmem>>[vector<16xi32>], vector<16xf32>,
        %add3A_107 = arith.constant 20480 : i32
        %add3A_108 = vector.broadcast %add3A_107 : i32 to vector<16xi32>
        %add3A_109 = arith.addi %and3A_81, %add3A_108 : vector<16xi32>
        %mul3A_110 = arith.mulf %gather3A_106, %exp3A : vector<16xf32>
        tpu.vector_store_idx %arg11[%add3A_109], %mul3A_110 {add = true} : memref<40960xf32, #tpu.memory_space<vmem>>[vector<16xi32>], vector<16xf32>,
        %add3A_111 = arith.constant 30720 : i32
        %add3A_112 = vector.broadcast %add3A_111 : i32 to vector<16xi32>
        %add3A_113 = arith.addi %shift_right_logical3A_79, %add3A_112 : vector<16xi32>
        %gather3A_114 = tpu.vector_load_idx %arg8[%add3A_113] : memref<40960xf32, #tpu.memory_space<vmem>>[vector<16xi32>], vector<16xf32>,
        %add3A_115 = arith.constant 30720 : i32
        %add3A_116 = vector.broadcast %add3A_115 : i32 to vector<16xi32>
        %add3A_117 = arith.addi %and3A_81, %add3A_116 : vector<16xi32>
        %mul3A_118 = arith.mulf %gather3A_114, %exp3A : vector<16xf32>
        tpu.vector_store_idx %arg11[%add3A_117], %mul3A_118 {add = true} : memref<40960xf32, #tpu.memory_space<vmem>>[vector<16xi32>], vector<16xf32>,
        tpu.vector_store_idx %arg12[%and3A_81], %exp3A {add = true} : memref<10240xf32, #tpu.memory_space<vmem>>[vector<16xi32>], vector<16xf32>,
        %scan3A_119 = arith.constant 0 : i32
        scf.yield %scan3A_119 : i32
      }
      %scan3A_50 = arith.constant 200 : i32
      %lt3A = arith.constant 49 : i32
      %lt3A_51 = arith.cmpi slt, %scan3A_39, %lt3A : i32
      %convert_element_type3A_52 = arith.extui %lt3A_51 : i1 to i32
      %cond3A_53 = arith.constant 0 : i32
      %cond3A_54 = arith.cmpi ne, %convert_element_type3A_52, %cond3A_53 : i32
      scf.if %cond3A_54 {
        %mul3A_72 = arith.constant 2 : i32
        %mul3A_73 = arith.muli %mul3A_72, %scan3A_39 : i32
        %add3A_74 = arith.constant 2 : i32
        %add3A_75 = arith.addi %mul3A_73, %add3A_74 : i32
        %mul3A_76 = arith.constant 3200 : i32
        %mul3A_77 = arith.muli %add3A_75, %mul3A_76 : i32
        %dma_start3A_78 = tpu.memref_slice %arg5[%mul3A_77] : memref<320000xi32, #tpu.memory_space<hbm>> -> memref<3200xi32, #tpu.memory_space<hbm>>
        %dma_start3A_79 = tpu.memref_slice %arg5[%mul3A_77] : memref<320000xi32, #tpu.memory_space<hbm>> -> memref<3200xi32, #tpu.memory_space<hbm>>
        tpu.enqueue_dma source(%dma_start3A_79 : memref<3200xi32, #tpu.memory_space<hbm>>) target(%arg13 : memref<3200xi32, #tpu.memory_space<vmem>>) target_semaphore(%arg15 : memref<!tpu.dma_semaphore, #tpu.memory_space<semaphore_mem>>)
      } else {
      }
      %dma_wait3A_55 = arith.constant 0 : i32
      %dma_wait3A_56 = tpu.memref_slice %arg5[%dma_wait3A_55] : memref<320000xi32, #tpu.memory_space<hbm>> -> memref<3200xi32, #tpu.memory_space<hbm>>
      %dma_wait3A_57 = arith.constant 0 : i32
      %dma_wait3A_58 = tpu.memref_slice %arg5[%dma_wait3A_57] : memref<320000xi32, #tpu.memory_space<hbm>> -> memref<3200xi32, #tpu.memory_space<hbm>>
      tpu.wait_dma2 semaphore(%arg16 : memref<!tpu.dma_semaphore, #tpu.memory_space<semaphore_mem>>) src(%dma_wait3A_58 : memref<3200xi32, #tpu.memory_space<hbm>>) dst(%arg14 : memref<3200xi32, #tpu.memory_space<vmem>>)
      %scan3A_59 = arith.constant 0 : i32
      %scan3A_60 = arith.constant 0 : i32
      %scan3A_61 = arith.constant 200 : i32
      %scan3A_62 = arith.addi %scan3A_60, %scan3A_61 : i32
      %scan3A_63 = arith.constant 1 : i32
      %scan3A_64 = scf.for %scan3A_72 = %scan3A_60 to %scan3A_62 step %scan3A_63 iter_args(%scan3A_73 = %scan3A_59) -> (i32)  : i32 {
        %mul3A_74 = arith.constant 16 : i32
        %mul3A_75 = arith.muli %scan3A_72, %mul3A_74 : i32
        %get3A_76 = arith.index_cast %mul3A_75 : i32 to index
        %get3A_77 = tpu.vector_load %arg14[%get3A_76] {strides = array<i32>} : memref<3200xi32, #tpu.memory_space<vmem>>, vector<16xi32>,
        %shift_right_logical3A = arith.constant 14 : i32
        %shift_right_logical3A_78 = vector.broadcast %shift_right_logical3A : i32 to vector<16xi32>
        %shift_right_logical3A_79 = arith.shrui %get3A_77, %shift_right_logical3A_78 : vector<16xi32>
        %and3A = arith.constant 16383 : i32
        %and3A_80 = vector.broadcast %and3A : i32 to vector<16xi32>
        %and3A_81 = arith.andi %get3A_77, %and3A_80 : vector<16xi32>
        %gather3A = tpu.vector_load_idx %arg9[%shift_right_logical3A_79] : memref<20480xf32, #tpu.memory_space<vmem>>[vector<16xi32>], vector<16xf32>,
        %add3A_82 = arith.constant 10240 : i32
        %add3A_83 = vector.broadcast %add3A_82 : i32 to vector<16xi32>
        %add3A_84 = arith.addi %and3A_81, %add3A_83 : vector<16xi32>
        %gather3A_85 = tpu.vector_load_idx %arg9[%add3A_84] : memref<20480xf32, #tpu.memory_space<vmem>>[vector<16xi32>], vector<16xf32>,
        %sub3A = arith.subf %gather3A, %get3A_5 : vector<16xf32>
        %add3A_86 = arith.addf %sub3A, %gather3A_85 : vector<16xf32>
        %exp3A = math.exp %add3A_86 : vector<16xf32>
        %add3A_87 = arith.constant 0 : i32
        %add3A_88 = vector.broadcast %add3A_87 : i32 to vector<16xi32>
        %add3A_89 = arith.addi %shift_right_logical3A_79, %add3A_88 : vector<16xi32>
        %gather3A_90 = tpu.vector_load_idx %arg8[%add3A_89] : memref<40960xf32, #tpu.memory_space<vmem>>[vector<16xi32>], vector<16xf32>,
        %add3A_91 = arith.constant 0 : i32
        %add3A_92 = vector.broadcast %add3A_91 : i32 to vector<16xi32>
        %add3A_93 = arith.addi %and3A_81, %add3A_92 : vector<16xi32>
        %mul3A_94 = arith.mulf %gather3A_90, %exp3A : vector<16xf32>
        tpu.vector_store_idx %arg11[%add3A_93], %mul3A_94 {add = true} : memref<40960xf32, #tpu.memory_space<vmem>>[vector<16xi32>], vector<16xf32>,
        %add3A_95 = arith.constant 10240 : i32
        %add3A_96 = vector.broadcast %add3A_95 : i32 to vector<16xi32>
        %add3A_97 = arith.addi %shift_right_logical3A_79, %add3A_96 : vector<16xi32>
        %gather3A_98 = tpu.vector_load_idx %arg8[%add3A_97] : memref<40960xf32, #tpu.memory_space<vmem>>[vector<16xi32>], vector<16xf32>,
        %add3A_99 = arith.constant 10240 : i32
        %add3A_100 = vector.broadcast %add3A_99 : i32 to vector<16xi32>
        %add3A_101 = arith.addi %and3A_81, %add3A_100 : vector<16xi32>
        %mul3A_102 = arith.mulf %gather3A_98, %exp3A : vector<16xf32>
        tpu.vector_store_idx %arg11[%add3A_101], %mul3A_102 {add = true} : memref<40960xf32, #tpu.memory_space<vmem>>[vector<16xi32>], vector<16xf32>,
        %add3A_103 = arith.constant 20480 : i32
        %add3A_104 = vector.broadcast %add3A_103 : i32 to vector<16xi32>
        %add3A_105 = arith.addi %shift_right_logical3A_79, %add3A_104 : vector<16xi32>
        %gather3A_106 = tpu.vector_load_idx %arg8[%add3A_105] : memref<40960xf32, #tpu.memory_space<vmem>>[vector<16xi32>], vector<16xf32>,
        %add3A_107 = arith.constant 20480 : i32
        %add3A_108 = vector.broadcast %add3A_107 : i32 to vector<16xi32>
        %add3A_109 = arith.addi %and3A_81, %add3A_108 : vector<16xi32>
        %mul3A_110 = arith.mulf %gather3A_106, %exp3A : vector<16xf32>
        tpu.vector_store_idx %arg11[%add3A_109], %mul3A_110 {add = true} : memref<40960xf32, #tpu.memory_space<vmem>>[vector<16xi32>], vector<16xf32>,
        %add3A_111 = arith.constant 30720 : i32
        %add3A_112 = vector.broadcast %add3A_111 : i32 to vector<16xi32>
        %add3A_113 = arith.addi %shift_right_logical3A_79, %add3A_112 : vector<16xi32>
        %gather3A_114 = tpu.vector_load_idx %arg8[%add3A_113] : memref<40960xf32, #tpu.memory_space<vmem>>[vector<16xi32>], vector<16xf32>,
        %add3A_115 = arith.constant 30720 : i32
        %add3A_116 = vector.broadcast %add3A_115 : i32 to vector<16xi32>
        %add3A_117 = arith.addi %and3A_81, %add3A_116 : vector<16xi32>
        %mul3A_118 = arith.mulf %gather3A_114, %exp3A : vector<16xf32>
        tpu.vector_store_idx %arg11[%add3A_117], %mul3A_118 {add = true} : memref<40960xf32, #tpu.memory_space<vmem>>[vector<16xi32>], vector<16xf32>,
        tpu.vector_store_idx %arg12[%and3A_81], %exp3A {add = true} : memref<10240xf32, #tpu.memory_space<vmem>>[vector<16xi32>], vector<16xf32>,
        %scan3A_119 = arith.constant 0 : i32
        scf.yield %scan3A_119 : i32
      }
      %scan3A_65 = arith.constant 200 : i32
      %lt3A_66 = arith.constant 49 : i32
      %lt3A_67 = arith.cmpi slt, %scan3A_39, %lt3A_66 : i32
      %convert_element_type3A_68 = arith.extui %lt3A_67 : i1 to i32
      %cond3A_69 = arith.constant 0 : i32
      %cond3A_70 = arith.cmpi ne, %convert_element_type3A_68, %cond3A_69 : i32
      scf.if %cond3A_70 {
        %mul3A_72 = arith.constant 2 : i32
        %mul3A_73 = arith.muli %mul3A_72, %scan3A_39 : i32
        %add3A_74 = arith.constant 3 : i32
        %add3A_75 = arith.addi %mul3A_73, %add3A_74 : i32
        %mul3A_76 = arith.constant 3200 : i32
        %mul3A_77 = arith.muli %add3A_75, %mul3A_76 : i32
        %dma_start3A_78 = tpu.memref_slice %arg5[%mul3A_77] : memref<320000xi32, #tpu.memory_space<hbm>> -> memref<3200xi32, #tpu.memory_space<hbm>>
        %dma_start3A_79 = tpu.memref_slice %arg5[%mul3A_77] : memref<320000xi32, #tpu.memory_space<hbm>> -> memref<3200xi32, #tpu.memory_space<hbm>>
        tpu.enqueue_dma source(%dma_start3A_79 : memref<3200xi32, #tpu.memory_space<hbm>>) target(%arg14 : memref<3200xi32, #tpu.memory_space<vmem>>) target_semaphore(%arg16 : memref<!tpu.dma_semaphore, #tpu.memory_space<semaphore_mem>>)
      } else {
      }
      %scan3A_71 = arith.constant 0 : i32
      scf.yield %scan3A_71 : i32
    }
    %scan3A_32 = arith.constant 50 : i32
    %mul3A_33 = arith.constant 4 : i32
    %mul3A_34 = arith.muli %add3A, %mul3A_33 : i32
    %mul3A_35 = arith.constant 10240 : i32
    %mul3A_36 = arith.muli %mul3A_34, %mul3A_35 : i32
    "tpu.region"() ({
      %run_scoped3A = tpu.sem_alloc : memref<!tpu.dma_semaphore, #tpu.memory_space<semaphore_mem>>
      %dma_start3A_39 = tpu.memref_slice %arg6[%mul3A_36] : memref<1310720xf32, #tpu.memory_space<hbm>> -> memref<40960xf32, #tpu.memory_space<hbm>>
      %dma_start3A_40 = tpu.memref_slice %arg6[%mul3A_36] : memref<1310720xf32, #tpu.memory_space<hbm>> -> memref<40960xf32, #tpu.memory_space<hbm>>
      tpu.enqueue_dma source(%arg11 : memref<40960xf32, #tpu.memory_space<vmem>>) target(%dma_start3A_40 : memref<40960xf32, #tpu.memory_space<hbm>>) target_semaphore(%run_scoped3A : memref<!tpu.dma_semaphore, #tpu.memory_space<semaphore_mem>>)
      %dma_wait3A = tpu.memref_slice %arg6[%mul3A_36] : memref<1310720xf32, #tpu.memory_space<hbm>> -> memref<40960xf32, #tpu.memory_space<hbm>>
      %dma_wait3A_41 = tpu.memref_slice %arg6[%mul3A_36] : memref<1310720xf32, #tpu.memory_space<hbm>> -> memref<40960xf32, #tpu.memory_space<hbm>>
      tpu.wait_dma2 semaphore(%run_scoped3A : memref<!tpu.dma_semaphore, #tpu.memory_space<semaphore_mem>>) src(%arg11 : memref<40960xf32, #tpu.memory_space<vmem>>) dst(%dma_wait3A_41 : memref<40960xf32, #tpu.memory_space<hbm>>)
      tpu.yield
    }) : () -> ()
    %eq3A = arith.constant 31 : i32
    %eq3A_37 = arith.cmpi eq, %add3A, %eq3A : i32
    %convert_element_type3A = arith.extui %eq3A_37 : i1 to i32
    %cond3A = arith.constant 0 : i32
    %cond3A_38 = arith.cmpi ne, %convert_element_type3A, %cond3A : i32
    scf.if %cond3A_38 {
      "tpu.region"() ({
        %run_scoped3A = tpu.sem_alloc : memref<!tpu.dma_semaphore, #tpu.memory_space<semaphore_mem>>
        %dma_start3A_39 = arith.constant 0 : i32
        %dma_start3A_40 = tpu.memref_slice %arg7[%dma_start3A_39] : memref<10240xf32, #tpu.memory_space<hbm>> -> memref<10240xf32, #tpu.memory_space<hbm>>
        %dma_start3A_41 = arith.constant 0 : i32
        %dma_start3A_42 = tpu.memref_slice %arg7[%dma_start3A_41] : memref<10240xf32, #tpu.memory_space<hbm>> -> memref<10240xf32, #tpu.memory_space<hbm>>
        tpu.enqueue_dma source(%arg12 : memref<10240xf32, #tpu.memory_space<vmem>>) target(%dma_start3A_42 : memref<10240xf32, #tpu.memory_space<hbm>>) target_semaphore(%run_scoped3A : memref<!tpu.dma_semaphore, #tpu.memory_space<semaphore_mem>>)
        %dma_wait3A = arith.constant 0 : i32
        %dma_wait3A_43 = tpu.memref_slice %arg7[%dma_wait3A] : memref<10240xf32, #tpu.memory_space<hbm>> -> memref<10240xf32, #tpu.memory_space<hbm>>
        %dma_wait3A_44 = arith.constant 0 : i32
        %dma_wait3A_45 = tpu.memref_slice %arg7[%dma_wait3A_44] : memref<10240xf32, #tpu.memory_space<hbm>> -> memref<10240xf32, #tpu.memory_space<hbm>>
        tpu.wait_dma2 semaphore(%run_scoped3A : memref<!tpu.dma_semaphore, #tpu.memory_space<semaphore_mem>>) src(%arg12 : memref<10240xf32, #tpu.memory_space<vmem>>) dst(%dma_wait3A_45 : memref<10240xf32, #tpu.memory_space<hbm>>)
        tpu.yield
      }) : () -> ()
    } else {
    }
    return
  }
}

#map = affine_map<(d0, d1) -> (0)>
module attributes {stable_mosaic.version = 14 : i64} {
  func.func @_sc_edge_body(%arg0: i32, %arg1: i32, %arg2: memref<1310720xf32, #tpu.memory_space<hbm>>, %arg3: memref<20480xf32, #tpu.memory_space<hbm>>, %arg4: memref<16xf32, #tpu.memory_space<hbm>>, %arg5: memref<320000xi32, #tpu.memory_space<hbm>>, %arg6: memref<1310720xf32, #tpu.memory_space<hbm>>, %arg7: memref<10240xf32, #tpu.memory_space<hbm>>, %arg8: memref<40960xf32, #tpu.memory_space<vmem>>, %arg9: memref<20480xf32, #tpu.memory_space<vmem>>, %arg10: memref<16xf32, #tpu.memory_space<vmem>>, %arg11: memref<40960xf32, #tpu.memory_space<vmem>>, %arg12: memref<10240xf32, #tpu.memory_space<vmem>>, %arg13: memref<3200xi32, #tpu.memory_space<vmem>>, %arg14: memref<3200xi32, #tpu.memory_space<vmem>>, %arg15: memref<!tpu.dma_semaphore, #tpu.memory_space<semaphore_mem>>, %arg16: memref<!tpu.dma_semaphore, #tpu.memory_space<semaphore_mem>>) attributes {dimension_semantics = [#tpu.dimension_semantics<core_parallel>, #tpu.dimension_semantics<subcore_parallel>], iteration_bounds = array<i64: 2, 16>, scalar_prefetch = 0 : i64, scratch_operands = 9 : i64, tpu.core_type = #tpu.core_type<sc_vector_subcore>, window_params = [{transform_indices = #map}, {transform_indices = #map}, {transform_indices = #map}, {transform_indices = #map}, {transform_indices = #map}, {transform_indices = #map}]} {
    %mul3A = arith.constant 2 : i32
    %mul3A_0 = arith.muli %arg1, %mul3A : i32
    %add3A = arith.addi %mul3A_0, %arg0 : i32
    %mul3A_1 = arith.constant 4 : i32
    %mul3A_2 = arith.muli %add3A, %mul3A_1 : i32
    %mul3A_3 = arith.constant 10240 : i32
    %mul3A_4 = arith.muli %mul3A_2, %mul3A_3 : i32
    "tpu.region"() ({
      %run_scoped3A = tpu.sem_alloc : memref<!tpu.dma_semaphore, #tpu.memory_space<semaphore_mem>>
      %dma_start3A_39 = tpu.memref_slice %arg2[%mul3A_4] : memref<1310720xf32, #tpu.memory_space<hbm>> -> memref<40960xf32, #tpu.memory_space<hbm>>
      %dma_start3A_40 = tpu.memref_slice %arg2[%mul3A_4] : memref<1310720xf32, #tpu.memory_space<hbm>> -> memref<40960xf32, #tpu.memory_space<hbm>>
      tpu.enqueue_dma source(%dma_start3A_40 : memref<40960xf32, #tpu.memory_space<hbm>>) target(%arg8 : memref<40960xf32, #tpu.memory_space<vmem>>) target_semaphore(%run_scoped3A : memref<!tpu.dma_semaphore, #tpu.memory_space<semaphore_mem>>)
      %dma_wait3A = tpu.memref_slice %arg2[%mul3A_4] : memref<1310720xf32, #tpu.memory_space<hbm>> -> memref<40960xf32, #tpu.memory_space<hbm>>
      %dma_wait3A_41 = tpu.memref_slice %arg2[%mul3A_4] : memref<1310720xf32, #tpu.memory_space<hbm>> -> memref<40960xf32, #tpu.memory_space<hbm>>
      tpu.wait_dma2 semaphore(%run_scoped3A : memref<!tpu.dma_semaphore, #tpu.memory_space<semaphore_mem>>) src(%dma_wait3A_41 : memref<40960xf32, #tpu.memory_space<hbm>>) dst(%arg8 : memref<40960xf32, #tpu.memory_space<vmem>>)
      tpu.yield
    }) : () -> ()
    "tpu.region"() ({
      %run_scoped3A = tpu.sem_alloc : memref<!tpu.dma_semaphore, #tpu.memory_space<semaphore_mem>>
      %dma_start3A_39 = arith.constant 0 : i32
      %dma_start3A_40 = tpu.memref_slice %arg3[%dma_start3A_39] : memref<20480xf32, #tpu.memory_space<hbm>> -> memref<20480xf32, #tpu.memory_space<hbm>>
      %dma_start3A_41 = arith.constant 0 : i32
      %dma_start3A_42 = tpu.memref_slice %arg3[%dma_start3A_41] : memref<20480xf32, #tpu.memory_space<hbm>> -> memref<20480xf32, #tpu.memory_space<hbm>>
      tpu.enqueue_dma source(%dma_start3A_42 : memref<20480xf32, #tpu.memory_space<hbm>>) target(%arg9 : memref<20480xf32, #tpu.memory_space<vmem>>) target_semaphore(%run_scoped3A : memref<!tpu.dma_semaphore, #tpu.memory_space<semaphore_mem>>)
      %dma_wait3A = arith.constant 0 : i32
      %dma_wait3A_43 = tpu.memref_slice %arg3[%dma_wait3A] : memref<20480xf32, #tpu.memory_space<hbm>> -> memref<20480xf32, #tpu.memory_space<hbm>>
      %dma_wait3A_44 = arith.constant 0 : i32
      %dma_wait3A_45 = tpu.memref_slice %arg3[%dma_wait3A_44] : memref<20480xf32, #tpu.memory_space<hbm>> -> memref<20480xf32, #tpu.memory_space<hbm>>
      tpu.wait_dma2 semaphore(%run_scoped3A : memref<!tpu.dma_semaphore, #tpu.memory_space<semaphore_mem>>) src(%dma_wait3A_45 : memref<20480xf32, #tpu.memory_space<hbm>>) dst(%arg9 : memref<20480xf32, #tpu.memory_space<vmem>>)
      tpu.yield
    }) : () -> ()
    "tpu.region"() ({
      %run_scoped3A = tpu.sem_alloc : memref<!tpu.dma_semaphore, #tpu.memory_space<semaphore_mem>>
      %dma_start3A_39 = arith.constant 0 : i32
      %dma_start3A_40 = tpu.memref_slice %arg4[%dma_start3A_39] : memref<16xf32, #tpu.memory_space<hbm>> -> memref<16xf32, #tpu.memory_space<hbm>>
      %dma_start3A_41 = arith.constant 0 : i32
      %dma_start3A_42 = tpu.memref_slice %arg4[%dma_start3A_41] : memref<16xf32, #tpu.memory_space<hbm>> -> memref<16xf32, #tpu.memory_space<hbm>>
      tpu.enqueue_dma source(%dma_start3A_42 : memref<16xf32, #tpu.memory_space<hbm>>) target(%arg10 : memref<16xf32, #tpu.memory_space<vmem>>) target_semaphore(%run_scoped3A : memref<!tpu.dma_semaphore, #tpu.memory_space<semaphore_mem>>)
      %dma_wait3A = arith.constant 0 : i32
      %dma_wait3A_43 = tpu.memref_slice %arg4[%dma_wait3A] : memref<16xf32, #tpu.memory_space<hbm>> -> memref<16xf32, #tpu.memory_space<hbm>>
      %dma_wait3A_44 = arith.constant 0 : i32
      %dma_wait3A_45 = tpu.memref_slice %arg4[%dma_wait3A_44] : memref<16xf32, #tpu.memory_space<hbm>> -> memref<16xf32, #tpu.memory_space<hbm>>
      tpu.wait_dma2 semaphore(%run_scoped3A : memref<!tpu.dma_semaphore, #tpu.memory_space<semaphore_mem>>) src(%dma_wait3A_45 : memref<16xf32, #tpu.memory_space<hbm>>) dst(%arg10 : memref<16xf32, #tpu.memory_space<vmem>>)
      tpu.yield
    }) : () -> ()
    %get3A = arith.constant 0 : index
    %get3A_5 = tpu.vector_load %arg10[%get3A] {strides = array<i32>} : memref<16xf32, #tpu.memory_space<vmem>>, vector<16xf32>,
    %scan3A = arith.constant 0 : i32
    %scan3A_6 = arith.constant 0 : i32
    %scan3A_7 = arith.constant 2560 : i32
    %scan3A_8 = arith.addi %scan3A_6, %scan3A_7 : i32
    %scan3A_9 = arith.constant 1 : i32
    %scan3A_10 = scf.for %scan3A_39 = %scan3A_6 to %scan3A_8 step %scan3A_9 iter_args(%scan3A_40 = %scan3A) -> (i32)  : i32 {
      %broadcast_in_dim3A = arith.constant 0.000000e+00 : f32
      %broadcast_in_dim3A_41 = vector.broadcast %broadcast_in_dim3A : f32 to vector<16xf32>
      %mul3A_42 = arith.constant 16 : i32
      %mul3A_43 = arith.muli %scan3A_39, %mul3A_42 : i32
      %swap3A = arith.index_cast %mul3A_43 : i32 to index
      %swap3A_44 = tpu.vector_load %arg11[%swap3A] {strides = array<i32>} : memref<40960xf32, #tpu.memory_space<vmem>>, vector<16xf32>,
      tpu.vector_store %arg11[%swap3A], %broadcast_in_dim3A_41 {strides = array<i32>} : memref<40960xf32, #tpu.memory_space<vmem>>, vector<16xf32>,
      %scan3A_45 = arith.constant 0 : i32
      scf.yield %scan3A_45 : i32
    }
    %scan3A_11 = arith.constant 2560 : i32
    %scan3A_12 = arith.constant 0 : i32
    %scan3A_13 = arith.constant 0 : i32
    %scan3A_14 = arith.constant 640 : i32
    %scan3A_15 = arith.addi %scan3A_13, %scan3A_14 : i32
    %scan3A_16 = arith.constant 1 : i32
    %scan3A_17 = scf.for %scan3A_39 = %scan3A_13 to %scan3A_15 step %scan3A_16 iter_args(%scan3A_40 = %scan3A_12) -> (i32)  : i32 {
      %broadcast_in_dim3A = arith.constant 0.000000e+00 : f32
      %broadcast_in_dim3A_41 = vector.broadcast %broadcast_in_dim3A : f32 to vector<16xf32>
      %mul3A_42 = arith.constant 16 : i32
      %mul3A_43 = arith.muli %scan3A_39, %mul3A_42 : i32
      %swap3A = arith.index_cast %mul3A_43 : i32 to index
      %swap3A_44 = tpu.vector_load %arg12[%swap3A] {strides = array<i32>} : memref<10240xf32, #tpu.memory_space<vmem>>, vector<16xf32>,
      tpu.vector_store %arg12[%swap3A], %broadcast_in_dim3A_41 {strides = array<i32>} : memref<10240xf32, #tpu.memory_space<vmem>>, vector<16xf32>,
      %scan3A_45 = arith.constant 0 : i32
      scf.yield %scan3A_45 : i32
    }
    %scan3A_18 = arith.constant 640 : i32
    %dma_start3A = arith.constant 0 : i32
    %dma_start3A_19 = tpu.memref_slice %arg5[%dma_start3A] : memref<320000xi32, #tpu.memory_space<hbm>> -> memref<3200xi32, #tpu.memory_space<hbm>>
    %dma_start3A_20 = arith.constant 0 : i32
    %dma_start3A_21 = tpu.memref_slice %arg5[%dma_start3A_20] : memref<320000xi32, #tpu.memory_space<hbm>> -> memref<3200xi32, #tpu.memory_space<hbm>>
    tpu.enqueue_dma source(%dma_start3A_21 : memref<3200xi32, #tpu.memory_space<hbm>>) target(%arg13 : memref<3200xi32, #tpu.memory_space<vmem>>) target_semaphore(%arg15 : memref<!tpu.dma_semaphore, #tpu.memory_space<semaphore_mem>>)
    %dma_start3A_22 = arith.constant 3200 : i32
    %dma_start3A_23 = tpu.memref_slice %arg5[%dma_start3A_22] : memref<320000xi32, #tpu.memory_space<hbm>> -> memref<3200xi32, #tpu.memory_space<hbm>>
    %dma_start3A_24 = arith.constant 3200 : i32
    %dma_start3A_25 = tpu.memref_slice %arg5[%dma_start3A_24] : memref<320000xi32, #tpu.memory_space<hbm>> -> memref<3200xi32, #tpu.memory_space<hbm>>
    tpu.enqueue_dma source(%dma_start3A_25 : memref<3200xi32, #tpu.memory_space<hbm>>) target(%arg14 : memref<3200xi32, #tpu.memory_space<vmem>>) target_semaphore(%arg16 : memref<!tpu.dma_semaphore, #tpu.memory_space<semaphore_mem>>)
    %scan3A_26 = arith.constant 0 : i32
    %scan3A_27 = arith.constant 0 : i32
    %scan3A_28 = arith.constant 50 : i32
    %scan3A_29 = arith.addi %scan3A_27, %scan3A_28 : i32
    %scan3A_30 = arith.constant 1 : i32
    %scan3A_31 = scf.for %scan3A_39 = %scan3A_27 to %scan3A_29 step %scan3A_30 iter_args(%scan3A_40 = %scan3A_26) -> (i32)  : i32 {
      %dma_wait3A = arith.constant 0 : i32
      %dma_wait3A_41 = tpu.memref_slice %arg5[%dma_wait3A] : memref<320000xi32, #tpu.memory_space<hbm>> -> memref<3200xi32, #tpu.memory_space<hbm>>
      %dma_wait3A_42 = arith.constant 0 : i32
      %dma_wait3A_43 = tpu.memref_slice %arg5[%dma_wait3A_42] : memref<320000xi32, #tpu.memory_space<hbm>> -> memref<3200xi32, #tpu.memory_space<hbm>>
      tpu.wait_dma2 semaphore(%arg15 : memref<!tpu.dma_semaphore, #tpu.memory_space<semaphore_mem>>) src(%dma_wait3A_43 : memref<3200xi32, #tpu.memory_space<hbm>>) dst(%arg13 : memref<3200xi32, #tpu.memory_space<vmem>>)
      %scan3A_44 = arith.constant 0 : i32
      %scan3A_45 = arith.constant 0 : i32
      %scan3A_46 = arith.constant 200 : i32
      %scan3A_47 = arith.addi %scan3A_45, %scan3A_46 : i32
      %scan3A_48 = arith.constant 1 : i32
      %scan3A_49 = scf.for %scan3A_72 = %scan3A_45 to %scan3A_47 step %scan3A_48 iter_args(%scan3A_73 = %scan3A_44) -> (i32)  : i32 {
        %mul3A_74 = arith.constant 16 : i32
        %mul3A_75 = arith.muli %scan3A_72, %mul3A_74 : i32
        %get3A_76 = arith.index_cast %mul3A_75 : i32 to index
        %get3A_77 = tpu.vector_load %arg13[%get3A_76] {strides = array<i32>} : memref<3200xi32, #tpu.memory_space<vmem>>, vector<16xi32>,
        %shift_right_logical3A = arith.constant 14 : i32
        %shift_right_logical3A_78 = vector.broadcast %shift_right_logical3A : i32 to vector<16xi32>
        %shift_right_logical3A_79 = arith.shrui %get3A_77, %shift_right_logical3A_78 : vector<16xi32>
        %and3A = arith.constant 16383 : i32
        %and3A_80 = vector.broadcast %and3A : i32 to vector<16xi32>
        %and3A_81 = arith.andi %get3A_77, %and3A_80 : vector<16xi32>
        %gather3A = tpu.vector_load_idx %arg9[%shift_right_logical3A_79] : memref<20480xf32, #tpu.memory_space<vmem>>[vector<16xi32>], vector<16xf32>,
        %add3A_82 = arith.constant 10240 : i32
        %add3A_83 = vector.broadcast %add3A_82 : i32 to vector<16xi32>
        %add3A_84 = arith.addi %and3A_81, %add3A_83 : vector<16xi32>
        %gather3A_85 = tpu.vector_load_idx %arg9[%add3A_84] : memref<20480xf32, #tpu.memory_space<vmem>>[vector<16xi32>], vector<16xf32>,
        %sub3A = arith.subf %gather3A, %get3A_5 : vector<16xf32>
        %add3A_86 = arith.addf %sub3A, %gather3A_85 : vector<16xf32>
        %exp3A = math.exp %add3A_86 : vector<16xf32>
        %add3A_87 = arith.constant 0 : i32
        %add3A_88 = vector.broadcast %add3A_87 : i32 to vector<16xi32>
        %add3A_89 = arith.addi %shift_right_logical3A_79, %add3A_88 : vector<16xi32>
        %gather3A_90 = tpu.vector_load_idx %arg8[%add3A_89] : memref<40960xf32, #tpu.memory_space<vmem>>[vector<16xi32>], vector<16xf32>,
        %add3A_91 = arith.constant 0 : i32
        %add3A_92 = vector.broadcast %add3A_91 : i32 to vector<16xi32>
        %add3A_93 = arith.addi %and3A_81, %add3A_92 : vector<16xi32>
        %mul3A_94 = arith.mulf %gather3A_90, %exp3A : vector<16xf32>
        tpu.vector_store_idx %arg11[%add3A_93], %mul3A_94 {add = true} : memref<40960xf32, #tpu.memory_space<vmem>>[vector<16xi32>], vector<16xf32>,
        %add3A_95 = arith.constant 10240 : i32
        %add3A_96 = vector.broadcast %add3A_95 : i32 to vector<16xi32>
        %add3A_97 = arith.addi %shift_right_logical3A_79, %add3A_96 : vector<16xi32>
        %gather3A_98 = tpu.vector_load_idx %arg8[%add3A_97] : memref<40960xf32, #tpu.memory_space<vmem>>[vector<16xi32>], vector<16xf32>,
        %add3A_99 = arith.constant 10240 : i32
        %add3A_100 = vector.broadcast %add3A_99 : i32 to vector<16xi32>
        %add3A_101 = arith.addi %and3A_81, %add3A_100 : vector<16xi32>
        %mul3A_102 = arith.mulf %gather3A_98, %exp3A : vector<16xf32>
        tpu.vector_store_idx %arg11[%add3A_101], %mul3A_102 {add = true} : memref<40960xf32, #tpu.memory_space<vmem>>[vector<16xi32>], vector<16xf32>,
        %add3A_103 = arith.constant 20480 : i32
        %add3A_104 = vector.broadcast %add3A_103 : i32 to vector<16xi32>
        %add3A_105 = arith.addi %shift_right_logical3A_79, %add3A_104 : vector<16xi32>
        %gather3A_106 = tpu.vector_load_idx %arg8[%add3A_105] : memref<40960xf32, #tpu.memory_space<vmem>>[vector<16xi32>], vector<16xf32>,
        %add3A_107 = arith.constant 20480 : i32
        %add3A_108 = vector.broadcast %add3A_107 : i32 to vector<16xi32>
        %add3A_109 = arith.addi %and3A_81, %add3A_108 : vector<16xi32>
        %mul3A_110 = arith.mulf %gather3A_106, %exp3A : vector<16xf32>
        tpu.vector_store_idx %arg11[%add3A_109], %mul3A_110 {add = true} : memref<40960xf32, #tpu.memory_space<vmem>>[vector<16xi32>], vector<16xf32>,
        %add3A_111 = arith.constant 30720 : i32
        %add3A_112 = vector.broadcast %add3A_111 : i32 to vector<16xi32>
        %add3A_113 = arith.addi %shift_right_logical3A_79, %add3A_112 : vector<16xi32>
        %gather3A_114 = tpu.vector_load_idx %arg8[%add3A_113] : memref<40960xf32, #tpu.memory_space<vmem>>[vector<16xi32>], vector<16xf32>,
        %add3A_115 = arith.constant 30720 : i32
        %add3A_116 = vector.broadcast %add3A_115 : i32 to vector<16xi32>
        %add3A_117 = arith.addi %and3A_81, %add3A_116 : vector<16xi32>
        %mul3A_118 = arith.mulf %gather3A_114, %exp3A : vector<16xf32>
        tpu.vector_store_idx %arg11[%add3A_117], %mul3A_118 {add = true} : memref<40960xf32, #tpu.memory_space<vmem>>[vector<16xi32>], vector<16xf32>,
        tpu.vector_store_idx %arg12[%and3A_81], %exp3A {add = true} : memref<10240xf32, #tpu.memory_space<vmem>>[vector<16xi32>], vector<16xf32>,
        %scan3A_119 = arith.constant 0 : i32
        scf.yield %scan3A_119 : i32
      }
      %scan3A_50 = arith.constant 200 : i32
      %lt3A = arith.constant 49 : i32
      %lt3A_51 = arith.cmpi slt, %scan3A_39, %lt3A : i32
      %convert_element_type3A_52 = arith.extui %lt3A_51 : i1 to i32
      %cond3A_53 = arith.constant 0 : i32
      %cond3A_54 = arith.cmpi ne, %convert_element_type3A_52, %cond3A_53 : i32
      scf.if %cond3A_54 {
        %mul3A_72 = arith.constant 2 : i32
        %mul3A_73 = arith.muli %mul3A_72, %scan3A_39 : i32
        %add3A_74 = arith.constant 2 : i32
        %add3A_75 = arith.addi %mul3A_73, %add3A_74 : i32
        %mul3A_76 = arith.constant 3200 : i32
        %mul3A_77 = arith.muli %add3A_75, %mul3A_76 : i32
        %dma_start3A_78 = tpu.memref_slice %arg5[%mul3A_77] : memref<320000xi32, #tpu.memory_space<hbm>> -> memref<3200xi32, #tpu.memory_space<hbm>>
        %dma_start3A_79 = tpu.memref_slice %arg5[%mul3A_77] : memref<320000xi32, #tpu.memory_space<hbm>> -> memref<3200xi32, #tpu.memory_space<hbm>>
        tpu.enqueue_dma source(%dma_start3A_79 : memref<3200xi32, #tpu.memory_space<hbm>>) target(%arg13 : memref<3200xi32, #tpu.memory_space<vmem>>) target_semaphore(%arg15 : memref<!tpu.dma_semaphore, #tpu.memory_space<semaphore_mem>>)
      } else {
      }
      %dma_wait3A_55 = arith.constant 0 : i32
      %dma_wait3A_56 = tpu.memref_slice %arg5[%dma_wait3A_55] : memref<320000xi32, #tpu.memory_space<hbm>> -> memref<3200xi32, #tpu.memory_space<hbm>>
      %dma_wait3A_57 = arith.constant 0 : i32
      %dma_wait3A_58 = tpu.memref_slice %arg5[%dma_wait3A_57] : memref<320000xi32, #tpu.memory_space<hbm>> -> memref<3200xi32, #tpu.memory_space<hbm>>
      tpu.wait_dma2 semaphore(%arg16 : memref<!tpu.dma_semaphore, #tpu.memory_space<semaphore_mem>>) src(%dma_wait3A_58 : memref<3200xi32, #tpu.memory_space<hbm>>) dst(%arg14 : memref<3200xi32, #tpu.memory_space<vmem>>)
      %scan3A_59 = arith.constant 0 : i32
      %scan3A_60 = arith.constant 0 : i32
      %scan3A_61 = arith.constant 200 : i32
      %scan3A_62 = arith.addi %scan3A_60, %scan3A_61 : i32
      %scan3A_63 = arith.constant 1 : i32
      %scan3A_64 = scf.for %scan3A_72 = %scan3A_60 to %scan3A_62 step %scan3A_63 iter_args(%scan3A_73 = %scan3A_59) -> (i32)  : i32 {
        %mul3A_74 = arith.constant 16 : i32
        %mul3A_75 = arith.muli %scan3A_72, %mul3A_74 : i32
        %get3A_76 = arith.index_cast %mul3A_75 : i32 to index
        %get3A_77 = tpu.vector_load %arg14[%get3A_76] {strides = array<i32>} : memref<3200xi32, #tpu.memory_space<vmem>>, vector<16xi32>,
        %shift_right_logical3A = arith.constant 14 : i32
        %shift_right_logical3A_78 = vector.broadcast %shift_right_logical3A : i32 to vector<16xi32>
        %shift_right_logical3A_79 = arith.shrui %get3A_77, %shift_right_logical3A_78 : vector<16xi32>
        %and3A = arith.constant 16383 : i32
        %and3A_80 = vector.broadcast %and3A : i32 to vector<16xi32>
        %and3A_81 = arith.andi %get3A_77, %and3A_80 : vector<16xi32>
        %gather3A = tpu.vector_load_idx %arg9[%shift_right_logical3A_79] : memref<20480xf32, #tpu.memory_space<vmem>>[vector<16xi32>], vector<16xf32>,
        %add3A_82 = arith.constant 10240 : i32
        %add3A_83 = vector.broadcast %add3A_82 : i32 to vector<16xi32>
        %add3A_84 = arith.addi %and3A_81, %add3A_83 : vector<16xi32>
        %gather3A_85 = tpu.vector_load_idx %arg9[%add3A_84] : memref<20480xf32, #tpu.memory_space<vmem>>[vector<16xi32>], vector<16xf32>,
        %sub3A = arith.subf %gather3A, %get3A_5 : vector<16xf32>
        %add3A_86 = arith.addf %sub3A, %gather3A_85 : vector<16xf32>
        %exp3A = math.exp %add3A_86 : vector<16xf32>
        %add3A_87 = arith.constant 0 : i32
        %add3A_88 = vector.broadcast %add3A_87 : i32 to vector<16xi32>
        %add3A_89 = arith.addi %shift_right_logical3A_79, %add3A_88 : vector<16xi32>
        %gather3A_90 = tpu.vector_load_idx %arg8[%add3A_89] : memref<40960xf32, #tpu.memory_space<vmem>>[vector<16xi32>], vector<16xf32>,
        %add3A_91 = arith.constant 0 : i32
        %add3A_92 = vector.broadcast %add3A_91 : i32 to vector<16xi32>
        %add3A_93 = arith.addi %and3A_81, %add3A_92 : vector<16xi32>
        %mul3A_94 = arith.mulf %gather3A_90, %exp3A : vector<16xf32>
        tpu.vector_store_idx %arg11[%add3A_93], %mul3A_94 {add = true} : memref<40960xf32, #tpu.memory_space<vmem>>[vector<16xi32>], vector<16xf32>,
        %add3A_95 = arith.constant 10240 : i32
        %add3A_96 = vector.broadcast %add3A_95 : i32 to vector<16xi32>
        %add3A_97 = arith.addi %shift_right_logical3A_79, %add3A_96 : vector<16xi32>
        %gather3A_98 = tpu.vector_load_idx %arg8[%add3A_97] : memref<40960xf32, #tpu.memory_space<vmem>>[vector<16xi32>], vector<16xf32>,
        %add3A_99 = arith.constant 10240 : i32
        %add3A_100 = vector.broadcast %add3A_99 : i32 to vector<16xi32>
        %add3A_101 = arith.addi %and3A_81, %add3A_100 : vector<16xi32>
        %mul3A_102 = arith.mulf %gather3A_98, %exp3A : vector<16xf32>
        tpu.vector_store_idx %arg11[%add3A_101], %mul3A_102 {add = true} : memref<40960xf32, #tpu.memory_space<vmem>>[vector<16xi32>], vector<16xf32>,
        %add3A_103 = arith.constant 20480 : i32
        %add3A_104 = vector.broadcast %add3A_103 : i32 to vector<16xi32>
        %add3A_105 = arith.addi %shift_right_logical3A_79, %add3A_104 : vector<16xi32>
        %gather3A_106 = tpu.vector_load_idx %arg8[%add3A_105] : memref<40960xf32, #tpu.memory_space<vmem>>[vector<16xi32>], vector<16xf32>,
        %add3A_107 = arith.constant 20480 : i32
        %add3A_108 = vector.broadcast %add3A_107 : i32 to vector<16xi32>
        %add3A_109 = arith.addi %and3A_81, %add3A_108 : vector<16xi32>
        %mul3A_110 = arith.mulf %gather3A_106, %exp3A : vector<16xf32>
        tpu.vector_store_idx %arg11[%add3A_109], %mul3A_110 {add = true} : memref<40960xf32, #tpu.memory_space<vmem>>[vector<16xi32>], vector<16xf32>,
        %add3A_111 = arith.constant 30720 : i32
        %add3A_112 = vector.broadcast %add3A_111 : i32 to vector<16xi32>
        %add3A_113 = arith.addi %shift_right_logical3A_79, %add3A_112 : vector<16xi32>
        %gather3A_114 = tpu.vector_load_idx %arg8[%add3A_113] : memref<40960xf32, #tpu.memory_space<vmem>>[vector<16xi32>], vector<16xf32>,
        %add3A_115 = arith.constant 30720 : i32
        %add3A_116 = vector.broadcast %add3A_115 : i32 to vector<16xi32>
        %add3A_117 = arith.addi %and3A_81, %add3A_116 : vector<16xi32>
        %mul3A_118 = arith.mulf %gather3A_114, %exp3A : vector<16xf32>
        tpu.vector_store_idx %arg11[%add3A_117], %mul3A_118 {add = true} : memref<40960xf32, #tpu.memory_space<vmem>>[vector<16xi32>], vector<16xf32>,
        tpu.vector_store_idx %arg12[%and3A_81], %exp3A {add = true} : memref<10240xf32, #tpu.memory_space<vmem>>[vector<16xi32>], vector<16xf32>,
        %scan3A_119 = arith.constant 0 : i32
        scf.yield %scan3A_119 : i32
      }
      %scan3A_65 = arith.constant 200 : i32
      %lt3A_66 = arith.constant 49 : i32
      %lt3A_67 = arith.cmpi slt, %scan3A_39, %lt3A_66 : i32
      %convert_element_type3A_68 = arith.extui %lt3A_67 : i1 to i32
      %cond3A_69 = arith.constant 0 : i32
      %cond3A_70 = arith.cmpi ne, %convert_element_type3A_68, %cond3A_69 : i32
      scf.if %cond3A_70 {
        %mul3A_72 = arith.constant 2 : i32
        %mul3A_73 = arith.muli %mul3A_72, %scan3A_39 : i32
        %add3A_74 = arith.constant 3 : i32
        %add3A_75 = arith.addi %mul3A_73, %add3A_74 : i32
        %mul3A_76 = arith.constant 3200 : i32
        %mul3A_77 = arith.muli %add3A_75, %mul3A_76 : i32
        %dma_start3A_78 = tpu.memref_slice %arg5[%mul3A_77] : memref<320000xi32, #tpu.memory_space<hbm>> -> memref<3200xi32, #tpu.memory_space<hbm>>
        %dma_start3A_79 = tpu.memref_slice %arg5[%mul3A_77] : memref<320000xi32, #tpu.memory_space<hbm>> -> memref<3200xi32, #tpu.memory_space<hbm>>
        tpu.enqueue_dma source(%dma_start3A_79 : memref<3200xi32, #tpu.memory_space<hbm>>) target(%arg14 : memref<3200xi32, #tpu.memory_space<vmem>>) target_semaphore(%arg16 : memref<!tpu.dma_semaphore, #tpu.memory_space<semaphore_mem>>)
      } else {
      }
      %scan3A_71 = arith.constant 0 : i32
      scf.yield %scan3A_71 : i32
    }
    %scan3A_32 = arith.constant 50 : i32
    %mul3A_33 = arith.constant 4 : i32
    %mul3A_34 = arith.muli %add3A, %mul3A_33 : i32
    %mul3A_35 = arith.constant 10240 : i32
    %mul3A_36 = arith.muli %mul3A_34, %mul3A_35 : i32
    "tpu.region"() ({
      %run_scoped3A = tpu.sem_alloc : memref<!tpu.dma_semaphore, #tpu.memory_space<semaphore_mem>>
      %dma_start3A_39 = tpu.memref_slice %arg6[%mul3A_36] : memref<1310720xf32, #tpu.memory_space<hbm>> -> memref<40960xf32, #tpu.memory_space<hbm>>
      %dma_start3A_40 = tpu.memref_slice %arg6[%mul3A_36] : memref<1310720xf32, #tpu.memory_space<hbm>> -> memref<40960xf32, #tpu.memory_space<hbm>>
      tpu.enqueue_dma source(%arg11 : memref<40960xf32, #tpu.memory_space<vmem>>) target(%dma_start3A_40 : memref<40960xf32, #tpu.memory_space<hbm>>) target_semaphore(%run_scoped3A : memref<!tpu.dma_semaphore, #tpu.memory_space<semaphore_mem>>)
      %dma_wait3A = tpu.memref_slice %arg6[%mul3A_36] : memref<1310720xf32, #tpu.memory_space<hbm>> -> memref<40960xf32, #tpu.memory_space<hbm>>
      %dma_wait3A_41 = tpu.memref_slice %arg6[%mul3A_36] : memref<1310720xf32, #tpu.memory_space<hbm>> -> memref<40960xf32, #tpu.memory_space<hbm>>
      tpu.wait_dma2 semaphore(%run_scoped3A : memref<!tpu.dma_semaphore, #tpu.memory_space<semaphore_mem>>) src(%arg11 : memref<40960xf32, #tpu.memory_space<vmem>>) dst(%dma_wait3A_41 : memref<40960xf32, #tpu.memory_space<hbm>>)
      tpu.yield
    }) : () -> ()
    %eq3A = arith.constant 31 : i32
    %eq3A_37 = arith.cmpi eq, %add3A, %eq3A : i32
    %convert_element_type3A = arith.extui %eq3A_37 : i1 to i32
    %cond3A = arith.constant 0 : i32
    %cond3A_38 = arith.cmpi ne, %convert_element_type3A, %cond3A : i32
    scf.if %cond3A_38 {
      "tpu.region"() ({
        %run_scoped3A = tpu.sem_alloc : memref<!tpu.dma_semaphore, #tpu.memory_space<semaphore_mem>>
        %dma_start3A_39 = arith.constant 0 : i32
        %dma_start3A_40 = tpu.memref_slice %arg7[%dma_start3A_39] : memref<10240xf32, #tpu.memory_space<hbm>> -> memref<10240xf32, #tpu.memory_space<hbm>>
        %dma_start3A_41 = arith.constant 0 : i32
        %dma_start3A_42 = tpu.memref_slice %arg7[%dma_start3A_41] : memref<10240xf32, #tpu.memory_space<hbm>> -> memref<10240xf32, #tpu.memory_space<hbm>>
        tpu.enqueue_dma source(%arg12 : memref<10240xf32, #tpu.memory_space<vmem>>) target(%dma_start3A_42 : memref<10240xf32, #tpu.memory_space<hbm>>) target_semaphore(%run_scoped3A : memref<!tpu.dma_semaphore, #tpu.memory_space<semaphore_mem>>)
        %dma_wait3A = arith.constant 0 : i32
        %dma_wait3A_43 = tpu.memref_slice %arg7[%dma_wait3A] : memref<10240xf32, #tpu.memory_space<hbm>> -> memref<10240xf32, #tpu.memory_space<hbm>>
        %dma_wait3A_44 = arith.constant 0 : i32
        %dma_wait3A_45 = tpu.memref_slice %arg7[%dma_wait3A_44] : memref<10240xf32, #tpu.memory_space<hbm>> -> memref<10240xf32, #tpu.memory_space<hbm>>
        tpu.wait_dma2 semaphore(%run_scoped3A : memref<!tpu.dma_semaphore, #tpu.memory_space<semaphore_mem>>) src(%arg12 : memref<10240xf32, #tpu.memory_space<vmem>>) dst(%dma_wait3A_45 : memref<10240xf32, #tpu.memory_space<hbm>>)
        tpu.yield
      }) : () -> ()
    } else {
    }
    return
  }
}

#map = affine_map<(d0, d1) -> (0)>
module attributes {stable_mosaic.version = 14 : i64} {
  func.func @_sc_edge_body(%arg0: i32, %arg1: i32, %arg2: memref<1310720xf32, #tpu.memory_space<hbm>>, %arg3: memref<20480xf32, #tpu.memory_space<hbm>>, %arg4: memref<16xf32, #tpu.memory_space<hbm>>, %arg5: memref<320000xi32, #tpu.memory_space<hbm>>, %arg6: memref<1310720xf32, #tpu.memory_space<hbm>>, %arg7: memref<10240xf32, #tpu.memory_space<hbm>>, %arg8: memref<40960xf32, #tpu.memory_space<vmem>>, %arg9: memref<20480xf32, #tpu.memory_space<vmem>>, %arg10: memref<16xf32, #tpu.memory_space<vmem>>, %arg11: memref<40960xf32, #tpu.memory_space<vmem>>, %arg12: memref<10240xf32, #tpu.memory_space<vmem>>, %arg13: memref<3200xi32, #tpu.memory_space<vmem>>, %arg14: memref<3200xi32, #tpu.memory_space<vmem>>, %arg15: memref<!tpu.dma_semaphore, #tpu.memory_space<semaphore_mem>>, %arg16: memref<!tpu.dma_semaphore, #tpu.memory_space<semaphore_mem>>) attributes {dimension_semantics = [#tpu.dimension_semantics<core_parallel>, #tpu.dimension_semantics<subcore_parallel>], iteration_bounds = array<i64: 2, 16>, scalar_prefetch = 0 : i64, scratch_operands = 9 : i64, tpu.core_type = #tpu.core_type<sc_vector_subcore>, window_params = [{transform_indices = #map}, {transform_indices = #map}, {transform_indices = #map}, {transform_indices = #map}, {transform_indices = #map}, {transform_indices = #map}]} {
    %mul3A = arith.constant 2 : i32
    %mul3A_0 = arith.muli %arg1, %mul3A : i32
    %add3A = arith.addi %mul3A_0, %arg0 : i32
    %mul3A_1 = arith.constant 4 : i32
    %mul3A_2 = arith.muli %add3A, %mul3A_1 : i32
    %mul3A_3 = arith.constant 10240 : i32
    %mul3A_4 = arith.muli %mul3A_2, %mul3A_3 : i32
    "tpu.region"() ({
      %run_scoped3A = tpu.sem_alloc : memref<!tpu.dma_semaphore, #tpu.memory_space<semaphore_mem>>
      %dma_start3A_39 = tpu.memref_slice %arg2[%mul3A_4] : memref<1310720xf32, #tpu.memory_space<hbm>> -> memref<40960xf32, #tpu.memory_space<hbm>>
      %dma_start3A_40 = tpu.memref_slice %arg2[%mul3A_4] : memref<1310720xf32, #tpu.memory_space<hbm>> -> memref<40960xf32, #tpu.memory_space<hbm>>
      tpu.enqueue_dma source(%dma_start3A_40 : memref<40960xf32, #tpu.memory_space<hbm>>) target(%arg8 : memref<40960xf32, #tpu.memory_space<vmem>>) target_semaphore(%run_scoped3A : memref<!tpu.dma_semaphore, #tpu.memory_space<semaphore_mem>>)
      %dma_wait3A = tpu.memref_slice %arg2[%mul3A_4] : memref<1310720xf32, #tpu.memory_space<hbm>> -> memref<40960xf32, #tpu.memory_space<hbm>>
      %dma_wait3A_41 = tpu.memref_slice %arg2[%mul3A_4] : memref<1310720xf32, #tpu.memory_space<hbm>> -> memref<40960xf32, #tpu.memory_space<hbm>>
      tpu.wait_dma2 semaphore(%run_scoped3A : memref<!tpu.dma_semaphore, #tpu.memory_space<semaphore_mem>>) src(%dma_wait3A_41 : memref<40960xf32, #tpu.memory_space<hbm>>) dst(%arg8 : memref<40960xf32, #tpu.memory_space<vmem>>)
      tpu.yield
    }) : () -> ()
    "tpu.region"() ({
      %run_scoped3A = tpu.sem_alloc : memref<!tpu.dma_semaphore, #tpu.memory_space<semaphore_mem>>
      %dma_start3A_39 = arith.constant 0 : i32
      %dma_start3A_40 = tpu.memref_slice %arg3[%dma_start3A_39] : memref<20480xf32, #tpu.memory_space<hbm>> -> memref<20480xf32, #tpu.memory_space<hbm>>
      %dma_start3A_41 = arith.constant 0 : i32
      %dma_start3A_42 = tpu.memref_slice %arg3[%dma_start3A_41] : memref<20480xf32, #tpu.memory_space<hbm>> -> memref<20480xf32, #tpu.memory_space<hbm>>
      tpu.enqueue_dma source(%dma_start3A_42 : memref<20480xf32, #tpu.memory_space<hbm>>) target(%arg9 : memref<20480xf32, #tpu.memory_space<vmem>>) target_semaphore(%run_scoped3A : memref<!tpu.dma_semaphore, #tpu.memory_space<semaphore_mem>>)
      %dma_wait3A = arith.constant 0 : i32
      %dma_wait3A_43 = tpu.memref_slice %arg3[%dma_wait3A] : memref<20480xf32, #tpu.memory_space<hbm>> -> memref<20480xf32, #tpu.memory_space<hbm>>
      %dma_wait3A_44 = arith.constant 0 : i32
      %dma_wait3A_45 = tpu.memref_slice %arg3[%dma_wait3A_44] : memref<20480xf32, #tpu.memory_space<hbm>> -> memref<20480xf32, #tpu.memory_space<hbm>>
      tpu.wait_dma2 semaphore(%run_scoped3A : memref<!tpu.dma_semaphore, #tpu.memory_space<semaphore_mem>>) src(%dma_wait3A_45 : memref<20480xf32, #tpu.memory_space<hbm>>) dst(%arg9 : memref<20480xf32, #tpu.memory_space<vmem>>)
      tpu.yield
    }) : () -> ()
    "tpu.region"() ({
      %run_scoped3A = tpu.sem_alloc : memref<!tpu.dma_semaphore, #tpu.memory_space<semaphore_mem>>
      %dma_start3A_39 = arith.constant 0 : i32
      %dma_start3A_40 = tpu.memref_slice %arg4[%dma_start3A_39] : memref<16xf32, #tpu.memory_space<hbm>> -> memref<16xf32, #tpu.memory_space<hbm>>
      %dma_start3A_41 = arith.constant 0 : i32
      %dma_start3A_42 = tpu.memref_slice %arg4[%dma_start3A_41] : memref<16xf32, #tpu.memory_space<hbm>> -> memref<16xf32, #tpu.memory_space<hbm>>
      tpu.enqueue_dma source(%dma_start3A_42 : memref<16xf32, #tpu.memory_space<hbm>>) target(%arg10 : memref<16xf32, #tpu.memory_space<vmem>>) target_semaphore(%run_scoped3A : memref<!tpu.dma_semaphore, #tpu.memory_space<semaphore_mem>>)
      %dma_wait3A = arith.constant 0 : i32
      %dma_wait3A_43 = tpu.memref_slice %arg4[%dma_wait3A] : memref<16xf32, #tpu.memory_space<hbm>> -> memref<16xf32, #tpu.memory_space<hbm>>
      %dma_wait3A_44 = arith.constant 0 : i32
      %dma_wait3A_45 = tpu.memref_slice %arg4[%dma_wait3A_44] : memref<16xf32, #tpu.memory_space<hbm>> -> memref<16xf32, #tpu.memory_space<hbm>>
      tpu.wait_dma2 semaphore(%run_scoped3A : memref<!tpu.dma_semaphore, #tpu.memory_space<semaphore_mem>>) src(%dma_wait3A_45 : memref<16xf32, #tpu.memory_space<hbm>>) dst(%arg10 : memref<16xf32, #tpu.memory_space<vmem>>)
      tpu.yield
    }) : () -> ()
    %get3A = arith.constant 0 : index
    %get3A_5 = tpu.vector_load %arg10[%get3A] {strides = array<i32>} : memref<16xf32, #tpu.memory_space<vmem>>, vector<16xf32>,
    %scan3A = arith.constant 0 : i32
    %scan3A_6 = arith.constant 0 : i32
    %scan3A_7 = arith.constant 2560 : i32
    %scan3A_8 = arith.addi %scan3A_6, %scan3A_7 : i32
    %scan3A_9 = arith.constant 1 : i32
    %scan3A_10 = scf.for %scan3A_39 = %scan3A_6 to %scan3A_8 step %scan3A_9 iter_args(%scan3A_40 = %scan3A) -> (i32)  : i32 {
      %broadcast_in_dim3A = arith.constant 0.000000e+00 : f32
      %broadcast_in_dim3A_41 = vector.broadcast %broadcast_in_dim3A : f32 to vector<16xf32>
      %mul3A_42 = arith.constant 16 : i32
      %mul3A_43 = arith.muli %scan3A_39, %mul3A_42 : i32
      %swap3A = arith.index_cast %mul3A_43 : i32 to index
      %swap3A_44 = tpu.vector_load %arg11[%swap3A] {strides = array<i32>} : memref<40960xf32, #tpu.memory_space<vmem>>, vector<16xf32>,
      tpu.vector_store %arg11[%swap3A], %broadcast_in_dim3A_41 {strides = array<i32>} : memref<40960xf32, #tpu.memory_space<vmem>>, vector<16xf32>,
      %scan3A_45 = arith.constant 0 : i32
      scf.yield %scan3A_45 : i32
    }
    %scan3A_11 = arith.constant 2560 : i32
    %scan3A_12 = arith.constant 0 : i32
    %scan3A_13 = arith.constant 0 : i32
    %scan3A_14 = arith.constant 640 : i32
    %scan3A_15 = arith.addi %scan3A_13, %scan3A_14 : i32
    %scan3A_16 = arith.constant 1 : i32
    %scan3A_17 = scf.for %scan3A_39 = %scan3A_13 to %scan3A_15 step %scan3A_16 iter_args(%scan3A_40 = %scan3A_12) -> (i32)  : i32 {
      %broadcast_in_dim3A = arith.constant 0.000000e+00 : f32
      %broadcast_in_dim3A_41 = vector.broadcast %broadcast_in_dim3A : f32 to vector<16xf32>
      %mul3A_42 = arith.constant 16 : i32
      %mul3A_43 = arith.muli %scan3A_39, %mul3A_42 : i32
      %swap3A = arith.index_cast %mul3A_43 : i32 to index
      %swap3A_44 = tpu.vector_load %arg12[%swap3A] {strides = array<i32>} : memref<10240xf32, #tpu.memory_space<vmem>>, vector<16xf32>,
      tpu.vector_store %arg12[%swap3A], %broadcast_in_dim3A_41 {strides = array<i32>} : memref<10240xf32, #tpu.memory_space<vmem>>, vector<16xf32>,
      %scan3A_45 = arith.constant 0 : i32
      scf.yield %scan3A_45 : i32
    }
    %scan3A_18 = arith.constant 640 : i32
    %dma_start3A = arith.constant 0 : i32
    %dma_start3A_19 = tpu.memref_slice %arg5[%dma_start3A] : memref<320000xi32, #tpu.memory_space<hbm>> -> memref<3200xi32, #tpu.memory_space<hbm>>
    %dma_start3A_20 = arith.constant 0 : i32
    %dma_start3A_21 = tpu.memref_slice %arg5[%dma_start3A_20] : memref<320000xi32, #tpu.memory_space<hbm>> -> memref<3200xi32, #tpu.memory_space<hbm>>
    tpu.enqueue_dma source(%dma_start3A_21 : memref<3200xi32, #tpu.memory_space<hbm>>) target(%arg13 : memref<3200xi32, #tpu.memory_space<vmem>>) target_semaphore(%arg15 : memref<!tpu.dma_semaphore, #tpu.memory_space<semaphore_mem>>)
    %dma_start3A_22 = arith.constant 3200 : i32
    %dma_start3A_23 = tpu.memref_slice %arg5[%dma_start3A_22] : memref<320000xi32, #tpu.memory_space<hbm>> -> memref<3200xi32, #tpu.memory_space<hbm>>
    %dma_start3A_24 = arith.constant 3200 : i32
    %dma_start3A_25 = tpu.memref_slice %arg5[%dma_start3A_24] : memref<320000xi32, #tpu.memory_space<hbm>> -> memref<3200xi32, #tpu.memory_space<hbm>>
    tpu.enqueue_dma source(%dma_start3A_25 : memref<3200xi32, #tpu.memory_space<hbm>>) target(%arg14 : memref<3200xi32, #tpu.memory_space<vmem>>) target_semaphore(%arg16 : memref<!tpu.dma_semaphore, #tpu.memory_space<semaphore_mem>>)
    %scan3A_26 = arith.constant 0 : i32
    %scan3A_27 = arith.constant 0 : i32
    %scan3A_28 = arith.constant 50 : i32
    %scan3A_29 = arith.addi %scan3A_27, %scan3A_28 : i32
    %scan3A_30 = arith.constant 1 : i32
    %scan3A_31 = scf.for %scan3A_39 = %scan3A_27 to %scan3A_29 step %scan3A_30 iter_args(%scan3A_40 = %scan3A_26) -> (i32)  : i32 {
      %dma_wait3A = arith.constant 0 : i32
      %dma_wait3A_41 = tpu.memref_slice %arg5[%dma_wait3A] : memref<320000xi32, #tpu.memory_space<hbm>> -> memref<3200xi32, #tpu.memory_space<hbm>>
      %dma_wait3A_42 = arith.constant 0 : i32
      %dma_wait3A_43 = tpu.memref_slice %arg5[%dma_wait3A_42] : memref<320000xi32, #tpu.memory_space<hbm>> -> memref<3200xi32, #tpu.memory_space<hbm>>
      tpu.wait_dma2 semaphore(%arg15 : memref<!tpu.dma_semaphore, #tpu.memory_space<semaphore_mem>>) src(%dma_wait3A_43 : memref<3200xi32, #tpu.memory_space<hbm>>) dst(%arg13 : memref<3200xi32, #tpu.memory_space<vmem>>)
      %scan3A_44 = arith.constant 0 : i32
      %scan3A_45 = arith.constant 0 : i32
      %scan3A_46 = arith.constant 200 : i32
      %scan3A_47 = arith.addi %scan3A_45, %scan3A_46 : i32
      %scan3A_48 = arith.constant 1 : i32
      %scan3A_49 = scf.for %scan3A_72 = %scan3A_45 to %scan3A_47 step %scan3A_48 iter_args(%scan3A_73 = %scan3A_44) -> (i32)  : i32 {
        %mul3A_74 = arith.constant 16 : i32
        %mul3A_75 = arith.muli %scan3A_72, %mul3A_74 : i32
        %get3A_76 = arith.index_cast %mul3A_75 : i32 to index
        %get3A_77 = tpu.vector_load %arg13[%get3A_76] {strides = array<i32>} : memref<3200xi32, #tpu.memory_space<vmem>>, vector<16xi32>,
        %shift_right_logical3A = arith.constant 14 : i32
        %shift_right_logical3A_78 = vector.broadcast %shift_right_logical3A : i32 to vector<16xi32>
        %shift_right_logical3A_79 = arith.shrui %get3A_77, %shift_right_logical3A_78 : vector<16xi32>
        %and3A = arith.constant 16383 : i32
        %and3A_80 = vector.broadcast %and3A : i32 to vector<16xi32>
        %and3A_81 = arith.andi %get3A_77, %and3A_80 : vector<16xi32>
        %gather3A = tpu.vector_load_idx %arg9[%shift_right_logical3A_79] : memref<20480xf32, #tpu.memory_space<vmem>>[vector<16xi32>], vector<16xf32>,
        %add3A_82 = arith.constant 10240 : i32
        %add3A_83 = vector.broadcast %add3A_82 : i32 to vector<16xi32>
        %add3A_84 = arith.addi %and3A_81, %add3A_83 : vector<16xi32>
        %gather3A_85 = tpu.vector_load_idx %arg9[%add3A_84] : memref<20480xf32, #tpu.memory_space<vmem>>[vector<16xi32>], vector<16xf32>,
        %sub3A = arith.subf %gather3A, %get3A_5 : vector<16xf32>
        %add3A_86 = arith.addf %sub3A, %gather3A_85 : vector<16xf32>
        %exp3A = math.exp %add3A_86 : vector<16xf32>
        %add3A_87 = arith.constant 0 : i32
        %add3A_88 = vector.broadcast %add3A_87 : i32 to vector<16xi32>
        %add3A_89 = arith.addi %shift_right_logical3A_79, %add3A_88 : vector<16xi32>
        %gather3A_90 = tpu.vector_load_idx %arg8[%add3A_89] : memref<40960xf32, #tpu.memory_space<vmem>>[vector<16xi32>], vector<16xf32>,
        %add3A_91 = arith.constant 0 : i32
        %add3A_92 = vector.broadcast %add3A_91 : i32 to vector<16xi32>
        %add3A_93 = arith.addi %and3A_81, %add3A_92 : vector<16xi32>
        %mul3A_94 = arith.mulf %gather3A_90, %exp3A : vector<16xf32>
        tpu.vector_store_idx %arg11[%add3A_93], %mul3A_94 {add = true} : memref<40960xf32, #tpu.memory_space<vmem>>[vector<16xi32>], vector<16xf32>,
        %add3A_95 = arith.constant 10240 : i32
        %add3A_96 = vector.broadcast %add3A_95 : i32 to vector<16xi32>
        %add3A_97 = arith.addi %shift_right_logical3A_79, %add3A_96 : vector<16xi32>
        %gather3A_98 = tpu.vector_load_idx %arg8[%add3A_97] : memref<40960xf32, #tpu.memory_space<vmem>>[vector<16xi32>], vector<16xf32>,
        %add3A_99 = arith.constant 10240 : i32
        %add3A_100 = vector.broadcast %add3A_99 : i32 to vector<16xi32>
        %add3A_101 = arith.addi %and3A_81, %add3A_100 : vector<16xi32>
        %mul3A_102 = arith.mulf %gather3A_98, %exp3A : vector<16xf32>
        tpu.vector_store_idx %arg11[%add3A_101], %mul3A_102 {add = true} : memref<40960xf32, #tpu.memory_space<vmem>>[vector<16xi32>], vector<16xf32>,
        %add3A_103 = arith.constant 20480 : i32
        %add3A_104 = vector.broadcast %add3A_103 : i32 to vector<16xi32>
        %add3A_105 = arith.addi %shift_right_logical3A_79, %add3A_104 : vector<16xi32>
        %gather3A_106 = tpu.vector_load_idx %arg8[%add3A_105] : memref<40960xf32, #tpu.memory_space<vmem>>[vector<16xi32>], vector<16xf32>,
        %add3A_107 = arith.constant 20480 : i32
        %add3A_108 = vector.broadcast %add3A_107 : i32 to vector<16xi32>
        %add3A_109 = arith.addi %and3A_81, %add3A_108 : vector<16xi32>
        %mul3A_110 = arith.mulf %gather3A_106, %exp3A : vector<16xf32>
        tpu.vector_store_idx %arg11[%add3A_109], %mul3A_110 {add = true} : memref<40960xf32, #tpu.memory_space<vmem>>[vector<16xi32>], vector<16xf32>,
        %add3A_111 = arith.constant 30720 : i32
        %add3A_112 = vector.broadcast %add3A_111 : i32 to vector<16xi32>
        %add3A_113 = arith.addi %shift_right_logical3A_79, %add3A_112 : vector<16xi32>
        %gather3A_114 = tpu.vector_load_idx %arg8[%add3A_113] : memref<40960xf32, #tpu.memory_space<vmem>>[vector<16xi32>], vector<16xf32>,
        %add3A_115 = arith.constant 30720 : i32
        %add3A_116 = vector.broadcast %add3A_115 : i32 to vector<16xi32>
        %add3A_117 = arith.addi %and3A_81, %add3A_116 : vector<16xi32>
        %mul3A_118 = arith.mulf %gather3A_114, %exp3A : vector<16xf32>
        tpu.vector_store_idx %arg11[%add3A_117], %mul3A_118 {add = true} : memref<40960xf32, #tpu.memory_space<vmem>>[vector<16xi32>], vector<16xf32>,
        tpu.vector_store_idx %arg12[%and3A_81], %exp3A {add = true} : memref<10240xf32, #tpu.memory_space<vmem>>[vector<16xi32>], vector<16xf32>,
        %scan3A_119 = arith.constant 0 : i32
        scf.yield %scan3A_119 : i32
      }
      %scan3A_50 = arith.constant 200 : i32
      %lt3A = arith.constant 49 : i32
      %lt3A_51 = arith.cmpi slt, %scan3A_39, %lt3A : i32
      %convert_element_type3A_52 = arith.extui %lt3A_51 : i1 to i32
      %cond3A_53 = arith.constant 0 : i32
      %cond3A_54 = arith.cmpi ne, %convert_element_type3A_52, %cond3A_53 : i32
      scf.if %cond3A_54 {
        %mul3A_72 = arith.constant 2 : i32
        %mul3A_73 = arith.muli %mul3A_72, %scan3A_39 : i32
        %add3A_74 = arith.constant 2 : i32
        %add3A_75 = arith.addi %mul3A_73, %add3A_74 : i32
        %mul3A_76 = arith.constant 3200 : i32
        %mul3A_77 = arith.muli %add3A_75, %mul3A_76 : i32
        %dma_start3A_78 = tpu.memref_slice %arg5[%mul3A_77] : memref<320000xi32, #tpu.memory_space<hbm>> -> memref<3200xi32, #tpu.memory_space<hbm>>
        %dma_start3A_79 = tpu.memref_slice %arg5[%mul3A_77] : memref<320000xi32, #tpu.memory_space<hbm>> -> memref<3200xi32, #tpu.memory_space<hbm>>
        tpu.enqueue_dma source(%dma_start3A_79 : memref<3200xi32, #tpu.memory_space<hbm>>) target(%arg13 : memref<3200xi32, #tpu.memory_space<vmem>>) target_semaphore(%arg15 : memref<!tpu.dma_semaphore, #tpu.memory_space<semaphore_mem>>)
      } else {
      }
      %dma_wait3A_55 = arith.constant 0 : i32
      %dma_wait3A_56 = tpu.memref_slice %arg5[%dma_wait3A_55] : memref<320000xi32, #tpu.memory_space<hbm>> -> memref<3200xi32, #tpu.memory_space<hbm>>
      %dma_wait3A_57 = arith.constant 0 : i32
      %dma_wait3A_58 = tpu.memref_slice %arg5[%dma_wait3A_57] : memref<320000xi32, #tpu.memory_space<hbm>> -> memref<3200xi32, #tpu.memory_space<hbm>>
      tpu.wait_dma2 semaphore(%arg16 : memref<!tpu.dma_semaphore, #tpu.memory_space<semaphore_mem>>) src(%dma_wait3A_58 : memref<3200xi32, #tpu.memory_space<hbm>>) dst(%arg14 : memref<3200xi32, #tpu.memory_space<vmem>>)
      %scan3A_59 = arith.constant 0 : i32
      %scan3A_60 = arith.constant 0 : i32
      %scan3A_61 = arith.constant 200 : i32
      %scan3A_62 = arith.addi %scan3A_60, %scan3A_61 : i32
      %scan3A_63 = arith.constant 1 : i32
      %scan3A_64 = scf.for %scan3A_72 = %scan3A_60 to %scan3A_62 step %scan3A_63 iter_args(%scan3A_73 = %scan3A_59) -> (i32)  : i32 {
        %mul3A_74 = arith.constant 16 : i32
        %mul3A_75 = arith.muli %scan3A_72, %mul3A_74 : i32
        %get3A_76 = arith.index_cast %mul3A_75 : i32 to index
        %get3A_77 = tpu.vector_load %arg14[%get3A_76] {strides = array<i32>} : memref<3200xi32, #tpu.memory_space<vmem>>, vector<16xi32>,
        %shift_right_logical3A = arith.constant 14 : i32
        %shift_right_logical3A_78 = vector.broadcast %shift_right_logical3A : i32 to vector<16xi32>
        %shift_right_logical3A_79 = arith.shrui %get3A_77, %shift_right_logical3A_78 : vector<16xi32>
        %and3A = arith.constant 16383 : i32
        %and3A_80 = vector.broadcast %and3A : i32 to vector<16xi32>
        %and3A_81 = arith.andi %get3A_77, %and3A_80 : vector<16xi32>
        %gather3A = tpu.vector_load_idx %arg9[%shift_right_logical3A_79] : memref<20480xf32, #tpu.memory_space<vmem>>[vector<16xi32>], vector<16xf32>,
        %add3A_82 = arith.constant 10240 : i32
        %add3A_83 = vector.broadcast %add3A_82 : i32 to vector<16xi32>
        %add3A_84 = arith.addi %and3A_81, %add3A_83 : vector<16xi32>
        %gather3A_85 = tpu.vector_load_idx %arg9[%add3A_84] : memref<20480xf32, #tpu.memory_space<vmem>>[vector<16xi32>], vector<16xf32>,
        %sub3A = arith.subf %gather3A, %get3A_5 : vector<16xf32>
        %add3A_86 = arith.addf %sub3A, %gather3A_85 : vector<16xf32>
        %exp3A = math.exp %add3A_86 : vector<16xf32>
        %add3A_87 = arith.constant 0 : i32
        %add3A_88 = vector.broadcast %add3A_87 : i32 to vector<16xi32>
        %add3A_89 = arith.addi %shift_right_logical3A_79, %add3A_88 : vector<16xi32>
        %gather3A_90 = tpu.vector_load_idx %arg8[%add3A_89] : memref<40960xf32, #tpu.memory_space<vmem>>[vector<16xi32>], vector<16xf32>,
        %add3A_91 = arith.constant 0 : i32
        %add3A_92 = vector.broadcast %add3A_91 : i32 to vector<16xi32>
        %add3A_93 = arith.addi %and3A_81, %add3A_92 : vector<16xi32>
        %mul3A_94 = arith.mulf %gather3A_90, %exp3A : vector<16xf32>
        tpu.vector_store_idx %arg11[%add3A_93], %mul3A_94 {add = true} : memref<40960xf32, #tpu.memory_space<vmem>>[vector<16xi32>], vector<16xf32>,
        %add3A_95 = arith.constant 10240 : i32
        %add3A_96 = vector.broadcast %add3A_95 : i32 to vector<16xi32>
        %add3A_97 = arith.addi %shift_right_logical3A_79, %add3A_96 : vector<16xi32>
        %gather3A_98 = tpu.vector_load_idx %arg8[%add3A_97] : memref<40960xf32, #tpu.memory_space<vmem>>[vector<16xi32>], vector<16xf32>,
        %add3A_99 = arith.constant 10240 : i32
        %add3A_100 = vector.broadcast %add3A_99 : i32 to vector<16xi32>
        %add3A_101 = arith.addi %and3A_81, %add3A_100 : vector<16xi32>
        %mul3A_102 = arith.mulf %gather3A_98, %exp3A : vector<16xf32>
        tpu.vector_store_idx %arg11[%add3A_101], %mul3A_102 {add = true} : memref<40960xf32, #tpu.memory_space<vmem>>[vector<16xi32>], vector<16xf32>,
        %add3A_103 = arith.constant 20480 : i32
        %add3A_104 = vector.broadcast %add3A_103 : i32 to vector<16xi32>
        %add3A_105 = arith.addi %shift_right_logical3A_79, %add3A_104 : vector<16xi32>
        %gather3A_106 = tpu.vector_load_idx %arg8[%add3A_105] : memref<40960xf32, #tpu.memory_space<vmem>>[vector<16xi32>], vector<16xf32>,
        %add3A_107 = arith.constant 20480 : i32
        %add3A_108 = vector.broadcast %add3A_107 : i32 to vector<16xi32>
        %add3A_109 = arith.addi %and3A_81, %add3A_108 : vector<16xi32>
        %mul3A_110 = arith.mulf %gather3A_106, %exp3A : vector<16xf32>
        tpu.vector_store_idx %arg11[%add3A_109], %mul3A_110 {add = true} : memref<40960xf32, #tpu.memory_space<vmem>>[vector<16xi32>], vector<16xf32>,
        %add3A_111 = arith.constant 30720 : i32
        %add3A_112 = vector.broadcast %add3A_111 : i32 to vector<16xi32>
        %add3A_113 = arith.addi %shift_right_logical3A_79, %add3A_112 : vector<16xi32>
        %gather3A_114 = tpu.vector_load_idx %arg8[%add3A_113] : memref<40960xf32, #tpu.memory_space<vmem>>[vector<16xi32>], vector<16xf32>,
        %add3A_115 = arith.constant 30720 : i32
        %add3A_116 = vector.broadcast %add3A_115 : i32 to vector<16xi32>
        %add3A_117 = arith.addi %and3A_81, %add3A_116 : vector<16xi32>
        %mul3A_118 = arith.mulf %gather3A_114, %exp3A : vector<16xf32>
        tpu.vector_store_idx %arg11[%add3A_117], %mul3A_118 {add = true} : memref<40960xf32, #tpu.memory_space<vmem>>[vector<16xi32>], vector<16xf32>,
        tpu.vector_store_idx %arg12[%and3A_81], %exp3A {add = true} : memref<10240xf32, #tpu.memory_space<vmem>>[vector<16xi32>], vector<16xf32>,
        %scan3A_119 = arith.constant 0 : i32
        scf.yield %scan3A_119 : i32
      }
      %scan3A_65 = arith.constant 200 : i32
      %lt3A_66 = arith.constant 49 : i32
      %lt3A_67 = arith.cmpi slt, %scan3A_39, %lt3A_66 : i32
      %convert_element_type3A_68 = arith.extui %lt3A_67 : i1 to i32
      %cond3A_69 = arith.constant 0 : i32
      %cond3A_70 = arith.cmpi ne, %convert_element_type3A_68, %cond3A_69 : i32
      scf.if %cond3A_70 {
        %mul3A_72 = arith.constant 2 : i32
        %mul3A_73 = arith.muli %mul3A_72, %scan3A_39 : i32
        %add3A_74 = arith.constant 3 : i32
        %add3A_75 = arith.addi %mul3A_73, %add3A_74 : i32
        %mul3A_76 = arith.constant 3200 : i32
        %mul3A_77 = arith.muli %add3A_75, %mul3A_76 : i32
        %dma_start3A_78 = tpu.memref_slice %arg5[%mul3A_77] : memref<320000xi32, #tpu.memory_space<hbm>> -> memref<3200xi32, #tpu.memory_space<hbm>>
        %dma_start3A_79 = tpu.memref_slice %arg5[%mul3A_77] : memref<320000xi32, #tpu.memory_space<hbm>> -> memref<3200xi32, #tpu.memory_space<hbm>>
        tpu.enqueue_dma source(%dma_start3A_79 : memref<3200xi32, #tpu.memory_space<hbm>>) target(%arg14 : memref<3200xi32, #tpu.memory_space<vmem>>) target_semaphore(%arg16 : memref<!tpu.dma_semaphore, #tpu.memory_space<semaphore_mem>>)
      } else {
      }
      %scan3A_71 = arith.constant 0 : i32
      scf.yield %scan3A_71 : i32
    }
    %scan3A_32 = arith.constant 50 : i32
    %mul3A_33 = arith.constant 4 : i32
    %mul3A_34 = arith.muli %add3A, %mul3A_33 : i32
    %mul3A_35 = arith.constant 10240 : i32
    %mul3A_36 = arith.muli %mul3A_34, %mul3A_35 : i32
    "tpu.region"() ({
      %run_scoped3A = tpu.sem_alloc : memref<!tpu.dma_semaphore, #tpu.memory_space<semaphore_mem>>
      %dma_start3A_39 = tpu.memref_slice %arg6[%mul3A_36] : memref<1310720xf32, #tpu.memory_space<hbm>> -> memref<40960xf32, #tpu.memory_space<hbm>>
      %dma_start3A_40 = tpu.memref_slice %arg6[%mul3A_36] : memref<1310720xf32, #tpu.memory_space<hbm>> -> memref<40960xf32, #tpu.memory_space<hbm>>
      tpu.enqueue_dma source(%arg11 : memref<40960xf32, #tpu.memory_space<vmem>>) target(%dma_start3A_40 : memref<40960xf32, #tpu.memory_space<hbm>>) target_semaphore(%run_scoped3A : memref<!tpu.dma_semaphore, #tpu.memory_space<semaphore_mem>>)
      %dma_wait3A = tpu.memref_slice %arg6[%mul3A_36] : memref<1310720xf32, #tpu.memory_space<hbm>> -> memref<40960xf32, #tpu.memory_space<hbm>>
      %dma_wait3A_41 = tpu.memref_slice %arg6[%mul3A_36] : memref<1310720xf32, #tpu.memory_space<hbm>> -> memref<40960xf32, #tpu.memory_space<hbm>>
      tpu.wait_dma2 semaphore(%run_scoped3A : memref<!tpu.dma_semaphore, #tpu.memory_space<semaphore_mem>>) src(%arg11 : memref<40960xf32, #tpu.memory_space<vmem>>) dst(%dma_wait3A_41 : memref<40960xf32, #tpu.memory_space<hbm>>)
      tpu.yield
    }) : () -> ()
    %eq3A = arith.constant 31 : i32
    %eq3A_37 = arith.cmpi eq, %add3A, %eq3A : i32
    %convert_element_type3A = arith.extui %eq3A_37 : i1 to i32
    %cond3A = arith.constant 0 : i32
    %cond3A_38 = arith.cmpi ne, %convert_element_type3A, %cond3A : i32
    scf.if %cond3A_38 {
      "tpu.region"() ({
        %run_scoped3A = tpu.sem_alloc : memref<!tpu.dma_semaphore, #tpu.memory_space<semaphore_mem>>
        %dma_start3A_39 = arith.constant 0 : i32
        %dma_start3A_40 = tpu.memref_slice %arg7[%dma_start3A_39] : memref<10240xf32, #tpu.memory_space<hbm>> -> memref<10240xf32, #tpu.memory_space<hbm>>
        %dma_start3A_41 = arith.constant 0 : i32
        %dma_start3A_42 = tpu.memref_slice %arg7[%dma_start3A_41] : memref<10240xf32, #tpu.memory_space<hbm>> -> memref<10240xf32, #tpu.memory_space<hbm>>
        tpu.enqueue_dma source(%arg12 : memref<10240xf32, #tpu.memory_space<vmem>>) target(%dma_start3A_42 : memref<10240xf32, #tpu.memory_space<hbm>>) target_semaphore(%run_scoped3A : memref<!tpu.dma_semaphore, #tpu.memory_space<semaphore_mem>>)
        %dma_wait3A = arith.constant 0 : i32
        %dma_wait3A_43 = tpu.memref_slice %arg7[%dma_wait3A] : memref<10240xf32, #tpu.memory_space<hbm>> -> memref<10240xf32, #tpu.memory_space<hbm>>
        %dma_wait3A_44 = arith.constant 0 : i32
        %dma_wait3A_45 = tpu.memref_slice %arg7[%dma_wait3A_44] : memref<10240xf32, #tpu.memory_space<hbm>> -> memref<10240xf32, #tpu.memory_space<hbm>>
        tpu.wait_dma2 semaphore(%run_scoped3A : memref<!tpu.dma_semaphore, #tpu.memory_space<semaphore_mem>>) src(%arg12 : memref<10240xf32, #tpu.memory_space<vmem>>) dst(%dma_wait3A_45 : memref<10240xf32, #tpu.memory_space<hbm>>)
        tpu.yield
      }) : () -> ()
    } else {
    }
    return
  }
}

module attributes {stable_mosaic.version = 14 : i64} {
  func.func @_init_body(%arg0: i32, %arg1: memref<2048x128xf32, #tpu.memory_space<vmem>>, %arg2: memref<128x128xf32, #tpu.memory_space<vmem>>, %arg3: memref<128x1xf32, #tpu.memory_space<vmem>>, %arg4: memref<2x128xf32, #tpu.memory_space<vmem>>, %arg5: memref<128x2048xf32, #tpu.memory_space<vmem>>, %arg6: memref<2x2048xf32, #tpu.memory_space<vmem>>, %arg7: memref<2x1xf32, #tpu.memory_space<vmem>>) attributes {dimension_semantics = [#tpu.dimension_semantics<arbitrary>], iteration_bounds = array<i64: 5>, scalar_prefetch = 0 : i64, scratch_operands = 0 : i64, tpu.core_type = #tpu.core_type<tc>, window_params = [{transform_indices = @transform_0, window_bounds = array<i64: 2048, 128>}, {pipeline_mode = #tpu.pipeline_mode<synchronous>, transform_indices = @transform_1, window_bounds = array<i64: 128, 128>}, {pipeline_mode = #tpu.pipeline_mode<synchronous>, transform_indices = @transform_2, window_bounds = array<i64: 128, 1>}, {pipeline_mode = #tpu.pipeline_mode<synchronous>, transform_indices = @transform_3, window_bounds = array<i64: 2, 128>}, {transform_indices = @transform_4, window_bounds = array<i64: 128, 2048>}, {transform_indices = @transform_5, window_bounds = array<i64: 2, 2048>}, {pipeline_mode = #tpu.pipeline_mode<synchronous>, transform_indices = @transform_6, window_bounds = array<i64: 2, 1>}]} {
    %get3A = arith.constant 0 : index
    %get3A_0 = arith.constant 0 : index
    %get3A_1 = vector.load %arg2[%get3A, %get3A_0] : memref<128x128xf32, #tpu.memory_space<vmem>>, vector<128x128xf32>
    %get3A_2 = arith.constant 0 : index
    %get3A_3 = arith.constant 0 : index
    %get3A_4 = vector.load %arg1[%get3A_2, %get3A_3] : memref<2048x128xf32, #tpu.memory_space<vmem>>, vector<2048x128xf32>
    %convert_element_type3A = arith.truncf %get3A_1 : vector<128x128xf32> to vector<128x128xbf16>
    %convert_element_type3A_5 = arith.truncf %get3A_4 : vector<2048x128xf32> to vector<2048x128xbf16>
    %dot_general3A = arith.constant dense<0.000000e+00> : vector<128x2048xf32>
    %dot_general3A_6 = tpu.matmul %convert_element_type3A, %convert_element_type3A_5, %dot_general3A {dimension_numbers = #tpu.dot_dimension_numbers<[1], [1], [0], [0], [0, 0, 1, 0], [], []>, transpose_lhs_hint = false} : vector<128x128xbf16>, vector<2048x128xbf16>, vector<128x2048xf32> -> vector<128x2048xf32>
    %get3A_7 = arith.constant 0 : index
    %get3A_8 = arith.constant 0 : index
    %get3A_9 = vector.load %arg3[%get3A_7, %get3A_8] : memref<128x1xf32, #tpu.memory_space<vmem>>, vector<128x1xf32>
    %add3A = vector.broadcast %get3A_9 : vector<128x1xf32> to vector<128x2048xf32>
    %add3A_10 = arith.addf %dot_general3A_6, %add3A : vector<128x2048xf32>
    %mul3A = arith.constant 2048 : i32
    %mul3A_11 = arith.muli %arg0, %mul3A : i32
    %iota3A = tpu.iota {dimensions = array<i32: 1>} : vector<128x2048xi32>
    %add3A_12 = vector.broadcast %mul3A_11 : i32 to vector<128x2048xi32>
    %add3A_13 = arith.addi %add3A_12, %iota3A : vector<128x2048xi32>
    %lt3A = arith.constant 10000 : i32
    %lt3A_14 = vector.broadcast %lt3A : i32 to vector<128x2048xi32>
    %lt3A_15 = arith.cmpi slt, %add3A_13, %lt3A_14 : vector<128x2048xi32>
    %jit3A = arith.constant 0.000000e+00 : f32
    %broadcast_in_dim3A = vector.broadcast %jit3A : f32 to vector<128x2048xf32>
    %select_n3A = arith.select %lt3A_15, %add3A_10, %broadcast_in_dim3A : vector<128x2048xi1>, vector<128x2048xf32>
    %swap3A = arith.constant 0 : index
    %swap3A_16 = arith.constant 0 : index
    %swap3A_17 = vector.load %arg5[%swap3A, %swap3A_16] : memref<128x2048xf32, #tpu.memory_space<vmem>>, vector<128x2048xf32>
    tpu.vector_store %arg5[%swap3A, %swap3A_16], %select_n3A {strides = array<i32>} : memref<128x2048xf32, #tpu.memory_space<vmem>>, vector<128x2048xf32>,
    %get3A_18 = arith.constant 0 : index
    %get3A_19 = arith.constant 0 : index
    %get3A_20 = vector.load %arg4[%get3A_18, %get3A_19] : memref<2x128xf32, #tpu.memory_space<vmem>>, vector<2x128xf32>
    %convert_element_type3A_21 = arith.truncf %get3A_20 : vector<2x128xf32> to vector<2x128xbf16>
    %convert_element_type3A_22 = arith.truncf %select_n3A : vector<128x2048xf32> to vector<128x2048xbf16>
    %dot_general3A_23 = arith.constant dense<0.000000e+00> : vector<2x2048xf32>
    %dot_general3A_24 = tpu.matmul %convert_element_type3A_21, %convert_element_type3A_22, %dot_general3A_23 {dimension_numbers = #tpu.dot_dimension_numbers<[1], [0], [0], [1], [0, 0, 1, 1], [], []>, transpose_lhs_hint = false} : vector<2x128xbf16>, vector<128x2048xbf16>, vector<2x2048xf32> -> vector<2x2048xf32>
    %swap3A_25 = arith.constant 0 : index
    %swap3A_26 = arith.constant 0 : index
    %swap3A_27 = vector.load %arg6[%swap3A_25, %swap3A_26] : memref<2x2048xf32, #tpu.memory_space<vmem>>, vector<2x2048xf32>
    tpu.vector_store %arg6[%swap3A_25, %swap3A_26], %dot_general3A_24 {strides = array<i32>} : memref<2x2048xf32, #tpu.memory_space<vmem>>, vector<2x2048xf32>,
    %reduce_max3A = arith.constant dense<0xFF800000> : vector<2xf32>
    %reduce_max3A_28 = vector.multi_reduction <maximumf>, %dot_general3A_24, %reduce_max3A [1] : vector<2x2048xf32> to vector<2xf32>
    %broadcast_in_dim3A_29 = vector.shape_cast %reduce_max3A_28 : vector<2xf32> to vector<2x1xf32>
    %eq3A = arith.constant 0 : i32
    %eq3A_30 = arith.cmpi eq, %arg0, %eq3A : i32
    %convert_element_type3A_31 = arith.extui %eq3A_30 : i1 to i32
    %cond3A = arith.constant 0 : i32
    %cond3A_32 = arith.cmpi ne, %convert_element_type3A_31, %cond3A : i32
    scf.if %cond3A_32 {
      %swap3A_37 = arith.constant 0 : index
      %swap3A_38 = arith.constant 0 : index
      %swap3A_39 = vector.load %arg7[%swap3A_37, %swap3A_38] : memref<2x1xf32, #tpu.memory_space<vmem>>, vector<2x1xf32>
      tpu.vector_store %arg7[%swap3A_37, %swap3A_38], %broadcast_in_dim3A_29 {strides = array<i32>} : memref<2x1xf32, #tpu.memory_space<vmem>>, vector<2x1xf32>,
    } else {
    }
    %gt3A = arith.constant 0 : i32
    %gt3A_33 = arith.cmpi sgt, %arg0, %gt3A : i32
    %convert_element_type3A_34 = arith.extui %gt3A_33 : i1 to i32
    %cond3A_35 = arith.constant 0 : i32
    %cond3A_36 = arith.cmpi ne, %convert_element_type3A_34, %cond3A_35 : i32
    scf.if %cond3A_36 {
      %get3A_37 = arith.constant 0 : index
      %get3A_38 = arith.constant 0 : index
      %get3A_39 = vector.load %arg7[%get3A_37, %get3A_38] : memref<2x1xf32, #tpu.memory_space<vmem>>, vector<2x1xf32>
      %max3A = arith.maximumf %get3A_39, %broadcast_in_dim3A_29 : vector<2x1xf32>
      %swap3A_40 = arith.constant 0 : index
      %swap3A_41 = arith.constant 0 : index
      %swap3A_42 = vector.load %arg7[%swap3A_40, %swap3A_41] : memref<2x1xf32, #tpu.memory_space<vmem>>, vector<2x1xf32>
      tpu.vector_store %arg7[%swap3A_40, %swap3A_41], %max3A {strides = array<i32>} : memref<2x1xf32, #tpu.memory_space<vmem>>, vector<2x1xf32>,
    } else {
    }
    return
  }
  func.func @transform_0(%arg0: i32) -> (i32, i32) {
    %c0_i32 = arith.constant 0 : i32
    %c0_i32_0 = arith.constant 0 : i32
    return %arg0, %c0_i32 : i32, i32
  }
  func.func @transform_1(%arg0: i32) -> (i32, i32) {
    %c0_i32 = arith.constant 0 : i32
    %c0_i32_0 = arith.constant 0 : i32
    %c0_i32_1 = arith.constant 0 : i32
    return %c0_i32, %c0_i32_0 : i32, i32
  }
  func.func @transform_2(%arg0: i32) -> (i32, i32) {
    %c0_i32 = arith.constant 0 : i32
    %c0_i32_0 = arith.constant 0 : i32
    %c0_i32_1 = arith.constant 0 : i32
    return %c0_i32, %c0_i32_0 : i32, i32
  }
  func.func @transform_3(%arg0: i32) -> (i32, i32) {
    %c0_i32 = arith.constant 0 : i32
    %c0_i32_0 = arith.constant 0 : i32
    %c0_i32_1 = arith.constant 0 : i32
    return %c0_i32, %c0_i32_0 : i32, i32
  }
  func.func @transform_4(%arg0: i32) -> (i32, i32) {
    %c0_i32 = arith.constant 0 : i32
    %c0_i32_0 = arith.constant 0 : i32
    return %c0_i32, %arg0 : i32, i32
  }
  func.func @transform_5(%arg0: i32) -> (i32, i32) {
    %c0_i32 = arith.constant 0 : i32
    %c0_i32_0 = arith.constant 0 : i32
    return %c0_i32, %arg0 : i32, i32
  }
  func.func @transform_6(%arg0: i32) -> (i32, i32) {
    %c0_i32 = arith.constant 0 : i32
    %c0_i32_0 = arith.constant 0 : i32
    %c0_i32_1 = arith.constant 0 : i32
    return %c0_i32, %c0_i32_0 : i32, i32
  }
}

module attributes {stable_mosaic.version = 14 : i64} {
  func.func @_layer_body(%arg0: i32, %arg1: memref<128x2048xf32, #tpu.memory_space<vmem>>, %arg2: memref<128x2048xf32, #tpu.memory_space<vmem>>, %arg3: memref<1x2048xf32, #tpu.memory_space<vmem>>, %arg4: memref<128x128xf32, #tpu.memory_space<vmem>>, %arg5: memref<128x128xf32, #tpu.memory_space<vmem>>, %arg6: memref<2x128xf32, #tpu.memory_space<vmem>>, %arg7: memref<128x2048xf32, #tpu.memory_space<vmem>>, %arg8: memref<2x2048xf32, #tpu.memory_space<vmem>>, %arg9: memref<2x1xf32, #tpu.memory_space<vmem>>) attributes {dimension_semantics = [#tpu.dimension_semantics<arbitrary>], iteration_bounds = array<i64: 5>, scalar_prefetch = 0 : i64, scratch_operands = 0 : i64, tpu.core_type = #tpu.core_type<tc>, window_params = [{transform_indices = @transform_0, window_bounds = array<i64: 128, 2048>}, {transform_indices = @transform_1, window_bounds = array<i64: 128, 2048>}, {transform_indices = @transform_2, window_bounds = array<i64: 1, 2048>}, {pipeline_mode = #tpu.pipeline_mode<synchronous>, transform_indices = @transform_3, window_bounds = array<i64: 128, 128>}, {pipeline_mode = #tpu.pipeline_mode<synchronous>, transform_indices = @transform_4, window_bounds = array<i64: 128, 128>}, {pipeline_mode = #tpu.pipeline_mode<synchronous>, transform_indices = @transform_5, window_bounds = array<i64: 2, 128>}, {transform_indices = @transform_6, window_bounds = array<i64: 128, 2048>}, {transform_indices = @transform_7, window_bounds = array<i64: 2, 2048>}, {pipeline_mode = #tpu.pipeline_mode<synchronous>, transform_indices = @transform_8, window_bounds = array<i64: 2, 1>}]} {
    %get3A = arith.constant 0 : index
    %get3A_0 = arith.constant 0 : index
    %get3A_1 = vector.load %arg2[%get3A, %get3A_0] : memref<128x2048xf32, #tpu.memory_space<vmem>>, vector<128x2048xf32>
    %get3A_2 = arith.constant 0 : index
    %get3A_3 = arith.constant 0 : index
    %get3A_4 = vector.load %arg3[%get3A_2, %get3A_3] : memref<1x2048xf32, #tpu.memory_space<vmem>>, vector<1x2048xf32>
    %add3A = arith.constant 1.000000e-30 : f32
    %add3A_5 = vector.broadcast %add3A : f32 to vector<1x2048xf32>
    %add3A_6 = arith.addf %get3A_4, %add3A_5 : vector<1x2048xf32>
    %div3A = arith.constant 1.000000e+00 : f32
    %div3A_7 = vector.broadcast %div3A : f32 to vector<1x2048xf32>
    %div3A_8 = arith.divf %div3A_7, %add3A_6 : vector<1x2048xf32>
    %mul3A = vector.broadcast %div3A_8 : vector<1x2048xf32> to vector<128x2048xf32>
    %mul3A_9 = arith.mulf %get3A_1, %mul3A : vector<128x2048xf32>
    %get3A_10 = arith.constant 0 : index
    %get3A_11 = arith.constant 0 : index
    %get3A_12 = vector.load %arg4[%get3A_10, %get3A_11] : memref<128x128xf32, #tpu.memory_space<vmem>>, vector<128x128xf32>
    %get3A_13 = arith.constant 0 : index
    %get3A_14 = arith.constant 0 : index
    %get3A_15 = vector.load %arg1[%get3A_13, %get3A_14] : memref<128x2048xf32, #tpu.memory_space<vmem>>, vector<128x2048xf32>
    %convert_element_type3A = arith.truncf %get3A_12 : vector<128x128xf32> to vector<128x128xbf16>
    %convert_element_type3A_16 = arith.truncf %get3A_15 : vector<128x2048xf32> to vector<128x2048xbf16>
    %dot_general3A = arith.constant dense<0.000000e+00> : vector<128x2048xf32>
    %dot_general3A_17 = tpu.matmul %convert_element_type3A, %convert_element_type3A_16, %dot_general3A {dimension_numbers = #tpu.dot_dimension_numbers<[1], [0], [0], [1], [0, 0, 1, 1], [], []>, transpose_lhs_hint = false} : vector<128x128xbf16>, vector<128x2048xbf16>, vector<128x2048xf32> -> vector<128x2048xf32>
    %get3A_18 = arith.constant 0 : index
    %get3A_19 = arith.constant 0 : index
    %get3A_20 = vector.load %arg5[%get3A_18, %get3A_19] : memref<128x128xf32, #tpu.memory_space<vmem>>, vector<128x128xf32>
    %convert_element_type3A_21 = arith.truncf %get3A_20 : vector<128x128xf32> to vector<128x128xbf16>
    %convert_element_type3A_22 = arith.truncf %mul3A_9 : vector<128x2048xf32> to vector<128x2048xbf16>
    %dot_general3A_23 = arith.constant dense<0.000000e+00> : vector<128x2048xf32>
    %dot_general3A_24 = tpu.matmul %convert_element_type3A_21, %convert_element_type3A_22, %dot_general3A_23 {dimension_numbers = #tpu.dot_dimension_numbers<[1], [0], [0], [1], [0, 0, 1, 1], [], []>, transpose_lhs_hint = false} : vector<128x128xbf16>, vector<128x2048xbf16>, vector<128x2048xf32> -> vector<128x2048xf32>
    %add3A_25 = arith.addf %dot_general3A_17, %dot_general3A_24 : vector<128x2048xf32>
    %max3A = arith.constant 0.000000e+00 : f32
    %max3A_26 = vector.broadcast %max3A : f32 to vector<128x2048xf32>
    %max3A_27 = arith.maximumf %add3A_25, %max3A_26 : vector<128x2048xf32>
    %swap3A = arith.constant 0 : index
    %swap3A_28 = arith.constant 0 : index
    %swap3A_29 = vector.load %arg7[%swap3A, %swap3A_28] : memref<128x2048xf32, #tpu.memory_space<vmem>>, vector<128x2048xf32>
    tpu.vector_store %arg7[%swap3A, %swap3A_28], %max3A_27 {strides = array<i32>} : memref<128x2048xf32, #tpu.memory_space<vmem>>, vector<128x2048xf32>,
    %get3A_30 = arith.constant 0 : index
    %get3A_31 = arith.constant 0 : index
    %get3A_32 = vector.load %arg6[%get3A_30, %get3A_31] : memref<2x128xf32, #tpu.memory_space<vmem>>, vector<2x128xf32>
    %convert_element_type3A_33 = arith.truncf %get3A_32 : vector<2x128xf32> to vector<2x128xbf16>
    %convert_element_type3A_34 = arith.truncf %max3A_27 : vector<128x2048xf32> to vector<128x2048xbf16>
    %dot_general3A_35 = arith.constant dense<0.000000e+00> : vector<2x2048xf32>
    %dot_general3A_36 = tpu.matmul %convert_element_type3A_33, %convert_element_type3A_34, %dot_general3A_35 {dimension_numbers = #tpu.dot_dimension_numbers<[1], [0], [0], [1], [0, 0, 1, 1], [], []>, transpose_lhs_hint = false} : vector<2x128xbf16>, vector<128x2048xbf16>, vector<2x2048xf32> -> vector<2x2048xf32>
    %swap3A_37 = arith.constant 0 : index
    %swap3A_38 = arith.constant 0 : index
    %swap3A_39 = vector.load %arg8[%swap3A_37, %swap3A_38] : memref<2x2048xf32, #tpu.memory_space<vmem>>, vector<2x2048xf32>
    tpu.vector_store %arg8[%swap3A_37, %swap3A_38], %dot_general3A_36 {strides = array<i32>} : memref<2x2048xf32, #tpu.memory_space<vmem>>, vector<2x2048xf32>,
    %reduce_max3A = arith.constant dense<0xFF800000> : vector<2xf32>
    %reduce_max3A_40 = vector.multi_reduction <maximumf>, %dot_general3A_36, %reduce_max3A [1] : vector<2x2048xf32> to vector<2xf32>
    %broadcast_in_dim3A = vector.shape_cast %reduce_max3A_40 : vector<2xf32> to vector<2x1xf32>
    %eq3A = arith.constant 0 : i32
    %eq3A_41 = arith.cmpi eq, %arg0, %eq3A : i32
    %convert_element_type3A_42 = arith.extui %eq3A_41 : i1 to i32
    %cond3A = arith.constant 0 : i32
    %cond3A_43 = arith.cmpi ne, %convert_element_type3A_42, %cond3A : i32
    scf.if %cond3A_43 {
      %swap3A_48 = arith.constant 0 : index
      %swap3A_49 = arith.constant 0 : index
      %swap3A_50 = vector.load %arg9[%swap3A_48, %swap3A_49] : memref<2x1xf32, #tpu.memory_space<vmem>>, vector<2x1xf32>
      tpu.vector_store %arg9[%swap3A_48, %swap3A_49], %broadcast_in_dim3A {strides = array<i32>} : memref<2x1xf32, #tpu.memory_space<vmem>>, vector<2x1xf32>,
    } else {
    }
    %gt3A = arith.constant 0 : i32
    %gt3A_44 = arith.cmpi sgt, %arg0, %gt3A : i32
    %convert_element_type3A_45 = arith.extui %gt3A_44 : i1 to i32
    %cond3A_46 = arith.constant 0 : i32
    %cond3A_47 = arith.cmpi ne, %convert_element_type3A_45, %cond3A_46 : i32
    scf.if %cond3A_47 {
      %get3A_48 = arith.constant 0 : index
      %get3A_49 = arith.constant 0 : index
      %get3A_50 = vector.load %arg9[%get3A_48, %get3A_49] : memref<2x1xf32, #tpu.memory_space<vmem>>, vector<2x1xf32>
      %max3A_51 = arith.maximumf %get3A_50, %broadcast_in_dim3A : vector<2x1xf32>
      %swap3A_52 = arith.constant 0 : index
      %swap3A_53 = arith.constant 0 : index
      %swap3A_54 = vector.load %arg9[%swap3A_52, %swap3A_53] : memref<2x1xf32, #tpu.memory_space<vmem>>, vector<2x1xf32>
      tpu.vector_store %arg9[%swap3A_52, %swap3A_53], %max3A_51 {strides = array<i32>} : memref<2x1xf32, #tpu.memory_space<vmem>>, vector<2x1xf32>,
    } else {
    }
    return
  }
  func.func @transform_0(%arg0: i32) -> (i32, i32) {
    %c0_i32 = arith.constant 0 : i32
    %c0_i32_0 = arith.constant 0 : i32
    return %c0_i32, %arg0 : i32, i32
  }
  func.func @transform_1(%arg0: i32) -> (i32, i32) {
    %c0_i32 = arith.constant 0 : i32
    %c0_i32_0 = arith.constant 0 : i32
    return %c0_i32, %arg0 : i32, i32
  }
  func.func @transform_2(%arg0: i32) -> (i32, i32) {
    %c0_i32 = arith.constant 0 : i32
    %c0_i32_0 = arith.constant 0 : i32
    return %c0_i32, %arg0 : i32, i32
  }
  func.func @transform_3(%arg0: i32) -> (i32, i32) {
    %c0_i32 = arith.constant 0 : i32
    %c0_i32_0 = arith.constant 0 : i32
    %c0_i32_1 = arith.constant 0 : i32
    return %c0_i32, %c0_i32_0 : i32, i32
  }
  func.func @transform_4(%arg0: i32) -> (i32, i32) {
    %c0_i32 = arith.constant 0 : i32
    %c0_i32_0 = arith.constant 0 : i32
    %c0_i32_1 = arith.constant 0 : i32
    return %c0_i32, %c0_i32_0 : i32, i32
  }
  func.func @transform_5(%arg0: i32) -> (i32, i32) {
    %c0_i32 = arith.constant 0 : i32
    %c0_i32_0 = arith.constant 0 : i32
    %c0_i32_1 = arith.constant 0 : i32
    return %c0_i32, %c0_i32_0 : i32, i32
  }
  func.func @transform_6(%arg0: i32) -> (i32, i32) {
    %c0_i32 = arith.constant 0 : i32
    %c0_i32_0 = arith.constant 0 : i32
    return %c0_i32, %arg0 : i32, i32
  }
  func.func @transform_7(%arg0: i32) -> (i32, i32) {
    %c0_i32 = arith.constant 0 : i32
    %c0_i32_0 = arith.constant 0 : i32
    return %c0_i32, %arg0 : i32, i32
  }
  func.func @transform_8(%arg0: i32) -> (i32, i32) {
    %c0_i32 = arith.constant 0 : i32
    %c0_i32_0 = arith.constant 0 : i32
    %c0_i32_1 = arith.constant 0 : i32
    return %c0_i32, %c0_i32_0 : i32, i32
  }
}

module attributes {stable_mosaic.version = 14 : i64} {
  func.func @_layer_body(%arg0: i32, %arg1: memref<128x2048xf32, #tpu.memory_space<vmem>>, %arg2: memref<128x2048xf32, #tpu.memory_space<vmem>>, %arg3: memref<1x2048xf32, #tpu.memory_space<vmem>>, %arg4: memref<128x128xf32, #tpu.memory_space<vmem>>, %arg5: memref<128x128xf32, #tpu.memory_space<vmem>>, %arg6: memref<2x128xf32, #tpu.memory_space<vmem>>, %arg7: memref<128x2048xf32, #tpu.memory_space<vmem>>, %arg8: memref<2x2048xf32, #tpu.memory_space<vmem>>, %arg9: memref<2x1xf32, #tpu.memory_space<vmem>>) attributes {dimension_semantics = [#tpu.dimension_semantics<arbitrary>], iteration_bounds = array<i64: 5>, scalar_prefetch = 0 : i64, scratch_operands = 0 : i64, tpu.core_type = #tpu.core_type<tc>, window_params = [{transform_indices = @transform_0, window_bounds = array<i64: 128, 2048>}, {transform_indices = @transform_1, window_bounds = array<i64: 128, 2048>}, {transform_indices = @transform_2, window_bounds = array<i64: 1, 2048>}, {pipeline_mode = #tpu.pipeline_mode<synchronous>, transform_indices = @transform_3, window_bounds = array<i64: 128, 128>}, {pipeline_mode = #tpu.pipeline_mode<synchronous>, transform_indices = @transform_4, window_bounds = array<i64: 128, 128>}, {pipeline_mode = #tpu.pipeline_mode<synchronous>, transform_indices = @transform_5, window_bounds = array<i64: 2, 128>}, {transform_indices = @transform_6, window_bounds = array<i64: 128, 2048>}, {transform_indices = @transform_7, window_bounds = array<i64: 2, 2048>}, {pipeline_mode = #tpu.pipeline_mode<synchronous>, transform_indices = @transform_8, window_bounds = array<i64: 2, 1>}]} {
    %get3A = arith.constant 0 : index
    %get3A_0 = arith.constant 0 : index
    %get3A_1 = vector.load %arg2[%get3A, %get3A_0] : memref<128x2048xf32, #tpu.memory_space<vmem>>, vector<128x2048xf32>
    %get3A_2 = arith.constant 0 : index
    %get3A_3 = arith.constant 0 : index
    %get3A_4 = vector.load %arg3[%get3A_2, %get3A_3] : memref<1x2048xf32, #tpu.memory_space<vmem>>, vector<1x2048xf32>
    %add3A = arith.constant 1.000000e-30 : f32
    %add3A_5 = vector.broadcast %add3A : f32 to vector<1x2048xf32>
    %add3A_6 = arith.addf %get3A_4, %add3A_5 : vector<1x2048xf32>
    %div3A = arith.constant 1.000000e+00 : f32
    %div3A_7 = vector.broadcast %div3A : f32 to vector<1x2048xf32>
    %div3A_8 = arith.divf %div3A_7, %add3A_6 : vector<1x2048xf32>
    %mul3A = vector.broadcast %div3A_8 : vector<1x2048xf32> to vector<128x2048xf32>
    %mul3A_9 = arith.mulf %get3A_1, %mul3A : vector<128x2048xf32>
    %get3A_10 = arith.constant 0 : index
    %get3A_11 = arith.constant 0 : index
    %get3A_12 = vector.load %arg4[%get3A_10, %get3A_11] : memref<128x128xf32, #tpu.memory_space<vmem>>, vector<128x128xf32>
    %get3A_13 = arith.constant 0 : index
    %get3A_14 = arith.constant 0 : index
    %get3A_15 = vector.load %arg1[%get3A_13, %get3A_14] : memref<128x2048xf32, #tpu.memory_space<vmem>>, vector<128x2048xf32>
    %convert_element_type3A = arith.truncf %get3A_12 : vector<128x128xf32> to vector<128x128xbf16>
    %convert_element_type3A_16 = arith.truncf %get3A_15 : vector<128x2048xf32> to vector<128x2048xbf16>
    %dot_general3A = arith.constant dense<0.000000e+00> : vector<128x2048xf32>
    %dot_general3A_17 = tpu.matmul %convert_element_type3A, %convert_element_type3A_16, %dot_general3A {dimension_numbers = #tpu.dot_dimension_numbers<[1], [0], [0], [1], [0, 0, 1, 1], [], []>, transpose_lhs_hint = false} : vector<128x128xbf16>, vector<128x2048xbf16>, vector<128x2048xf32> -> vector<128x2048xf32>
    %get3A_18 = arith.constant 0 : index
    %get3A_19 = arith.constant 0 : index
    %get3A_20 = vector.load %arg5[%get3A_18, %get3A_19] : memref<128x128xf32, #tpu.memory_space<vmem>>, vector<128x128xf32>
    %convert_element_type3A_21 = arith.truncf %get3A_20 : vector<128x128xf32> to vector<128x128xbf16>
    %convert_element_type3A_22 = arith.truncf %mul3A_9 : vector<128x2048xf32> to vector<128x2048xbf16>
    %dot_general3A_23 = arith.constant dense<0.000000e+00> : vector<128x2048xf32>
    %dot_general3A_24 = tpu.matmul %convert_element_type3A_21, %convert_element_type3A_22, %dot_general3A_23 {dimension_numbers = #tpu.dot_dimension_numbers<[1], [0], [0], [1], [0, 0, 1, 1], [], []>, transpose_lhs_hint = false} : vector<128x128xbf16>, vector<128x2048xbf16>, vector<128x2048xf32> -> vector<128x2048xf32>
    %add3A_25 = arith.addf %dot_general3A_17, %dot_general3A_24 : vector<128x2048xf32>
    %max3A = arith.constant 0.000000e+00 : f32
    %max3A_26 = vector.broadcast %max3A : f32 to vector<128x2048xf32>
    %max3A_27 = arith.maximumf %add3A_25, %max3A_26 : vector<128x2048xf32>
    %swap3A = arith.constant 0 : index
    %swap3A_28 = arith.constant 0 : index
    %swap3A_29 = vector.load %arg7[%swap3A, %swap3A_28] : memref<128x2048xf32, #tpu.memory_space<vmem>>, vector<128x2048xf32>
    tpu.vector_store %arg7[%swap3A, %swap3A_28], %max3A_27 {strides = array<i32>} : memref<128x2048xf32, #tpu.memory_space<vmem>>, vector<128x2048xf32>,
    %get3A_30 = arith.constant 0 : index
    %get3A_31 = arith.constant 0 : index
    %get3A_32 = vector.load %arg6[%get3A_30, %get3A_31] : memref<2x128xf32, #tpu.memory_space<vmem>>, vector<2x128xf32>
    %convert_element_type3A_33 = arith.truncf %get3A_32 : vector<2x128xf32> to vector<2x128xbf16>
    %convert_element_type3A_34 = arith.truncf %max3A_27 : vector<128x2048xf32> to vector<128x2048xbf16>
    %dot_general3A_35 = arith.constant dense<0.000000e+00> : vector<2x2048xf32>
    %dot_general3A_36 = tpu.matmul %convert_element_type3A_33, %convert_element_type3A_34, %dot_general3A_35 {dimension_numbers = #tpu.dot_dimension_numbers<[1], [0], [0], [1], [0, 0, 1, 1], [], []>, transpose_lhs_hint = false} : vector<2x128xbf16>, vector<128x2048xbf16>, vector<2x2048xf32> -> vector<2x2048xf32>
    %swap3A_37 = arith.constant 0 : index
    %swap3A_38 = arith.constant 0 : index
    %swap3A_39 = vector.load %arg8[%swap3A_37, %swap3A_38] : memref<2x2048xf32, #tpu.memory_space<vmem>>, vector<2x2048xf32>
    tpu.vector_store %arg8[%swap3A_37, %swap3A_38], %dot_general3A_36 {strides = array<i32>} : memref<2x2048xf32, #tpu.memory_space<vmem>>, vector<2x2048xf32>,
    %reduce_max3A = arith.constant dense<0xFF800000> : vector<2xf32>
    %reduce_max3A_40 = vector.multi_reduction <maximumf>, %dot_general3A_36, %reduce_max3A [1] : vector<2x2048xf32> to vector<2xf32>
    %broadcast_in_dim3A = vector.shape_cast %reduce_max3A_40 : vector<2xf32> to vector<2x1xf32>
    %eq3A = arith.constant 0 : i32
    %eq3A_41 = arith.cmpi eq, %arg0, %eq3A : i32
    %convert_element_type3A_42 = arith.extui %eq3A_41 : i1 to i32
    %cond3A = arith.constant 0 : i32
    %cond3A_43 = arith.cmpi ne, %convert_element_type3A_42, %cond3A : i32
    scf.if %cond3A_43 {
      %swap3A_48 = arith.constant 0 : index
      %swap3A_49 = arith.constant 0 : index
      %swap3A_50 = vector.load %arg9[%swap3A_48, %swap3A_49] : memref<2x1xf32, #tpu.memory_space<vmem>>, vector<2x1xf32>
      tpu.vector_store %arg9[%swap3A_48, %swap3A_49], %broadcast_in_dim3A {strides = array<i32>} : memref<2x1xf32, #tpu.memory_space<vmem>>, vector<2x1xf32>,
    } else {
    }
    %gt3A = arith.constant 0 : i32
    %gt3A_44 = arith.cmpi sgt, %arg0, %gt3A : i32
    %convert_element_type3A_45 = arith.extui %gt3A_44 : i1 to i32
    %cond3A_46 = arith.constant 0 : i32
    %cond3A_47 = arith.cmpi ne, %convert_element_type3A_45, %cond3A_46 : i32
    scf.if %cond3A_47 {
      %get3A_48 = arith.constant 0 : index
      %get3A_49 = arith.constant 0 : index
      %get3A_50 = vector.load %arg9[%get3A_48, %get3A_49] : memref<2x1xf32, #tpu.memory_space<vmem>>, vector<2x1xf32>
      %max3A_51 = arith.maximumf %get3A_50, %broadcast_in_dim3A : vector<2x1xf32>
      %swap3A_52 = arith.constant 0 : index
      %swap3A_53 = arith.constant 0 : index
      %swap3A_54 = vector.load %arg9[%swap3A_52, %swap3A_53] : memref<2x1xf32, #tpu.memory_space<vmem>>, vector<2x1xf32>
      tpu.vector_store %arg9[%swap3A_52, %swap3A_53], %max3A_51 {strides = array<i32>} : memref<2x1xf32, #tpu.memory_space<vmem>>, vector<2x1xf32>,
    } else {
    }
    return
  }
  func.func @transform_0(%arg0: i32) -> (i32, i32) {
    %c0_i32 = arith.constant 0 : i32
    %c0_i32_0 = arith.constant 0 : i32
    return %c0_i32, %arg0 : i32, i32
  }
  func.func @transform_1(%arg0: i32) -> (i32, i32) {
    %c0_i32 = arith.constant 0 : i32
    %c0_i32_0 = arith.constant 0 : i32
    return %c0_i32, %arg0 : i32, i32
  }
  func.func @transform_2(%arg0: i32) -> (i32, i32) {
    %c0_i32 = arith.constant 0 : i32
    %c0_i32_0 = arith.constant 0 : i32
    return %c0_i32, %arg0 : i32, i32
  }
  func.func @transform_3(%arg0: i32) -> (i32, i32) {
    %c0_i32 = arith.constant 0 : i32
    %c0_i32_0 = arith.constant 0 : i32
    %c0_i32_1 = arith.constant 0 : i32
    return %c0_i32, %c0_i32_0 : i32, i32
  }
  func.func @transform_4(%arg0: i32) -> (i32, i32) {
    %c0_i32 = arith.constant 0 : i32
    %c0_i32_0 = arith.constant 0 : i32
    %c0_i32_1 = arith.constant 0 : i32
    return %c0_i32, %c0_i32_0 : i32, i32
  }
  func.func @transform_5(%arg0: i32) -> (i32, i32) {
    %c0_i32 = arith.constant 0 : i32
    %c0_i32_0 = arith.constant 0 : i32
    %c0_i32_1 = arith.constant 0 : i32
    return %c0_i32, %c0_i32_0 : i32, i32
  }
  func.func @transform_6(%arg0: i32) -> (i32, i32) {
    %c0_i32 = arith.constant 0 : i32
    %c0_i32_0 = arith.constant 0 : i32
    return %c0_i32, %arg0 : i32, i32
  }
  func.func @transform_7(%arg0: i32) -> (i32, i32) {
    %c0_i32 = arith.constant 0 : i32
    %c0_i32_0 = arith.constant 0 : i32
    return %c0_i32, %arg0 : i32, i32
  }
  func.func @transform_8(%arg0: i32) -> (i32, i32) {
    %c0_i32 = arith.constant 0 : i32
    %c0_i32_0 = arith.constant 0 : i32
    %c0_i32_1 = arith.constant 0 : i32
    return %c0_i32, %c0_i32_0 : i32, i32
  }
}

module attributes {stable_mosaic.version = 14 : i64} {
  func.func @_final_body(%arg0: memref<128x10240xf32, #tpu.memory_space<vmem>>, %arg1: memref<1x10240xi32, #tpu.memory_space<vmem>>, %arg2: memref<128x128xf32, #tpu.memory_space<vmem>>, %arg3: memref<128x1xf32, #tpu.memory_space<vmem>>, %arg4: memref<128x1xf32, #tpu.memory_space<vmem>>, %arg5: memref<128x1xf32, #tpu.memory_space<vmem>>, %arg6: memref<128x128xf32, #tpu.memory_space<vmem>>, %arg7: memref<1x128xf32, #tpu.memory_space<vmem>>, %arg8: memref<128x128xf32, #tpu.memory_space<vmem>>, %arg9: memref<128x1xf32, #tpu.memory_space<vmem>>, %arg10: memref<128x1xf32, #tpu.memory_space<vmem>>, %arg11: memref<128x1xf32, #tpu.memory_space<vmem>>, %arg12: memref<64x128xf32, #tpu.memory_space<vmem>>, %arg13: memref<1x64xf32, #tpu.memory_space<vmem>>, %arg14: memref<10240x128xf32, #tpu.memory_space<vmem>>, %arg15: memref<64x64xf32, #tpu.memory_space<vmem>>) attributes {dimension_semantics = [], scalar_prefetch = 0 : i64, scratch_operands = 0 : i64, tpu.core_type = #tpu.core_type<tc>} {
    %get3A = arith.constant 0 : index
    %get3A_0 = arith.constant 0 : index
    %get3A_1 = vector.load %arg0[%get3A, %get3A_0] : memref<128x10240xf32, #tpu.memory_space<vmem>>, vector<128x10240xf32>
    %get3A_2 = arith.constant 0 : index
    %get3A_3 = arith.constant 0 : index
    %get3A_4 = vector.load %arg1[%get3A_2, %get3A_3] : memref<1x10240xi32, #tpu.memory_space<vmem>>, vector<1x10240xi32>
    %iota3A = tpu.iota {dimensions = array<i32: 0>} : vector<64x10240xi32>
    %eq3A = vector.broadcast %get3A_4 : vector<1x10240xi32> to vector<64x10240xi32>
    %eq3A_5 = arith.cmpi eq, %iota3A, %eq3A : vector<64x10240xi32>
    %convert_element_type3A = arith.extui %eq3A_5 : vector<64x10240xi1> to vector<64x10240xi32>
    %convert_element_type3A_6 = arith.sitofp %convert_element_type3A : vector<64x10240xi32> to vector<64x10240xf32>
    %mul3A = arith.mulf %get3A_1, %get3A_1 : vector<128x10240xf32>
    %reduce_sum3A = arith.constant dense<0.000000e+00> : vector<10240xf32>
    %reduce_sum3A_7 = vector.multi_reduction <add>, %mul3A, %reduce_sum3A [0] : vector<128x10240xf32> to vector<10240xf32>
    %broadcast_in_dim3A = vector.shape_cast %reduce_sum3A_7 : vector<10240xf32> to vector<1x10240xf32>
    %gt3A = arith.constant 0.000000e+00 : f32
    %gt3A_8 = vector.broadcast %gt3A : f32 to vector<64x10240xf32>
    %gt3A_9 = arith.cmpf ogt, %convert_element_type3A_6, %gt3A_8 : vector<64x10240xf32>
    %jit3A = arith.constant -3.000000e+38 : f32
    %broadcast_in_dim3A_10 = vector.shape_cast %broadcast_in_dim3A : vector<1x10240xf32> to vector<1x10240xf32>
    %broadcast_in_dim3A_11 = vector.broadcast %broadcast_in_dim3A_10 : vector<1x10240xf32> to vector<64x10240xf32>
    %broadcast_in_dim3A_12 = vector.broadcast %jit3A : f32 to vector<64x10240xf32>
    %select_n3A = arith.select %gt3A_9, %broadcast_in_dim3A_11, %broadcast_in_dim3A_12 : vector<64x10240xi1>, vector<64x10240xf32>
    %reduce_max3A = arith.constant dense<0xFF800000> : vector<64xf32>
    %reduce_max3A_13 = vector.multi_reduction <maximumf>, %select_n3A, %reduce_max3A [1] : vector<64x10240xf32> to vector<64xf32>
    %broadcast_in_dim3A_14 = vector.shape_cast %reduce_max3A_13 : vector<64xf32> to vector<64x1xf32>
    %gt3A_15 = arith.constant -1.500000e+38 : f32
    %gt3A_16 = vector.broadcast %gt3A_15 : f32 to vector<64x1xf32>
    %gt3A_17 = arith.cmpf ogt, %broadcast_in_dim3A_14, %gt3A_16 : vector<64x1xf32>
    %jit3A_18 = arith.constant 0.000000e+00 : f32
    %broadcast_in_dim3A_19 = vector.broadcast %jit3A_18 : f32 to vector<64x1xf32>
    %select_n3A_20 = arith.select %gt3A_17, %broadcast_in_dim3A_14, %broadcast_in_dim3A_19 : vector<64x1xi1>, vector<64x1xf32>
    %dot_general3A = arith.constant dense<0.000000e+00> : vector<1x10240xf32>
    %dot_general3A_21 = tpu.matmul %select_n3A_20, %convert_element_type3A_6, %dot_general3A {dimension_numbers = #tpu.dot_dimension_numbers<[0], [0], [1], [1], [0, 1, 1, 1], [], []>, precision = #tpu.contract_precision<fp32>, transpose_lhs_hint = false} : vector<64x1xf32>, vector<64x10240xf32>, vector<1x10240xf32> -> vector<1x10240xf32>
    %sub3A = arith.subf %broadcast_in_dim3A, %dot_general3A_21 : vector<1x10240xf32>
    %exp3A = math.exp %sub3A : vector<1x10240xf32>
    %dot_general3A_22 = arith.constant dense<0.000000e+00> : vector<64x1xf32>
    %dot_general3A_23 = tpu.matmul %convert_element_type3A_6, %exp3A, %dot_general3A_22 {dimension_numbers = #tpu.dot_dimension_numbers<[1], [1], [0], [0], [0, 0, 1, 0], [], []>, precision = #tpu.contract_precision<fp32>, transpose_lhs_hint = false} : vector<64x10240xf32>, vector<1x10240xf32>, vector<64x1xf32> -> vector<64x1xf32>
    %dot_general3A_24 = arith.constant dense<0.000000e+00> : vector<1x10240xf32>
    %dot_general3A_25 = tpu.matmul %dot_general3A_23, %convert_element_type3A_6, %dot_general3A_24 {dimension_numbers = #tpu.dot_dimension_numbers<[0], [0], [1], [1], [0, 1, 1, 1], [], []>, precision = #tpu.contract_precision<fp32>, transpose_lhs_hint = false} : vector<64x1xf32>, vector<64x10240xf32>, vector<1x10240xf32> -> vector<1x10240xf32>
    %add3A = arith.constant 1.000000e-16 : f32
    %add3A_26 = vector.broadcast %add3A : f32 to vector<1x10240xf32>
    %add3A_27 = arith.addf %dot_general3A_25, %add3A_26 : vector<1x10240xf32>
    %div3A = arith.divf %exp3A, %add3A_27 : vector<1x10240xf32>
    %mul3A_28 = arith.mulf %div3A, %broadcast_in_dim3A : vector<1x10240xf32>
    %gt3A_29 = arith.constant 0.000000e+00 : f32
    %gt3A_30 = vector.broadcast %gt3A_29 : f32 to vector<64x10240xf32>
    %gt3A_31 = arith.cmpf ogt, %convert_element_type3A_6, %gt3A_30 : vector<64x10240xf32>
    %jit3A_32 = arith.constant -3.000000e+38 : f32
    %broadcast_in_dim3A_33 = vector.shape_cast %mul3A_28 : vector<1x10240xf32> to vector<1x10240xf32>
    %broadcast_in_dim3A_34 = vector.broadcast %broadcast_in_dim3A_33 : vector<1x10240xf32> to vector<64x10240xf32>
    %broadcast_in_dim3A_35 = vector.broadcast %jit3A_32 : f32 to vector<64x10240xf32>
    %select_n3A_36 = arith.select %gt3A_31, %broadcast_in_dim3A_34, %broadcast_in_dim3A_35 : vector<64x10240xi1>, vector<64x10240xf32>
    %reduce_max3A_37 = arith.constant dense<0xFF800000> : vector<64xf32>
    %reduce_max3A_38 = vector.multi_reduction <maximumf>, %select_n3A_36, %reduce_max3A_37 [1] : vector<64x10240xf32> to vector<64xf32>
    %broadcast_in_dim3A_39 = vector.shape_cast %reduce_max3A_38 : vector<64xf32> to vector<64x1xf32>
    %gt3A_40 = arith.constant -1.500000e+38 : f32
    %gt3A_41 = vector.broadcast %gt3A_40 : f32 to vector<64x1xf32>
    %gt3A_42 = arith.cmpf ogt, %broadcast_in_dim3A_39, %gt3A_41 : vector<64x1xf32>
    %jit3A_43 = arith.constant 0.000000e+00 : f32
    %broadcast_in_dim3A_44 = vector.broadcast %jit3A_43 : f32 to vector<64x1xf32>
    %select_n3A_45 = arith.select %gt3A_42, %broadcast_in_dim3A_39, %broadcast_in_dim3A_44 : vector<64x1xi1>, vector<64x1xf32>
    %dot_general3A_46 = arith.constant dense<0.000000e+00> : vector<1x10240xf32>
    %dot_general3A_47 = tpu.matmul %select_n3A_45, %convert_element_type3A_6, %dot_general3A_46 {dimension_numbers = #tpu.dot_dimension_numbers<[0], [0], [1], [1], [0, 1, 1, 1], [], []>, precision = #tpu.contract_precision<fp32>, transpose_lhs_hint = false} : vector<64x1xf32>, vector<64x10240xf32>, vector<1x10240xf32> -> vector<1x10240xf32>
    %sub3A_48 = arith.subf %mul3A_28, %dot_general3A_47 : vector<1x10240xf32>
    %exp3A_49 = math.exp %sub3A_48 : vector<1x10240xf32>
    %dot_general3A_50 = arith.constant dense<0.000000e+00> : vector<64x1xf32>
    %dot_general3A_51 = tpu.matmul %convert_element_type3A_6, %exp3A_49, %dot_general3A_50 {dimension_numbers = #tpu.dot_dimension_numbers<[1], [1], [0], [0], [0, 0, 1, 0], [], []>, precision = #tpu.contract_precision<fp32>, transpose_lhs_hint = false} : vector<64x10240xf32>, vector<1x10240xf32>, vector<64x1xf32> -> vector<64x1xf32>
    %dot_general3A_52 = arith.constant dense<0.000000e+00> : vector<1x10240xf32>
    %dot_general3A_53 = tpu.matmul %dot_general3A_51, %convert_element_type3A_6, %dot_general3A_52 {dimension_numbers = #tpu.dot_dimension_numbers<[0], [0], [1], [1], [0, 1, 1, 1], [], []>, precision = #tpu.contract_precision<fp32>, transpose_lhs_hint = false} : vector<64x1xf32>, vector<64x10240xf32>, vector<1x10240xf32> -> vector<1x10240xf32>
    %add3A_54 = arith.constant 1.000000e-16 : f32
    %add3A_55 = vector.broadcast %add3A_54 : f32 to vector<1x10240xf32>
    %add3A_56 = arith.addf %dot_general3A_53, %add3A_55 : vector<1x10240xf32>
    %div3A_57 = arith.divf %exp3A_49, %add3A_56 : vector<1x10240xf32>
    %mul3A_58 = arith.mulf %div3A_57, %broadcast_in_dim3A : vector<1x10240xf32>
    %gt3A_59 = arith.constant 0.000000e+00 : f32
    %gt3A_60 = vector.broadcast %gt3A_59 : f32 to vector<64x10240xf32>
    %gt3A_61 = arith.cmpf ogt, %convert_element_type3A_6, %gt3A_60 : vector<64x10240xf32>
    %jit3A_62 = arith.constant -3.000000e+38 : f32
    %broadcast_in_dim3A_63 = vector.shape_cast %mul3A_58 : vector<1x10240xf32> to vector<1x10240xf32>
    %broadcast_in_dim3A_64 = vector.broadcast %broadcast_in_dim3A_63 : vector<1x10240xf32> to vector<64x10240xf32>
    %broadcast_in_dim3A_65 = vector.broadcast %jit3A_62 : f32 to vector<64x10240xf32>
    %select_n3A_66 = arith.select %gt3A_61, %broadcast_in_dim3A_64, %broadcast_in_dim3A_65 : vector<64x10240xi1>, vector<64x10240xf32>
    %reduce_max3A_67 = arith.constant dense<0xFF800000> : vector<64xf32>
    %reduce_max3A_68 = vector.multi_reduction <maximumf>, %select_n3A_66, %reduce_max3A_67 [1] : vector<64x10240xf32> to vector<64xf32>
    %broadcast_in_dim3A_69 = vector.shape_cast %reduce_max3A_68 : vector<64xf32> to vector<64x1xf32>
    %gt3A_70 = arith.constant -1.500000e+38 : f32
    %gt3A_71 = vector.broadcast %gt3A_70 : f32 to vector<64x1xf32>
    %gt3A_72 = arith.cmpf ogt, %broadcast_in_dim3A_69, %gt3A_71 : vector<64x1xf32>
    %jit3A_73 = arith.constant 0.000000e+00 : f32
    %broadcast_in_dim3A_74 = vector.broadcast %jit3A_73 : f32 to vector<64x1xf32>
    %select_n3A_75 = arith.select %gt3A_72, %broadcast_in_dim3A_69, %broadcast_in_dim3A_74 : vector<64x1xi1>, vector<64x1xf32>
    %dot_general3A_76 = arith.constant dense<0.000000e+00> : vector<1x10240xf32>
    %dot_general3A_77 = tpu.matmul %select_n3A_75, %convert_element_type3A_6, %dot_general3A_76 {dimension_numbers = #tpu.dot_dimension_numbers<[0], [0], [1], [1], [0, 1, 1, 1], [], []>, precision = #tpu.contract_precision<fp32>, transpose_lhs_hint = false} : vector<64x1xf32>, vector<64x10240xf32>, vector<1x10240xf32> -> vector<1x10240xf32>
    %sub3A_78 = arith.subf %mul3A_58, %dot_general3A_77 : vector<1x10240xf32>
    %exp3A_79 = math.exp %sub3A_78 : vector<1x10240xf32>
    %dot_general3A_80 = arith.constant dense<0.000000e+00> : vector<64x1xf32>
    %dot_general3A_81 = tpu.matmul %convert_element_type3A_6, %exp3A_79, %dot_general3A_80 {dimension_numbers = #tpu.dot_dimension_numbers<[1], [1], [0], [0], [0, 0, 1, 0], [], []>, precision = #tpu.contract_precision<fp32>, transpose_lhs_hint = false} : vector<64x10240xf32>, vector<1x10240xf32>, vector<64x1xf32> -> vector<64x1xf32>
    %dot_general3A_82 = arith.constant dense<0.000000e+00> : vector<1x10240xf32>
    %dot_general3A_83 = tpu.matmul %dot_general3A_81, %convert_element_type3A_6, %dot_general3A_82 {dimension_numbers = #tpu.dot_dimension_numbers<[0], [0], [1], [1], [0, 1, 1, 1], [], []>, precision = #tpu.contract_precision<fp32>, transpose_lhs_hint = false} : vector<64x1xf32>, vector<64x10240xf32>, vector<1x10240xf32> -> vector<1x10240xf32>
    %add3A_84 = arith.constant 1.000000e-16 : f32
    %add3A_85 = vector.broadcast %add3A_84 : f32 to vector<1x10240xf32>
    %add3A_86 = arith.addf %dot_general3A_83, %add3A_85 : vector<1x10240xf32>
    %div3A_87 = arith.divf %exp3A_79, %add3A_86 : vector<1x10240xf32>
    %mul3A_88 = vector.broadcast %div3A_87 : vector<1x10240xf32> to vector<128x10240xf32>
    %mul3A_89 = arith.mulf %get3A_1, %mul3A_88 : vector<128x10240xf32>
    %dot_general3A_90 = arith.constant dense<0.000000e+00> : vector<128x64xf32>
    %dot_general3A_91 = tpu.matmul %mul3A_89, %convert_element_type3A_6, %dot_general3A_90 {dimension_numbers = #tpu.dot_dimension_numbers<[1], [1], [0], [0], [0, 0, 1, 0], [], []>, precision = #tpu.contract_precision<fp32>, transpose_lhs_hint = false} : vector<128x10240xf32>, vector<64x10240xf32>, vector<128x64xf32> -> vector<128x64xf32>
    %iota3A_92 = tpu.iota {dimensions = array<i32: 1>} : vector<128x10240xi32>
    %lt3A = arith.constant 10000 : i32
    %lt3A_93 = vector.broadcast %lt3A : i32 to vector<128x10240xi32>
    %lt3A_94 = arith.cmpi slt, %iota3A_92, %lt3A_93 : vector<128x10240xi32>
    %convert_element_type3A_95 = arith.extui %lt3A_94 : vector<128x10240xi1> to vector<128x10240xi32>
    %convert_element_type3A_96 = arith.sitofp %convert_element_type3A_95 : vector<128x10240xi32> to vector<128x10240xf32>
    %get3A_97 = arith.constant 0 : index
    %get3A_98 = arith.constant 0 : index
    %get3A_99 = vector.load %arg2[%get3A_97, %get3A_98] : memref<128x128xf32, #tpu.memory_space<vmem>>, vector<128x128xf32>
    %convert_element_type3A_100 = arith.truncf %get3A_99 : vector<128x128xf32> to vector<128x128xbf16>
    %convert_element_type3A_101 = arith.truncf %get3A_1 : vector<128x10240xf32> to vector<128x10240xbf16>
    %dot_general3A_102 = arith.constant dense<0.000000e+00> : vector<128x10240xf32>
    %dot_general3A_103 = tpu.matmul %convert_element_type3A_100, %convert_element_type3A_101, %dot_general3A_102 {dimension_numbers = #tpu.dot_dimension_numbers<[1], [0], [0], [1], [0, 0, 1, 1], [], []>, transpose_lhs_hint = false} : vector<128x128xbf16>, vector<128x10240xbf16>, vector<128x10240xf32> -> vector<128x10240xf32>
    %get3A_104 = arith.constant 0 : index
    %get3A_105 = arith.constant 0 : index
    %get3A_106 = vector.load %arg3[%get3A_104, %get3A_105] : memref<128x1xf32, #tpu.memory_space<vmem>>, vector<128x1xf32>
    %add3A_107 = vector.broadcast %get3A_106 : vector<128x1xf32> to vector<128x10240xf32>
    %add3A_108 = arith.addf %dot_general3A_103, %add3A_107 : vector<128x10240xf32>
    %mul3A_109 = arith.mulf %add3A_108, %convert_element_type3A_96 : vector<128x10240xf32>
    %reduce_sum3A_110 = arith.constant dense<0.000000e+00> : vector<128xf32>
    %reduce_sum3A_111 = vector.multi_reduction <add>, %mul3A_109, %reduce_sum3A_110 [1] : vector<128x10240xf32> to vector<128xf32>
    %broadcast_in_dim3A_112 = vector.shape_cast %reduce_sum3A_111 : vector<128xf32> to vector<128x1xf32>
    %mul3A_113 = arith.constant 9.99999974E-5 : f32
    %mul3A_114 = vector.broadcast %mul3A_113 : f32 to vector<128x1xf32>
    %mul3A_115 = arith.mulf %broadcast_in_dim3A_112, %mul3A_114 : vector<128x1xf32>
    %sub3A_116 = vector.broadcast %mul3A_115 : vector<128x1xf32> to vector<128x10240xf32>
    %sub3A_117 = arith.subf %add3A_108, %sub3A_116 : vector<128x10240xf32>
    %mul3A_118 = arith.mulf %sub3A_117, %sub3A_117 : vector<128x10240xf32>
    %mul3A_119 = arith.mulf %mul3A_118, %convert_element_type3A_96 : vector<128x10240xf32>
    %reduce_sum3A_120 = arith.constant dense<0.000000e+00> : vector<128xf32>
    %reduce_sum3A_121 = vector.multi_reduction <add>, %mul3A_119, %reduce_sum3A_120 [1] : vector<128x10240xf32> to vector<128xf32>
    %broadcast_in_dim3A_122 = vector.shape_cast %reduce_sum3A_121 : vector<128xf32> to vector<128x1xf32>
    %mul3A_123 = arith.constant 9.99999974E-5 : f32
    %mul3A_124 = vector.broadcast %mul3A_123 : f32 to vector<128x1xf32>
    %mul3A_125 = arith.mulf %broadcast_in_dim3A_122, %mul3A_124 : vector<128x1xf32>
    %get3A_126 = arith.constant 0 : index
    %get3A_127 = arith.constant 0 : index
    %get3A_128 = vector.load %arg4[%get3A_126, %get3A_127] : memref<128x1xf32, #tpu.memory_space<vmem>>, vector<128x1xf32>
    %mul3A_129 = vector.broadcast %get3A_128 : vector<128x1xf32> to vector<128x10240xf32>
    %mul3A_130 = arith.mulf %mul3A_129, %sub3A_117 : vector<128x10240xf32>
    %add3A_131 = arith.constant 9.99999974E-6 : f32
    %add3A_132 = vector.broadcast %add3A_131 : f32 to vector<128x1xf32>
    %add3A_133 = arith.addf %mul3A_125, %add3A_132 : vector<128x1xf32>
    %rsqrt3A = math.rsqrt %add3A_133 : vector<128x1xf32>
    %mul3A_134 = vector.broadcast %rsqrt3A : vector<128x1xf32> to vector<128x10240xf32>
    %mul3A_135 = arith.mulf %mul3A_130, %mul3A_134 : vector<128x10240xf32>
    %get3A_136 = arith.constant 0 : index
    %get3A_137 = arith.constant 0 : index
    %get3A_138 = vector.load %arg5[%get3A_136, %get3A_137] : memref<128x1xf32, #tpu.memory_space<vmem>>, vector<128x1xf32>
    %add3A_139 = vector.broadcast %get3A_138 : vector<128x1xf32> to vector<128x10240xf32>
    %add3A_140 = arith.addf %mul3A_135, %add3A_139 : vector<128x10240xf32>
    %max3A = arith.constant 0.000000e+00 : f32
    %max3A_141 = vector.broadcast %max3A : f32 to vector<128x10240xf32>
    %max3A_142 = arith.maximumf %add3A_140, %max3A_141 : vector<128x10240xf32>
    %get3A_143 = arith.constant 0 : index
    %get3A_144 = arith.constant 0 : index
    %get3A_145 = vector.load %arg6[%get3A_143, %get3A_144] : memref<128x128xf32, #tpu.memory_space<vmem>>, vector<128x128xf32>
    %convert_element_type3A_146 = arith.truncf %max3A_142 : vector<128x10240xf32> to vector<128x10240xbf16>
    %convert_element_type3A_147 = arith.truncf %get3A_145 : vector<128x128xf32> to vector<128x128xbf16>
    %dot_general3A_148 = arith.constant dense<0.000000e+00> : vector<10240x128xf32>
    %dot_general3A_149 = tpu.matmul %convert_element_type3A_146, %convert_element_type3A_147, %dot_general3A_148 {dimension_numbers = #tpu.dot_dimension_numbers<[0], [1], [1], [0], [0, 1, 1, 0], [], []>, transpose_lhs_hint = false} : vector<128x10240xbf16>, vector<128x128xbf16>, vector<10240x128xf32> -> vector<10240x128xf32>
    %get3A_150 = arith.constant 0 : index
    %get3A_151 = arith.constant 0 : index
    %get3A_152 = vector.load %arg7[%get3A_150, %get3A_151] : memref<1x128xf32, #tpu.memory_space<vmem>>, vector<1x128xf32>
    %add3A_153 = vector.broadcast %get3A_152 : vector<1x128xf32> to vector<10240x128xf32>
    %add3A_154 = arith.addf %dot_general3A_149, %add3A_153 : vector<10240x128xf32>
    %swap3A = arith.constant 0 : index
    %swap3A_155 = arith.constant 0 : index
    %swap3A_156 = vector.load %arg14[%swap3A, %swap3A_155] : memref<10240x128xf32, #tpu.memory_space<vmem>>, vector<10240x128xf32>
    tpu.vector_store %arg14[%swap3A, %swap3A_155], %add3A_154 {strides = array<i32>} : memref<10240x128xf32, #tpu.memory_space<vmem>>, vector<10240x128xf32>,
    %get3A_157 = arith.constant 0 : index
    %get3A_158 = arith.constant 0 : index
    %get3A_159 = vector.load %arg8[%get3A_157, %get3A_158] : memref<128x128xf32, #tpu.memory_space<vmem>>, vector<128x128xf32>
    %convert_element_type3A_160 = arith.truncf %get3A_159 : vector<128x128xf32> to vector<128x128xbf16>
    %convert_element_type3A_161 = arith.truncf %dot_general3A_91 : vector<128x64xf32> to vector<128x64xbf16>
    %dot_general3A_162 = arith.constant dense<0.000000e+00> : vector<128x64xf32>
    %dot_general3A_163 = tpu.matmul %convert_element_type3A_160, %convert_element_type3A_161, %dot_general3A_162 {dimension_numbers = #tpu.dot_dimension_numbers<[1], [0], [0], [1], [0, 0, 1, 1], [], []>, transpose_lhs_hint = false} : vector<128x128xbf16>, vector<128x64xbf16>, vector<128x64xf32> -> vector<128x64xf32>
    %get3A_164 = arith.constant 0 : index
    %get3A_165 = arith.constant 0 : index
    %get3A_166 = vector.load %arg9[%get3A_164, %get3A_165] : memref<128x1xf32, #tpu.memory_space<vmem>>, vector<128x1xf32>
    %add3A_167 = vector.broadcast %get3A_166 : vector<128x1xf32> to vector<128x64xf32>
    %add3A_168 = arith.addf %dot_general3A_163, %add3A_167 : vector<128x64xf32>
    %reduce_sum3A_169 = arith.constant dense<0.000000e+00> : vector<128xf32>
    %reduce_sum3A_170 = vector.multi_reduction <add>, %add3A_168, %reduce_sum3A_169 [1] : vector<128x64xf32> to vector<128xf32>
    %broadcast_in_dim3A_171 = vector.shape_cast %reduce_sum3A_170 : vector<128xf32> to vector<128x1xf32>
    %mul3A_172 = arith.constant 1.562500e-02 : f32
    %mul3A_173 = vector.broadcast %mul3A_172 : f32 to vector<128x1xf32>
    %mul3A_174 = arith.mulf %broadcast_in_dim3A_171, %mul3A_173 : vector<128x1xf32>
    %sub3A_175 = vector.broadcast %mul3A_174 : vector<128x1xf32> to vector<128x64xf32>
    %sub3A_176 = arith.subf %add3A_168, %sub3A_175 : vector<128x64xf32>
    %mul3A_177 = arith.mulf %sub3A_176, %sub3A_176 : vector<128x64xf32>
    %reduce_sum3A_178 = arith.constant dense<0.000000e+00> : vector<128xf32>
    %reduce_sum3A_179 = vector.multi_reduction <add>, %mul3A_177, %reduce_sum3A_178 [1] : vector<128x64xf32> to vector<128xf32>
    %broadcast_in_dim3A_180 = vector.shape_cast %reduce_sum3A_179 : vector<128xf32> to vector<128x1xf32>
    %mul3A_181 = arith.constant 1.562500e-02 : f32
    %mul3A_182 = vector.broadcast %mul3A_181 : f32 to vector<128x1xf32>
    %mul3A_183 = arith.mulf %broadcast_in_dim3A_180, %mul3A_182 : vector<128x1xf32>
    %get3A_184 = arith.constant 0 : index
    %get3A_185 = arith.constant 0 : index
    %get3A_186 = vector.load %arg10[%get3A_184, %get3A_185] : memref<128x1xf32, #tpu.memory_space<vmem>>, vector<128x1xf32>
    %mul3A_187 = vector.broadcast %get3A_186 : vector<128x1xf32> to vector<128x64xf32>
    %mul3A_188 = arith.mulf %mul3A_187, %sub3A_176 : vector<128x64xf32>
    %add3A_189 = arith.constant 9.99999974E-6 : f32
    %add3A_190 = vector.broadcast %add3A_189 : f32 to vector<128x1xf32>
    %add3A_191 = arith.addf %mul3A_183, %add3A_190 : vector<128x1xf32>
    %rsqrt3A_192 = math.rsqrt %add3A_191 : vector<128x1xf32>
    %mul3A_193 = vector.broadcast %rsqrt3A_192 : vector<128x1xf32> to vector<128x64xf32>
    %mul3A_194 = arith.mulf %mul3A_188, %mul3A_193 : vector<128x64xf32>
    %get3A_195 = arith.constant 0 : index
    %get3A_196 = arith.constant 0 : index
    %get3A_197 = vector.load %arg11[%get3A_195, %get3A_196] : memref<128x1xf32, #tpu.memory_space<vmem>>, vector<128x1xf32>
    %add3A_198 = vector.broadcast %get3A_197 : vector<128x1xf32> to vector<128x64xf32>
    %add3A_199 = arith.addf %mul3A_194, %add3A_198 : vector<128x64xf32>
    %max3A_200 = arith.constant 0.000000e+00 : f32
    %max3A_201 = vector.broadcast %max3A_200 : f32 to vector<128x64xf32>
    %max3A_202 = arith.maximumf %add3A_199, %max3A_201 : vector<128x64xf32>
    %get3A_203 = arith.constant 0 : index
    %get3A_204 = arith.constant 0 : index
    %get3A_205 = vector.load %arg12[%get3A_203, %get3A_204] : memref<64x128xf32, #tpu.memory_space<vmem>>, vector<64x128xf32>
    %convert_element_type3A_206 = arith.truncf %max3A_202 : vector<128x64xf32> to vector<128x64xbf16>
    %convert_element_type3A_207 = arith.truncf %get3A_205 : vector<64x128xf32> to vector<64x128xbf16>
    %dot_general3A_208 = arith.constant dense<0.000000e+00> : vector<64x64xf32>
    %dot_general3A_209 = tpu.matmul %convert_element_type3A_206, %convert_element_type3A_207, %dot_general3A_208 {dimension_numbers = #tpu.dot_dimension_numbers<[0], [1], [1], [0], [0, 1, 1, 0], [], []>, transpose_lhs_hint = false} : vector<128x64xbf16>, vector<64x128xbf16>, vector<64x64xf32> -> vector<64x64xf32>
    %get3A_210 = arith.constant 0 : index
    %get3A_211 = arith.constant 0 : index
    %get3A_212 = vector.load %arg13[%get3A_210, %get3A_211] : memref<1x64xf32, #tpu.memory_space<vmem>>, vector<1x64xf32>
    %add3A_213 = vector.broadcast %get3A_212 : vector<1x64xf32> to vector<64x64xf32>
    %add3A_214 = arith.addf %dot_general3A_209, %add3A_213 : vector<64x64xf32>
    %swap3A_215 = arith.constant 0 : index
    %swap3A_216 = arith.constant 0 : index
    %swap3A_217 = vector.load %arg15[%swap3A_215, %swap3A_216] : memref<64x64xf32, #tpu.memory_space<vmem>>, vector<64x64xf32>
    tpu.vector_store %arg15[%swap3A_215, %swap3A_216], %add3A_214 {strides = array<i32>} : memref<64x64xf32, #tpu.memory_space<vmem>>, vector<64x64xf32>,
    return
  }
}

</mosaic_0001>

<sc_bundles>
// kernel: kernel.10.cloned.1.call-start
scs
__scs_entry_jumppad:
0x0: {  	(pc) =	sbr.rel $0x88, $3  }
0x1: {  	(tag) =	ssettag $0x0;
	lr =	simm.s32 $0x1  }
0x2: {  	[smem:$0x3F89] =	sst lr;
	_ =	strace $0xD0000000  }
0x3: {  	_ = 	snop  }
0x4: {  	_ = 	snop  }
0x5: {  	_ = 	snop  }
0x6: {  	_ = 	snop  }
0x7: {  	_ = 	snop  }
__scs_overlays_trampoline_lowered:
0x8: {  	[smem:$0x3F98] =	sst s0  }
0x9: {  	[smem:$0x3F99] =	sst s1  }
0xa: {  	[smem:$0x3F9A] =	sst s2  }
0xb: {  	[smem:$0x3F9B] =	sst s3  }
0xc: {  	[smem:$0x3F9C] =	sst s4  }
0xd: {  	[smem:$0x3F9D] =	sst s5  }
0xe: {  	[smem:$0x3F9E] =	sst s6  }
0xf: {  	[smem:$0x3F9F] =	sst s7  }
0x10: {  	[smem:$0x3FA0] =	sst s8  }
0x11: {  	[smem:$0x3FA1] =	sst s9;
	s0 =	simm.s32 @!p0 $0x0  }
0x12: {  	s1 =	sld [smem:$0x3F87];
	s0 =	simm.s32 @p0 $0x1  }
0x13: {  	[smem:$0x3FA2] =	sst s0;
	s0 =	simm.s32 @!p1 $0x0  }
0x14: {  	s2 =	sld [smem:$0x3F86];
	s0 =	simm.s32 @p1 $0x1  }
0x15: {  	[smem:$0x3FA3] =	sst s0;
	s0 =	simm.s32 @!p2 $0x0  }
0x16: {  	s3 =	sld [smem:$0x3FDB];
	s0 =	simm.s32 @p2 $0x1  }
0x17: {  	s4 =	simm.s32 $0x1BF5;
	[smem:$0x3FA5] =	sst s0  }
0x18: {  	s0 =	sld [smem:$0x3F88];
	_ =	swait.ge [sflag:s4], $0x0  }
0x19: {  	s7 =	sld [smem:$0x3F89]  }
0x1a: {  	s8 =	sadd.s32 $0xFFFFE003, lr  }
0x1b: {  	s9 =	sadd.s32 $0xFFFFFEF7, lr;
	s5 =	simm.s32 $0xFFFFFFFF;
	p2 =	slt.u32 s8, $0xFFFFF086  }
0x1c: {  	p1 =	slt.u32 s9, $0xF7A;
	s5 =	simm.s32 @!p2 $0x0  }
0x1d: {  	s5 =	simm.s32 @p1 $0x1;
	p0 =	seq.s32 s7, s2  }
0x1e: {  	s7 =	smul.u32 @!p0 $0xF7A, s2;
	p2 =	seq.s32 @!p0 s5, $0x0  }
0x1f: {  	s9 =	smul.u32 $0xF7A, s1;
	s8 =	simm.s32 @!p0 $0x1BF5;
	p2 =	por !p2, p0  }
0x20: {  	[sflag:s8] =	ssyncset.s32 @!p0 $0xFFFFF086;
	s6 =	sadd.s32 @!p0 s3, s7;
	s7 =	simm.s32 @!p0 $0x108  }
0x21: {  	s3 =	sadd.s32 s3, s9;
	s6 =	sadd.s32 @!p0 $0x88, s6;
	s7 =	simm.s32 @p2 $0x1082  }
0x22: {  	[simem:s7], [sflag:s8] =	dma.local @!p0 [hbm:s6], $0xF7A  }
0x23: {  	s9 =	sor.u32 $0xD0000000, s2;
	s6 =	simm.s32 $0x108;
	_ =	swait.ge @!p0 [sflag:s8], $0x0  }
0x24: {  	s3 =	sadd.s32 $0x88, s3;
	s6 =	simm.s32 @!p1 $0x1082;
	[sflag:s4] =	ssyncset.s32 $0xFFFFF086  }
0x25: {  	[simem:s6], [sflag:s4] =	dma.local [hbm:s3], $0xF7A  }
0x26: {  	[smem:$0x3F89] =	sst s1;
	(tag) =	ssettag s2;
	_ =	strace s9  }
0x27: {  	s1 =	sld [smem:$0x3F99]  }
0x28: {  	s2 =	sld [smem:$0x3F9A]  }
0x29: {  	s4 =	sld [smem:$0x3F9C]  }
0x2a: {  	p0 =	seq.s32 s5, $0x0;
	s5 =	sld [smem:$0x3F9D]  }
0x2b: {  	s6 =	sld [smem:$0x3F9E]  }
0x2c: {  	s7 =	sld [smem:$0x3F9F]  }
0x2d: {  	s3 =	simm.s32 $0x108;
	s8 =	sld [smem:$0x3FA0]  }
0x2e: {  	s3 =	simm.s32 @!p0 $0x1082;
	s9 =	sld [smem:$0x3FA1]  }
0x2f: {  	lr =	sadd.s32 s0, s3;
	s0 =	sld [smem:$0x3F98]  }
0x30: {  	s3 =	sld [smem:$0x3F9B]  }
0x31: {  	[smem:$0x3FA4] =	sst s10  }
0x32: {  	s10 =	sld [smem:$0x3FA2];
	_ =	sdelay $0x3  }
0x33: {  	p0 =	seq.s32 s10, $0x1;
	s10 =	sld [smem:$0x3FA4];
	_ =	sdelay $0x3  }
0x34: {  	[smem:$0x3FA4] =	sst s10  }
0x35: {  	s10 =	sld [smem:$0x3FA3];
	_ =	sdelay $0x3  }
0x36: {  	p1 =	seq.s32 s10, $0x1;
	s10 =	sld [smem:$0x3FA4];
	_ =	sdelay $0x3  }
0x37: {  	[smem:$0x3FA4] =	sst s10  }
0x38: {  	s10 =	sld [smem:$0x3FA5]  }
0x39: {  	_ = 	snop;
	(pc) =	sbr.ind lr, $3  }
0x3a: {  	_ = 	snop  }
0x3b: {  	_ = 	snop  }
0x3c: {  	p2 =	seq.s32 s10, $0x1;
	s10 =	sld [smem:$0x3FA4]  }
0x3d: {  	_ =	shalt  }
0x3e: {  	_ =	shalt  }
0x3f: {  	_ =	shalt  }
0x40: {  	_ =	shalt  }
0x41: {  	_ =	shalt  }
0x42: {  	_ =	shalt  }
0x43: {  	_ =	shalt  }
0x44: {  	_ =	shalt  }
0x45: {  	_ =	shalt  }
0x46: {  	_ =	shalt  }
0x47: {  	_ =	shalt  }
0x48: {  	_ =	shalt  }
0x49: {  	_ =	shalt  }
0x4a: {  	_ =	shalt  }
0x4b: {  	_ =	shalt  }
0x4c: {  	_ =	shalt  }
0x4d: {  	_ =	shalt  }
0x4e: {  	_ =	shalt  }
0x4f: {  	_ =	shalt  }
0x50: {  	_ =	shalt  }
0x51: {  	_ =	shalt  }
0x52: {  	_ =	shalt  }
0x53: {  	_ =	shalt  }
0x54: {  	_ =	shalt  }
0x55: {  	_ =	shalt  }
0x56: {  	_ =	shalt  }
0x57: {  	_ =	shalt  }
0x58: {  	_ =	shalt  }
0x59: {  	_ =	shalt  }
0x5a: {  	_ =	shalt  }
0x5b: {  	_ =	shalt  }
0x5c: {  	_ =	shalt  }
0x5d: {  	_ =	shalt  }
0x5e: {  	_ =	shalt  }
0x5f: {  	_ =	shalt  }
0x60: {  	_ =	shalt  }
0x61: {  	_ =	shalt  }
0x62: {  	_ =	shalt  }
0x63: {  	_ =	shalt  }
0x64: {  	_ =	shalt  }
0x65: {  	_ =	shalt  }
0x66: {  	_ =	shalt  }
0x67: {  	_ =	shalt  }
0x68: {  	_ =	shalt  }
0x69: {  	_ =	shalt  }
0x6a: {  	_ =	shalt  }
0x6b: {  	_ =	shalt  }
0x6c: {  	_ =	shalt  }
0x6d: {  	_ =	shalt  }
0x6e: {  	_ =	shalt  }
0x6f: {  	_ =	shalt  }
0x70: {  	_ =	shalt  }
0x71: {  	_ =	shalt  }
0x72: {  	_ =	shalt  }
0x73: {  	_ =	shalt  }
0x74: {  	_ =	shalt  }
0x75: {  	_ =	shalt  }
0x76: {  	_ =	shalt  }
0x77: {  	_ =	shalt  }
0x78: {  	_ =	shalt  }
0x79: {  	_ =	shalt  }
0x7a: {  	_ =	shalt  }
0x7b: {  	_ =	shalt  }
0x7c: {  	_ =	shalt  }
0x7d: {  	_ =	shalt  }
0x7e: {  	_ =	shalt  }
0x7f: {  	_ =	shalt  }
0x80: {  	_ =	shalt  }
0x81: {  	_ =	shalt  }
0x82: {  	_ =	shalt  }
0x83: {  	_ =	shalt  }
0x84: {  	_ =	shalt  }
0x85: {  	_ =	shalt  }
0x86: {  	_ =	shalt  }
0x87: {  	_ =	shalt  }
.Lfunc_end0:
.L_simem_size_0:
called_computation_lowered:
.L_overlay_start_0:
0x88: {  	s2 =	sld [smem:$0x3FD9]  }
0x89: {  	s3 =	sld [smem:$0x3FFE];
	_ =	sdelay $0x1  }
0x8a: {  	s1 =	srdreg.scid  }
0x8b: {  	s0 =	sand.u32 $0x1, s1  }
0x8c: {  	s14 =	sshll.u32 s0, $0xA;
	s2 =	sadd.s32 s3, s2  }
0x8d: {  	s2 =	sadd.s32 s2, s14  }
0x8e: {  	[smem:$0x3FB0] =	sst s2  }
0x8f: {  	_ = 	snop  }
0x90: {  	s2 =	sld [smem:$0x3FD0];
	_ =	sdelay $0x2  }
0x91: {  	s15 =	simm.s32 $0xA;
	s4 =	simm.s32 $0x10  }
0x92: {  	[smem:s4], [sflag:s15] =	dma.local [hbm:s2], $0x1  }
0x93: {  	_ =	swait.eq [sflag:s15], $0x1  }
0x94: {  	[sflag:s15] =	ssyncset.done $0x0  }
0x95: {  	s16 =	sld [smem:$0x10];
	[sflag:s15] =	ssyncadd.s32 $0xFFFFFFFF  }
0x96: {  	s17 =	sld [smem:$0x11];
	(tm) =	ssettm $0x1  }
0x97: {  	s18 =	sld [smem:$0x3FFB];
	_ =	sdelay $0x3  }
0x98: {  	_ =	strace s18  }
0x99: {  	s4 =	sld [smem:$0x3FFC];
	_ =	sdelay $0x3  }
0x9a: {  	_ =	strace s4  }
0x9b: {  	s4 =	sld [smem:$0x3FFD];
	_ =	sdelay $0x3  }
0x9c: {  	_ =	strace s4  }
0x9d: {  	_ =	strace $0x8FFFFFFF  }
0x9e: {  	s19 =	sld [smem:$0x3FDB];
	_ =	sdelay $0x1  }
0x9f: {  	s5 =	simm.s32 $_scs_section_size  }
0xa0: {  	s6 =	simm.s32 $_size__tile_overlayer_lowered;
	s7 =	simm.s32 $_tile_overlayer_lowered  }
0xa1: {  	s22 =	simm.s32 $0x1BFF;
	s21 =	sshll.u32 s7, $0x1;
	s4 =	sadd.s32 s5, s19  }
0xa2: {  	s8 =	simm.s32 $0x0;
	s20 =	sshll.u32 s6, $0x1;
	s6 =	sadd.s32 s21, s4  }
0xa3: {  	[timem:s8], [sflag:s22] =	dma.local [hbm:s6], s20  }
0xa4: {  	_ =	swait.ge [sflag:s22], s20  }
0xa5: {  	s5 =	ssub.s32 $0x0, s20;
	[sflag:s22] =	ssyncset.done $0x0  }
0xa6: {  	[sflag:s22] =	ssyncadd.s32 s5;
	_ =	sdelay $0x1  }
0xa7: {  	s23 =	simm.s32 $0x1B8B  }
0xa8: {  	_ =	swait.ge [sflag:s23], $0x1  }
0xa9: {  	[sflag:s23] =	ssyncset.done $0x0  }
0xaa: {  	s25 =	simm.s32 $0x1B8E;
	s24 =	sld [smem:$0x3FFE];
	[sflag:s23] =	ssyncadd.s32 $0xFFFFFFFF  }
0xab: {  	s26 =	simm.s32 $execute0_lowered;
	[smem:$0x3FD2] =	sst s25  }
0xac: {  	s6 =	sshll.u32 s26, $0x1;
	_ =	strace $0x80000046;
	[dreg:$0x1] =	wrdreg $0xFFFFFFFF  }
0xad: {  	s28 =	simm.s32 $_size_execute0_lowered;
	s4 =	sadd.s32 s4, s6;
	[dreg:$0x0] =	wrdreg $0x0  }
0xae: {  	s6 =	sshll.u32 s28, $0x1;
	[dreg:$0x2] =	wrdreg s4  }
0xaf: {  	[dreg:$0x3] =	wrdreg s6  }
0xb0: {  	[dreg:$0x4] =	wrdreg $0xC0  }
0xb1: {  	_ =	task [dreg:s8], $0x5FFFF  }
0xb2: {  	[dreg:$0x1] =	wrdreg $0xFFFFFFFF  }
0xb3: {  	[dreg:$0x0] =	wrdreg $0x60  }
0xb4: {  	[dreg:$0x2] =	wrdreg s17  }
0xb5: {  	[dreg:$0x3] =	wrdreg s24  }
0xb6: {  	[dreg:$0x4] =	wrdreg s16  }
0xb7: {  	[dreg:$0x5] =	wrdreg $0x9  }
0xb8: {  	_ =	task.clear_ibuf [dreg:s8], $0x6FFFF;
	_ =	strace $0x90000046  }
0xb9: {  	s29 =	simm.s32 $0x9;
	_ =	strace $0x80000048  }
0xba: {  	_ =	swait.ge [sflag:s29], $0x1  }
0xbb: {  	[sflag:s29] =	ssyncadd.s32 $0xFFFFFFFF  }
0xbc: {  	_ =	strace $0x90000048  }
0xbd: {  	_ =	sfence  }
0xbe: {  	s30 =	sld [smem:$0x0];
	_ =	sdelay $0x2  }
0xbf: {  	s31 =	sshll.u32 s1, $0xD;
	s1 =	sshrl.u32 s1, $0x2  }
0xc0: {  	s3 =	sand.u32 $0x4000, s31;
	s1 =	sadd.s32 s1, s30  }
0xc1: {  	s0 =	sor.u32 s3, s0;
	s1 =	sshll.u32 s1, $0x11  }
0xc2: {  	s0 =	sor.u32 s1, s0  }
0xc3: {  	s0 =	sadd.s32 $0x8F2B, s0  }
0xc4: {  	[sflag:s0] =	ssyncadd.remote.s32 $0x1  }
0xc5: {  	_ =	sfence.sel $0xFFFF  }
0xc6: {  	[dreg:$0x0] =	wrdreg $0xFFFFFFFF;
	(pc) =	sbr.abs _section_cstart, $3  }
0xc7: {  	[dreg:$0x1] =	wrdreg $0xFFFFFFFF  }
0xc8: {  	_ =	task.clear_ibuf [dreg:s8], $0x2FFFF;
	_ =	strace $0x9FFFFFFF  }
0xc9: {  	(tm) =	ssettm $0x7FFFFFFF  }
tec
execute0_lowered:
.L_overlay_start_1:
0x0: {  	(tag) =	ssettag $0x1  }
0x1: {  	s7 =	rddreg [dreg:$0x0]  }
0x2: {  	s6 =	rddreg [dreg:$0x1]  }
0x3: {  	s2 =	rddreg [dreg:$0x2]  }
0x4: {  	s0 =	rddreg [dreg:$0x3]  }
0x5: {  	s4 =	srdreg.scid;
	s1 =	stileid.u32  }
0x6: {  	s3 =	simm.s32 $0x0;
	s12 =	simm.s32 $0xA000;
	s13 =	simm.s32 $0xF000  }
0x7: {  	s14 =	simm.s32 $0x1B880;
	s15 =	simm.s32 $0x1C500;
	s16 =	simm.s32 $0x1  }
0x8: {  	s17 =	simm.s32 $0xF080;
	s4 =	sand.u32 $0x1, s4;
	s5 =	sshll.u32 s1, $0x1  }
0x9: {  	s18 =	simm.s32 $0x19080;
	[smem:$0x7FF] =	sst s3;
	s20 =	sor.u32 s4, s5  }
0xa: {  	s19 =	simm.s32 $0x2;
	_ =	strace $0x80000047;
	s8 =	smul.u32 $0x1400, s20  }
.Ltmp0:
0xb: {  	s9 =	ssub.s32 $0x2, s4;
	s4 =	sadd.s32 $0x6C00, s6;
	(pc) =	sbr.rel .LBB2_1-.Ltmp0, $4  }
0xc: {  	s5 =	sadd.s32 $0x7600, s6;
	s10 =	sshrl.u32 s9, $0x1;
	p0 =	sne.s32 s20, $0x1F  }
0xd: {  	s20 =	simm.s32 $0x0;
	s10 =	ssub.s32 s9, s10;
	s11 =	sadd.s32 s8, s6  }
0xe: {  	s6 =	sadd.s32 $0x2F800, s6;
	s7 =	sadd.s32 s7, s8;
	s8 =	sadd.s32 $0x190, s2  }
0xf: {  	v0 =	vimm.f32 $0.0e+00;
	s10 =	smax.u32 s10, $0x1;
	s9 =	sadd.s32 $0x7800, s11;
	s11 =	simm.s32 $0x3  }
.LBB2_12:
0x10: {  	[hbm4b:s9+s3] =	stream.linear.scatter [tilespmem:s17], [sflag:$0x3], $0xA000, $0x38;
	[tilespmem:$0x1D180] =	vst v63  }
0x11: {  	_ =	swait.ge [sflag:s11], $0xA000  }
0x12: {  	s21 =	simm.s32 @!p0 $0x0;
	s20 =	sadd.s32 $0x1, s20;
	[sflag:s11] =	ssyncset.done $0x0  }
0x13: {  	s22 =	simm.s32 @!p0 $0x19080;
	p1 =	sne.s32 s20, s10;
	[sflag:s11] =	ssyncadd.s32 $0xFFFF6000  }
0x14: {  	[hbm4b:s6+s21] =	stream.linear.scatter @!p0 [tilespmem:s22], [sflag:$0x3], $0x2800, $0x38;
	[tilespmem:$0x1D180] =	vst v63  }
.Ltmp1:
0x15: {  	_ = 	snop;
	(pc) =	sbr.rel @!p1 .LBB2_13-.Ltmp1, $4  }
0x16: {  	s21 =	simm.s32 @!p0 $0x3  }
0x17: {  	_ =	swait.ge @!p0 [sflag:s21], $0x2800  }
0x18: {  	[sflag:s21] =	ssyncset.done @!p0 $0x0  }
0x19: {  	[sflag:s21] =	ssyncadd.s32 @!p0 $0xFFFFD800  }
.LBB2_1:
0x1a: {  	[tilespmem:s3], [sflag:$0x3] =	stream.linear.gather [hbm4b:s7+s3], $0xA000, $0x38;
	[tilespmem:$0x1D180] =	vst v63  }
0x1b: {  	_ =	swait.ge [sflag:s11], $0xA000  }
0x1c: {  	[sflag:s11] =	ssyncset.done $0x0  }
0x1d: {  	[sflag:s11] =	ssyncadd.s32 $0xFFFF6000  }
0x1e: {  	[tilespmem:s12], [sflag:$0x3] =	stream.linear.gather [hbm4b:s4+s3], $0x5000, $0x38;
	[tilespmem:$0x1D180] =	vst v63  }
0x1f: {  	_ =	swait.ge [sflag:s11], $0x5000  }
0x20: {  	[sflag:s11] =	ssyncset.done $0x0  }
0x21: {  	[sflag:s11] =	ssyncadd.s32 $0xFFFFB000  }
0x22: {  	[tilespmem:s13], [sflag:$0x3] =	stream.linear.gather [hbm4b:s5+s3], $0x80, $0x38;
	[tilespmem:$0x1D180] =	vst v63  }
0x23: {  	_ =	swait.ge [sflag:s11], $0x80  }
0x24: {  	[sflag:s11] =	ssyncset.done $0x0  }
0x25: {  	[sflag:s11] =	ssyncadd.s32 $0xFFFFFF80  }
0x26: {  	s21 =	simm.s32 $0x0;
	v1 =	vld [tilespmem:$0xF000]  }
.LBB2_2:
0x27: {  	p1 =	sne.s32 s21, $0x27FC0  }
.Ltmp2:
0x28: {  	_ = 	snop;
	(pc) =	sbr.rel @p1 .LBB2_2-.Ltmp2, $3  }
0x29: {  	_ =	sdelay $0x1  }
0x2a: {  	s22 =	sshra.s32 s21, $0x2  }
0x2b: {  	s21 =	sadd.s32 $0x40, s21;
	[tilespmem:s22+$0xF080] =	vst v0  }
0x2c: {  	s21 =	simm.s32 $0x40;
	s22 =	simm.s32 $0x0  }
.LBB2_4:
0x2d: {  	p1 =	sne.s32 s21, $0x9FC0;
	[tilespmem:s22+$0x19080] =	vst v0;
	s22 =	smov.u32 s21;
	s21 =	sadd.s32 $0x40, s21  }
.Ltmp3:
0x2e: {  	(pc) =	sbr.rel @p1 .LBB2_4-.Ltmp3, $2  }
0x2f: {  	_ =	sdelay $0x2  }
0x30: {  	s22 =	sshra.s32 s22, $0x2  }
0x31: {  	[tilespmem:s22+$0x19080] =	vst v0;
	s21 =	simm.s32 $0x0  }
0x32: {  	[tilespmem:s14], [sflag:$0x1] =	stream.linear.gather [hbm4b:s2+s21], $0xC80, $0x38;
	[tilespmem:$0x1D180] =	vst v63  }
0x33: {  	_ = 	snop  }
0x34: {  	[tilespmem:s15], [sflag:$0x2] =	stream.linear.gather [hbm4b:s8+s21], $0xC80, $0x38;
	[tilespmem:$0x1D180] =	vst v63  }
.LBB2_6:
0x35: {  	_ =	swait.ge [sflag:s16], $0xC80  }
0x36: {  	[sflag:s16] =	ssyncset.done $0x0  }
0x37: {  	s22 =	simm.s32 $0x0;
	[sflag:s16] =	ssyncadd.s32 $0xFFFFF380  }
0x38: {  	v3 =	vld [tilespmem:s22+$0x1B880];
	_ =	sdelay $0x4  }
0x39: {  	v2 =	vand.u32 $0x3FFF, v3  }
0x3a: {  	v4 =	vshrl.u32 v3, $0xE;
	v5 =	vadd.s32 $0x2800, v2  }
0x3b: {  	v6 =	vand.u32 $0x7F, v3;
	v5 =	vand.u32 $0x7F80, v5  }
0x3c: {  	v5 =	vor.u32 v6, v5;
	_ =	sdelay $0x2  }
0x3d: {  	v3 =	vld.idx.msk [tilespmem:v4+s12+$0x0], $0xffff;
	_ =	sdelay $0x1  }
0x3e: {  	v7 =	vld.idx.msk [tilespmem:v5+s12+$0x0], $0xffff;
	_ =	sdelay $0x2  }
0x3f: {  	v3 =	vsub.f32 v3, v1;
	_ =	sdelay $0x1  }
0x40: {  	v3 =	vadd.f32 v7, v3;
	_ =	sdelay $0x1  }
0x41: {  	v3 =	vmul.f32 $1.442695020e+00, v3;
	_ =	sdelay $0x1  }
0x42: {  	(erf) = vpow2.f32 v3;
	_ =	sdelay $0x4  }
0x43: {  	v62 =	vld.idx.msk [tilespmem:v4+s3+$0x0], $0xffff;
	v3 =	vadd.s32 $0x2800, v4  }
0x44: {  	v3 =	vand.u32 $0x7FF80, v3  }
0x45: {  	v8 =	vand.u32 $0x7F, v4  }
0x46: {  	v9 =	vor.u32 v8, v3  }
0x47: {  	v3 =	vpop (erf)  }
0x48: {  	v7 =	vmul.f32 v3, v62;
	_ =	sdelay $0x1  }
0x49: {  	[tilespmem:v2+s17+$0x0] =	vst.idx.add.f32.msk $0xffff, v7  }
0x4a: {  	v7 =	vld.idx.msk [tilespmem:v9+s3+$0x0], $0xffff  }
0x4b: {  	v63 =	vadd.s32 $0x5000, v4  }
0x4c: {  	v9 =	vand.u32 $0x7FF80, v63  }
0x4d: {  	v9 =	vor.u32 v8, v9;
	_ =	sdelay $0x1  }
0x4e: {  	v7 =	vmul.f32 v3, v7;
	_ =	sdelay $0x1  }
0x4f: {  	[tilespmem:v5+s17+$0x0] =	vst.idx.add.f32.msk $0xffff, v7  }
0x50: {  	v5 =	vadd.s32 $0x5000, v2;
	v7 =	vld.idx.msk [tilespmem:v9+s3+$0x0], $0xffff  }
0x51: {  	v4 =	vadd.s32 $0x7800, v4;
	v5 =	vand.u32 $0xFF80, v5  }
0x52: {  	v4 =	vand.u32 $0x7FF80, v4;
	v5 =	vor.u32 v6, v5  }
0x53: {  	v4 =	vor.u32 v8, v4;
	_ =	sdelay $0x1  }
0x54: {  	v7 =	vmul.f32 v7, v3;
	_ =	sdelay $0x1  }
0x55: {  	[tilespmem:v5+s17+$0x0] =	vst.idx.add.f32.msk $0xffff, v7  }
0x56: {  	v5 =	vadd.s32 $0x7800, v2;
	v4 =	vld.idx.msk [tilespmem:v4+s3+$0x0], $0xffff  }
0x57: {  	v5 =	vand.u32 $0xFF80, v5  }
0x58: {  	v5 =	vor.u32 v6, v5;
	_ =	sdelay $0x2  }
0x59: {  	v4 =	vmul.f32 v4, v3;
	_ =	sdelay $0x1  }
0x5a: {  	s23 =	simm.s32 $0x80;
	s22 =	simm.s32 $0x40;
	[tilespmem:v5+s17+$0x0] =	vst.idx.add.f32.msk $0xffff, v4  }
.LBB2_7:
0x5b: {  	p1 =	sne.s32 s23, $0x31C0  }
0x5c: {  	s24 =	sshra.s32 s22, $0x2;
	[tilespmem:v2+s18+$0x0] =	vst.idx.add.f32.msk $0xffff, v3;
	s22 =	smov.u32 s23;
	s23 =	sadd.s32 $0x40, s23  }
0x5d: {  	v3 =	vld [tilespmem:s24+$0x1B880];
	_ =	sdelay $0x4  }
0x5e: {  	v4 =	vshrl.u32 v3, $0xE;
	v2 =	vand.u32 $0x3FFF, v3  }
0x5f: {  	v5 =	vadd.s32 $0x2800, v2;
	v6 =	vadd.s32 $0x2800, v4;
	v7 =	vadd.s32 $0x5000, v4  }
0x60: {  	v3 =	vand.u32 $0x7F, v3;
	v5 =	vand.u32 $0x7F80, v5;
	v6 =	vand.u32 $0x7FF80, v6  }
0x61: {  	v8 =	vadd.s32 $0x5000, v2;
	v9 =	vadd.s32 $0x7800, v4;
	v5 =	vor.u32 v3, v5  }
0x62: {  	v10 =	vadd.s32 $0x7800, v2;
	v8 =	vand.u32 $0xFF80, v8  }
0x63: {  	v10 =	vand.u32 $0xFF80, v10;
	v8 =	vor.u32 v3, v8  }
0x64: {  	v10 =	vor.u32 v3, v10;
	v11 =	vld.idx.msk [tilespmem:v4+s12+$0x0], $0xffff;
	_ =	sdelay $0x1  }
0x65: {  	v3 =	vld.idx.msk [tilespmem:v5+s12+$0x0], $0xffff;
	_ =	sdelay $0x3  }
0x66: {  	v11 =	vsub.f32 v11, v1;
	_ =	sdelay $0x1  }
0x67: {  	v3 =	vadd.f32 v3, v11;
	_ =	sdelay $0x1  }
0x68: {  	v3 =	vmul.f32 $1.442695020e+00, v3;
	_ =	sdelay $0x1  }
0x69: {  	(erf) = vpow2.f32 v3;
	_ =	sdelay $0x3  }
0x6a: {  	v11 =	vld.idx.msk [tilespmem:v4+s3+$0x0], $0xffff;
	_ =	sdelay $0x2  }
0x6b: {  	v4 =	vand.u32 $0x7F, v4  }
0x6c: {  	v6 =	vor.u32 v4, v6  }
0x6d: {  	v3 =	vpop (erf)  }
0x6e: {  	v11 =	vmul.f32 v3, v11;
	_ =	sdelay $0x1  }
0x6f: {  	[tilespmem:v2+s17+$0x0] =	vst.idx.add.f32.msk $0xffff, v11  }
0x70: {  	v6 =	vld.idx.msk [tilespmem:v6+s3+$0x0], $0xffff;
	_ =	sdelay $0x2  }
0x71: {  	v7 =	vand.u32 $0x7FF80, v7  }
0x72: {  	v7 =	vor.u32 v4, v7;
	_ =	sdelay $0x1  }
0x73: {  	v6 =	vmul.f32 v3, v6;
	_ =	sdelay $0x1  }
0x74: {  	[tilespmem:v5+s17+$0x0] =	vst.idx.add.f32.msk $0xffff, v6  }
0x75: {  	v5 =	vld.idx.msk [tilespmem:v7+s3+$0x0], $0xffff;
	_ =	sdelay $0x2  }
0x76: {  	v6 =	vand.u32 $0x7FF80, v9  }
0x77: {  	v4 =	vor.u32 v4, v6;
	_ =	sdelay $0x1  }
0x78: {  	v5 =	vmul.f32 v5, v3;
	_ =	sdelay $0x1  }
0x79: {  	[tilespmem:v8+s17+$0x0] =	vst.idx.add.f32.msk $0xffff, v5  }
0x7a: {  	v4 =	vld.idx.msk [tilespmem:v4+s3+$0x0], $0xffff;
	_ =	sdelay $0x3  }
.Ltmp4:
0x7b: {  	(pc) =	sbr.rel @p1 .LBB2_7-.Ltmp4, $3  }
0x7c: {  	_ = 	snop  }
0x7d: {  	v4 =	vmul.f32 v4, v3;
	_ =	sdelay $0x1  }
0x7e: {  	[tilespmem:v10+s17+$0x0] =	vst.idx.add.f32.msk $0xffff, v4  }
0x7f: {  	_ =	sdelay $0x3  }
0x80: {  	s22 =	sshra.s32 s22, $0x2;
	[tilespmem:v2+s18+$0x0] =	vst.idx.add.f32.msk $0xffff, v3  }
0x81: {  	v2 =	vld [tilespmem:s22+$0x1B880];
	_ =	sdelay $0x4  }
0x82: {  	v3 =	vand.u32 $0x3FFF, v2  }
0x83: {  	v4 =	vshrl.u32 v2, $0xE;
	v5 =	vadd.s32 $0x2800, v3  }
0x84: {  	v2 =	vand.u32 $0x7F, v2;
	v5 =	vand.u32 $0x7F80, v5  }
0x85: {  	v5 =	vor.u32 v2, v5;
	_ =	sdelay $0x2  }
0x86: {  	v6 =	vld.idx.msk [tilespmem:v4+s12+$0x0], $0xffff;
	_ =	sdelay $0x1  }
0x87: {  	v7 =	vld.idx.msk [tilespmem:v5+s12+$0x0], $0xffff;
	_ =	sdelay $0x2  }
0x88: {  	v6 =	vsub.f32 v6, v1;
	_ =	sdelay $0x1  }
0x89: {  	v6 =	vadd.f32 v7, v6;
	_ =	sdelay $0x1  }
0x8a: {  	v6 =	vmul.f32 $1.442695020e+00, v6;
	_ =	sdelay $0x1  }
0x8b: {  	(erf) = vpow2.f32 v6;
	_ =	sdelay $0x4  }
0x8c: {  	v55 =	vld.idx.msk [tilespmem:v4+s3+$0x0], $0xffff  }
0x8d: {  	v56 =	vadd.s32 $0x2800, v4  }
0x8e: {  	v8 =	vand.u32 $0x7F, v4;
	v7 =	vand.u32 $0x7FF80, v56  }
0x8f: {  	v7 =	vor.u32 v8, v7  }
0x90: {  	v9 =	vpop (erf)  }
0x91: {  	v6 =	vmul.f32 v9, v55;
	_ =	sdelay $0x1  }
0x92: {  	[tilespmem:v3+s17+$0x0] =	vst.idx.add.f32.msk $0xffff, v6  }
0x93: {  	v6 =	vld.idx.msk [tilespmem:v7+s3+$0x0], $0xffff  }
0x94: {  	v57 =	vadd.s32 $0x5000, v4  }
0x95: {  	v7 =	vand.u32 $0x7FF80, v57  }
0x96: {  	v7 =	vor.u32 v8, v7;
	_ =	sdelay $0x1  }
0x97: {  	v6 =	vmul.f32 v9, v6;
	_ =	sdelay $0x1  }
0x98: {  	[tilespmem:v5+s17+$0x0] =	vst.idx.add.f32.msk $0xffff, v6  }
0x99: {  	v5 =	vadd.s32 $0x5000, v3;
	v6 =	vld.idx.msk [tilespmem:v7+s3+$0x0], $0xffff  }
0x9a: {  	v4 =	vadd.s32 $0x7800, v4;
	v5 =	vand.u32 $0xFF80, v5  }
0x9b: {  	v4 =	vand.u32 $0x7FF80, v4;
	v5 =	vor.u32 v2, v5  }
0x9c: {  	v4 =	vor.u32 v8, v4;
	_ =	sdelay $0x1  }
0x9d: {  	v6 =	vmul.f32 v6, v9;
	_ =	sdelay $0x1  }
0x9e: {  	[tilespmem:v5+s17+$0x0] =	vst.idx.add.f32.msk $0xffff, v6  }
0x9f: {  	v5 =	vadd.s32 $0x7800, v3;
	v4 =	vld.idx.msk [tilespmem:v4+s3+$0x0], $0xffff  }
0xa0: {  	v5 =	vand.u32 $0xFF80, v5  }
0xa1: {  	v2 =	vor.u32 v2, v5  }
0xa2: {  	p1 =	seq.s32 s21, $0x31  }
0xa3: {  	s22 =	smul.u32 @!p1 $0x1900, s21  }
0xa4: {  	v4 =	vmul.f32 v4, v9  }
0xa5: {  	s22 =	sshrl.u32 @!p1 s22, $0x3  }
0xa6: {  	s22 =	sadd.s32 @!p1 s2, s22;
	[tilespmem:v2+s17+$0x0] =	vst.idx.add.f32.msk $0xffff, v4  }
0xa7: {  	s23 =	simm.s32 @!p1 $0x0;
	s24 =	simm.s32 @!p1 $0x1B880;
	s22 =	sadd.s32 @!p1 $0x320, s22;
	[tilespmem:v3+s18+$0x0] =	vst.idx.add.f32.msk $0xffff, v9  }
0xa8: {  	[tilespmem:s24], [sflag:$0x1] =	stream.linear.gather @!p1 [hbm4b:s22+s23], $0xC80, $0x38;
	[tilespmem:$0x1D180] =	vst v63  }
0xa9: {  	_ =	swait.ge [sflag:s19], $0xC80  }
0xaa: {  	[sflag:s19] =	ssyncset.done $0x0  }
0xab: {  	s31 =	simm.s32 $0x0;
	[sflag:s19] =	ssyncadd.s32 $0xFFFFF380  }
0xac: {  	v3 =	vld [tilespmem:s31+$0x1C500];
	_ =	sdelay $0x4  }
0xad: {  	v2 =	vand.u32 $0x3FFF, v3  }
0xae: {  	v4 =	vshrl.u32 v3, $0xE;
	v5 =	vadd.s32 $0x2800, v2  }
0xaf: {  	v58 =	vand.u32 $0x7F, v3;
	v5 =	vand.u32 $0x7F80, v5  }
0xb0: {  	v5 =	vor.u32 v58, v5;
	_ =	sdelay $0x2  }
0xb1: {  	v3 =	vld.idx.msk [tilespmem:v4+s12+$0x0], $0xffff;
	_ =	sdelay $0x1  }
0xb2: {  	v59 =	vld.idx.msk [tilespmem:v5+s12+$0x0], $0xffff;
	_ =	sdelay $0x2  }
0xb3: {  	v3 =	vsub.f32 v3, v1;
	_ =	sdelay $0x1  }
0xb4: {  	v3 =	vadd.f32 v59, v3;
	_ =	sdelay $0x1  }
0xb5: {  	v3 =	vmul.f32 $1.442695020e+00, v3;
	_ =	sdelay $0x1  }
0xb6: {  	(erf) = vpow2.f32 v3;
	_ =	sdelay $0x4  }
0xb7: {  	v60 =	vld.idx.msk [tilespmem:v4+s3+$0x0], $0xffff;
	v3 =	vadd.s32 $0x2800, v4  }
0xb8: {  	v3 =	vand.u32 $0x7FF80, v3  }
0xb9: {  	v61 =	vand.u32 $0x7F, v4  }
0xba: {  	v62 =	vor.u32 v61, v3  }
0xbb: {  	v3 =	vpop (erf)  }
0xbc: {  	v7 =	vmul.f32 v3, v60;
	_ =	sdelay $0x1  }
0xbd: {  	[tilespmem:v2+s17+$0x0] =	vst.idx.add.f32.msk $0xffff, v7  }
0xbe: {  	v7 =	vld.idx.msk [tilespmem:v62+s3+$0x0], $0xffff  }
0xbf: {  	v63 =	vadd.s32 $0x5000, v4  }
0xc0: {  	v9 =	vand.u32 $0x7FF80, v63  }
0xc1: {  	v9 =	vor.u32 v61, v9;
	_ =	sdelay $0x1  }
0xc2: {  	v7 =	vmul.f32 v3, v7;
	_ =	sdelay $0x1  }
0xc3: {  	[tilespmem:v5+s17+$0x0] =	vst.idx.add.f32.msk $0xffff, v7  }
0xc4: {  	v5 =	vadd.s32 $0x5000, v2;
	v7 =	vld.idx.msk [tilespmem:v9+s3+$0x0], $0xffff  }
0xc5: {  	v4 =	vadd.s32 $0x7800, v4;
	v5 =	vand.u32 $0xFF80, v5  }
0xc6: {  	v4 =	vand.u32 $0x7FF80, v4;
	v5 =	vor.u32 v58, v5  }
0xc7: {  	v4 =	vor.u32 v61, v4;
	_ =	sdelay $0x1  }
0xc8: {  	v7 =	vmul.f32 v7, v3;
	_ =	sdelay $0x1  }
0xc9: {  	[tilespmem:v5+s17+$0x0] =	vst.idx.add.f32.msk $0xffff, v7  }
0xca: {  	v5 =	vadd.s32 $0x7800, v2;
	v4 =	vld.idx.msk [tilespmem:v4+s3+$0x0], $0xffff  }
0xcb: {  	v5 =	vand.u32 $0xFF80, v5  }
0xcc: {  	v5 =	vor.u32 v58, v5;
	_ =	sdelay $0x2  }
0xcd: {  	v4 =	vmul.f32 v4, v3;
	_ =	sdelay $0x1  }
0xce: {  	s22 =	simm.s32 $0x40;
	s23 =	simm.s32 $0x80;
	[tilespmem:v5+s17+$0x0] =	vst.idx.add.f32.msk $0xffff, v4  }
.LBB2_9:
0xcf: {  	p2 =	sne.s32 s23, $0x31C0  }
0xd0: {  	s24 =	sshra.s32 s22, $0x2;
	[tilespmem:v2+s18+$0x0] =	vst.idx.add.f32.msk $0xffff, v3;
	s22 =	smov.u32 s23;
	s23 =	sadd.s32 $0x40, s23  }
0xd1: {  	v3 =	vld [tilespmem:s24+$0x1C500];
	_ =	sdelay $0x4  }
0xd2: {  	v4 =	vshrl.u32 v3, $0xE;
	v2 =	vand.u32 $0x3FFF, v3  }
0xd3: {  	v5 =	vadd.s32 $0x2800, v2;
	v6 =	vadd.s32 $0x2800, v4;
	v7 =	vadd.s32 $0x5000, v4  }
0xd4: {  	v3 =	vand.u32 $0x7F, v3;
	v5 =	vand.u32 $0x7F80, v5;
	v6 =	vand.u32 $0x7FF80, v6  }
0xd5: {  	v8 =	vadd.s32 $0x5000, v2;
	v9 =	vadd.s32 $0x7800, v4;
	v5 =	vor.u32 v3, v5  }
0xd6: {  	v10 =	vadd.s32 $0x7800, v2;
	v8 =	vand.u32 $0xFF80, v8  }
0xd7: {  	v10 =	vand.u32 $0xFF80, v10;
	v8 =	vor.u32 v3, v8  }
0xd8: {  	v10 =	vor.u32 v3, v10;
	v11 =	vld.idx.msk [tilespmem:v4+s12+$0x0], $0xffff;
	_ =	sdelay $0x1  }
0xd9: {  	v3 =	vld.idx.msk [tilespmem:v5+s12+$0x0], $0xffff;
	_ =	sdelay $0x3  }
0xda: {  	v11 =	vsub.f32 v11, v1;
	_ =	sdelay $0x1  }
0xdb: {  	v3 =	vadd.f32 v3, v11;
	_ =	sdelay $0x1  }
0xdc: {  	v3 =	vmul.f32 $1.442695020e+00, v3;
	_ =	sdelay $0x1  }
0xdd: {  	(erf) = vpow2.f32 v3;
	_ =	sdelay $0x3  }
0xde: {  	v11 =	vld.idx.msk [tilespmem:v4+s3+$0x0], $0xffff;
	_ =	sdelay $0x2  }
0xdf: {  	v4 =	vand.u32 $0x7F, v4  }
0xe0: {  	v6 =	vor.u32 v4, v6  }
0xe1: {  	v3 =	vpop (erf)  }
0xe2: {  	v11 =	vmul.f32 v3, v11;
	_ =	sdelay $0x1  }
0xe3: {  	[tilespmem:v2+s17+$0x0] =	vst.idx.add.f32.msk $0xffff, v11  }
0xe4: {  	v6 =	vld.idx.msk [tilespmem:v6+s3+$0x0], $0xffff;
	_ =	sdelay $0x2  }
0xe5: {  	v7 =	vand.u32 $0x7FF80, v7  }
0xe6: {  	v7 =	vor.u32 v4, v7;
	_ =	sdelay $0x1  }
0xe7: {  	v6 =	vmul.f32 v3, v6;
	_ =	sdelay $0x1  }
0xe8: {  	[tilespmem:v5+s17+$0x0] =	vst.idx.add.f32.msk $0xffff, v6  }
0xe9: {  	v5 =	vld.idx.msk [tilespmem:v7+s3+$0x0], $0xffff;
	_ =	sdelay $0x2  }
0xea: {  	v6 =	vand.u32 $0x7FF80, v9  }
0xeb: {  	v4 =	vor.u32 v4, v6;
	_ =	sdelay $0x1  }
0xec: {  	v5 =	vmul.f32 v5, v3;
	_ =	sdelay $0x1  }
0xed: {  	[tilespmem:v8+s17+$0x0] =	vst.idx.add.f32.msk $0xffff, v5  }
0xee: {  	v4 =	vld.idx.msk [tilespmem:v4+s3+$0x0], $0xffff;
	_ =	sdelay $0x3  }
.Ltmp5:
0xef: {  	(pc) =	sbr.rel @p2 .LBB2_9-.Ltmp5, $3  }
0xf0: {  	_ = 	snop  }
0xf1: {  	v4 =	vmul.f32 v4, v3;
	_ =	sdelay $0x1  }
0xf2: {  	[tilespmem:v10+s17+$0x0] =	vst.idx.add.f32.msk $0xffff, v4  }
0xf3: {  	_ =	sdelay $0x3  }
0xf4: {  	s22 =	sshra.s32 s22, $0x2;
	[tilespmem:v2+s18+$0x0] =	vst.idx.add.f32.msk $0xffff, v3  }
0xf5: {  	v2 =	vld [tilespmem:s22+$0x1C500];
	_ =	sdelay $0x4  }
0xf6: {  	v3 =	vand.u32 $0x3FFF, v2  }
0xf7: {  	v4 =	vshrl.u32 v2, $0xE;
	v5 =	vadd.s32 $0x2800, v3  }
0xf8: {  	v2 =	vand.u32 $0x7F, v2;
	v5 =	vand.u32 $0x7F80, v5  }
0xf9: {  	v5 =	vor.u32 v2, v5;
	_ =	sdelay $0x2  }
0xfa: {  	v6 =	vld.idx.msk [tilespmem:v4+s12+$0x0], $0xffff;
	_ =	sdelay $0x1  }
0xfb: {  	v7 =	vld.idx.msk [tilespmem:v5+s12+$0x0], $0xffff;
	_ =	sdelay $0x2  }
0xfc: {  	v6 =	vsub.f32 v6, v1;
	_ =	sdelay $0x1  }
0xfd: {  	v6 =	vadd.f32 v7, v6;
	_ =	sdelay $0x1  }
0xfe: {  	v6 =	vmul.f32 $1.442695020e+00, v6;
	_ =	sdelay $0x1  }
0xff: {  	(erf) = vpow2.f32 v6;
	_ =	sdelay $0x4  }
0x100: {  	v59 =	vld.idx.msk [tilespmem:v4+s3+$0x0], $0xffff  }
0x101: {  	v60 =	vadd.s32 $0x2800, v4  }
0x102: {  	v8 =	vand.u32 $0x7F, v4;
	v7 =	vand.u32 $0x7FF80, v60  }
0x103: {  	v7 =	vor.u32 v8, v7  }
0x104: {  	v9 =	vpop (erf)  }
0x105: {  	v6 =	vmul.f32 v9, v59;
	_ =	sdelay $0x1  }
0x106: {  	[tilespmem:v3+s17+$0x0] =	vst.idx.add.f32.msk $0xffff, v6  }
0x107: {  	v6 =	vld.idx.msk [tilespmem:v7+s3+$0x0], $0xffff  }
0x108: {  	v61 =	vadd.s32 $0x5000, v4  }
0x109: {  	v7 =	vand.u32 $0x7FF80, v61  }
0x10a: {  	v7 =	vor.u32 v8, v7;
	_ =	sdelay $0x1  }
0x10b: {  	v6 =	vmul.f32 v9, v6;
	_ =	sdelay $0x1  }
0x10c: {  	[tilespmem:v5+s17+$0x0] =	vst.idx.add.f32.msk $0xffff, v6  }
0x10d: {  	v62 =	vadd.s32 $0x5000, v3;
	v6 =	vld.idx.msk [tilespmem:v7+s3+$0x0], $0xffff  }
0x10e: {  	v4 =	vadd.s32 $0x7800, v4;
	v5 =	vand.u32 $0xFF80, v62  }
0x10f: {  	v4 =	vand.u32 $0x7FF80, v4;
	v5 =	vor.u32 v2, v5  }
0x110: {  	v4 =	vor.u32 v8, v4;
	_ =	sdelay $0x1  }
0x111: {  	v6 =	vmul.f32 v6, v9;
	_ =	sdelay $0x1  }
0x112: {  	[tilespmem:v5+s17+$0x0] =	vst.idx.add.f32.msk $0xffff, v6  }
0x113: {  	v63 =	vadd.s32 $0x7800, v3;
	v4 =	vld.idx.msk [tilespmem:v4+s3+$0x0], $0xffff  }
0x114: {  	v5 =	vand.u32 $0xFF80, v63  }
0x115: {  	v2 =	vor.u32 v2, v5;
	_ =	sdelay $0x1  }
.Ltmp6:
0x116: {  	_ = 	snop;
	(pc) =	sbr.rel @p1 .LBB2_12-.Ltmp6, $3  }
0x117: {  	v4 =	vmul.f32 v4, v9;
	_ =	sdelay $0x1  }
0x118: {  	[tilespmem:v2+s17+$0x0] =	vst.idx.add.f32.msk $0xffff, v4  }
0x119: {  	[tilespmem:v3+s18+$0x0] =	vst.idx.add.f32.msk $0xffff, v9  }
0x11a: {  	s22 =	smul.u32 $0x1900, s21  }
.Ltmp7:
0x11b: {  	_ = 	snop;
	(pc) =	sbr.rel .LBB2_6-.Ltmp7, $4  }
0x11c: {  	s22 =	sshrl.u32 s22, $0x3  }
0x11d: {  	s22 =	sadd.s32 s2, s22  }
0x11e: {  	s21 =	sadd.s32 $0x1, s21;
	s22 =	sadd.s32 $0x4B0, s22  }
0x11f: {  	[tilespmem:s15], [sflag:$0x2] =	stream.linear.gather [hbm4b:s22+s3], $0xC80, $0x38;
	[tilespmem:$0x1D180] =	vst v63  }
.LBB2_13:
0x120: {  	_ =	sfence.sel $0x180000  }
0x121: {  	[bflag:$0x0] =	sbarrier.arrive $0xFFFF  }
0x122: {  	p0 =	sne.s32 s1, $0x0;
	_ =	strace $0x90000047  }
0x123: {  	s0 =	sadd.s32 @!p0 $0x100000, s0;
	[bflag:$0x2] =	sbarrier.arrive $0xFFFF  }
0x124: {  	[sflag:s0] =	ssyncadd.tile.s32 @!p0 $0x1;
	_ =	shalt  }
.Lfunc_end2:
_tile_overlayer_lowered:
.L_overlay_start_2:
0x125: {  	(tag) =	ssettag $0x2  }
0x126: {  	s0 =	rddreg [dreg:$0x0];
	s2 =	stileid.u32  }
0x127: {  	s1 =	rddreg [dreg:$0x1];
	p0 =	sne.s32 s2, $0x0  }
0x128: {  	s3 =	rddreg [dreg:$0x2];
	[bflag:$0x3] =	sbarrier.arrive $0xFFFF;
	s2 =	simm.s32 @!p0 $0x1C03  }
0x129: {  	[timem:s3], [sflag:s2] =	dma.local @!p0 [hbm:s0], s1  }
0x12a: {  	s0 =	simm.s32 @!p0 $0x3  }
0x12b: {  	_ =	swait.ge @!p0 [sflag:s0], s1  }
0x12c: {  	s1 =	ssub.s32 @!p0 $0x0, s1;
	[sflag:s0] =	ssyncset.done @!p0 $0x0  }
0x12d: {  	[sflag:s0] =	ssyncadd.s32 @!p0 s1  }
0x12e: {  	[bflag:$0x3] =	sbarrier.arrive $0xFFFF  }
0x12f: {  	_ =	shalt  }

// kernel: kernel.13.cloned.1.call-start
scs
__scs_entry_jumppad:
0x0: {  	(pc) =	sbr.rel $0x88, $3  }
0x1: {  	(tag) =	ssettag $0x0;
	lr =	simm.s32 $0x1  }
0x2: {  	[smem:$0x3F89] =	sst lr;
	_ =	strace $0xD0000000  }
0x3: {  	_ = 	snop  }
0x4: {  	_ = 	snop  }
0x5: {  	_ = 	snop  }
0x6: {  	_ = 	snop  }
0x7: {  	_ = 	snop  }
__scs_overlays_trampoline_lowered:
0x8: {  	[smem:$0x3F98] =	sst s0  }
0x9: {  	[smem:$0x3F99] =	sst s1  }
0xa: {  	[smem:$0x3F9A] =	sst s2  }
0xb: {  	[smem:$0x3F9B] =	sst s3  }
0xc: {  	[smem:$0x3F9C] =	sst s4  }
0xd: {  	[smem:$0x3F9D] =	sst s5  }
0xe: {  	[smem:$0x3F9E] =	sst s6  }
0xf: {  	[smem:$0x3F9F] =	sst s7  }
0x10: {  	[smem:$0x3FA0] =	sst s8  }
0x11: {  	[smem:$0x3FA1] =	sst s9;
	s0 =	simm.s32 @!p0 $0x0  }
0x12: {  	s1 =	sld [smem:$0x3F87];
	s0 =	simm.s32 @p0 $0x1  }
0x13: {  	[smem:$0x3FA2] =	sst s0;
	s0 =	simm.s32 @!p1 $0x0  }
0x14: {  	s2 =	sld [smem:$0x3F86];
	s0 =	simm.s32 @p1 $0x1  }
0x15: {  	[smem:$0x3FA3] =	sst s0;
	s0 =	simm.s32 @!p2 $0x0  }
0x16: {  	s3 =	sld [smem:$0x3FDB];
	s0 =	simm.s32 @p2 $0x1  }
0x17: {  	s4 =	simm.s32 $0x1BF5;
	[smem:$0x3FA5] =	sst s0  }
0x18: {  	s0 =	sld [smem:$0x3F88];
	_ =	swait.ge [sflag:s4], $0x0  }
0x19: {  	s7 =	sld [smem:$0x3F89]  }
0x1a: {  	s8 =	sadd.s32 $0xFFFFE003, lr  }
0x1b: {  	s9 =	sadd.s32 $0xFFFFFEF7, lr;
	s5 =	simm.s32 $0xFFFFFFFF;
	p2 =	slt.u32 s8, $0xFFFFF086  }
0x1c: {  	p1 =	slt.u32 s9, $0xF7A;
	s5 =	simm.s32 @!p2 $0x0  }
0x1d: {  	s5 =	simm.s32 @p1 $0x1;
	p0 =	seq.s32 s7, s2  }
0x1e: {  	s7 =	smul.u32 @!p0 $0xF7A, s2;
	p2 =	seq.s32 @!p0 s5, $0x0  }
0x1f: {  	s9 =	smul.u32 $0xF7A, s1;
	s8 =	simm.s32 @!p0 $0x1BF5;
	p2 =	por !p2, p0  }
0x20: {  	[sflag:s8] =	ssyncset.s32 @!p0 $0xFFFFF086;
	s6 =	sadd.s32 @!p0 s3, s7;
	s7 =	simm.s32 @!p0 $0x108  }
0x21: {  	s3 =	sadd.s32 s3, s9;
	s6 =	sadd.s32 @!p0 $0x88, s6;
	s7 =	simm.s32 @p2 $0x1082  }
0x22: {  	[simem:s7], [sflag:s8] =	dma.local @!p0 [hbm:s6], $0xF7A  }
0x23: {  	s9 =	sor.u32 $0xD0000000, s2;
	s6 =	simm.s32 $0x108;
	_ =	swait.ge @!p0 [sflag:s8], $0x0  }
0x24: {  	s3 =	sadd.s32 $0x88, s3;
	s6 =	simm.s32 @!p1 $0x1082;
	[sflag:s4] =	ssyncset.s32 $0xFFFFF086  }
0x25: {  	[simem:s6], [sflag:s4] =	dma.local [hbm:s3], $0xF7A  }
0x26: {  	[smem:$0x3F89] =	sst s1;
	(tag) =	ssettag s2;
	_ =	strace s9  }
0x27: {  	s1 =	sld [smem:$0x3F99]  }
0x28: {  	s2 =	sld [smem:$0x3F9A]  }
0x29: {  	s4 =	sld [smem:$0x3F9C]  }
0x2a: {  	p0 =	seq.s32 s5, $0x0;
	s5 =	sld [smem:$0x3F9D]  }
0x2b: {  	s6 =	sld [smem:$0x3F9E]  }
0x2c: {  	s7 =	sld [smem:$0x3F9F]  }
0x2d: {  	s3 =	simm.s32 $0x108;
	s8 =	sld [smem:$0x3FA0]  }
0x2e: {  	s3 =	simm.s32 @!p0 $0x1082;
	s9 =	sld [smem:$0x3FA1]  }
0x2f: {  	lr =	sadd.s32 s0, s3;
	s0 =	sld [smem:$0x3F98]  }
0x30: {  	s3 =	sld [smem:$0x3F9B]  }
0x31: {  	[smem:$0x3FA4] =	sst s10  }
0x32: {  	s10 =	sld [smem:$0x3FA2];
	_ =	sdelay $0x3  }
0x33: {  	p0 =	seq.s32 s10, $0x1;
	s10 =	sld [smem:$0x3FA4];
	_ =	sdelay $0x3  }
0x34: {  	[smem:$0x3FA4] =	sst s10  }
0x35: {  	s10 =	sld [smem:$0x3FA3];
	_ =	sdelay $0x3  }
0x36: {  	p1 =	seq.s32 s10, $0x1;
	s10 =	sld [smem:$0x3FA4];
	_ =	sdelay $0x3  }
0x37: {  	[smem:$0x3FA4] =	sst s10  }
0x38: {  	s10 =	sld [smem:$0x3FA5]  }
0x39: {  	_ = 	snop;
	(pc) =	sbr.ind lr, $3  }
0x3a: {  	_ = 	snop  }
0x3b: {  	_ = 	snop  }
0x3c: {  	p2 =	seq.s32 s10, $0x1;
	s10 =	sld [smem:$0x3FA4]  }
0x3d: {  	_ =	shalt  }
0x3e: {  	_ =	shalt  }
0x3f: {  	_ =	shalt  }
0x40: {  	_ =	shalt  }
0x41: {  	_ =	shalt  }
0x42: {  	_ =	shalt  }
0x43: {  	_ =	shalt  }
0x44: {  	_ =	shalt  }
0x45: {  	_ =	shalt  }
0x46: {  	_ =	shalt  }
0x47: {  	_ =	shalt  }
0x48: {  	_ =	shalt  }
0x49: {  	_ =	shalt  }
0x4a: {  	_ =	shalt  }
0x4b: {  	_ =	shalt  }
0x4c: {  	_ =	shalt  }
0x4d: {  	_ =	shalt  }
0x4e: {  	_ =	shalt  }
0x4f: {  	_ =	shalt  }
0x50: {  	_ =	shalt  }
0x51: {  	_ =	shalt  }
0x52: {  	_ =	shalt  }
0x53: {  	_ =	shalt  }
0x54: {  	_ =	shalt  }
0x55: {  	_ =	shalt  }
0x56: {  	_ =	shalt  }
0x57: {  	_ =	shalt  }
0x58: {  	_ =	shalt  }
0x59: {  	_ =	shalt  }
0x5a: {  	_ =	shalt  }
0x5b: {  	_ =	shalt  }
0x5c: {  	_ =	shalt  }
0x5d: {  	_ =	shalt  }
0x5e: {  	_ =	shalt  }
0x5f: {  	_ =	shalt  }
0x60: {  	_ =	shalt  }
0x61: {  	_ =	shalt  }
0x62: {  	_ =	shalt  }
0x63: {  	_ =	shalt  }
0x64: {  	_ =	shalt  }
0x65: {  	_ =	shalt  }
0x66: {  	_ =	shalt  }
0x67: {  	_ =	shalt  }
0x68: {  	_ =	shalt  }
0x69: {  	_ =	shalt  }
0x6a: {  	_ =	shalt  }
0x6b: {  	_ =	shalt  }
0x6c: {  	_ =	shalt  }
0x6d: {  	_ =	shalt  }
0x6e: {  	_ =	shalt  }
0x6f: {  	_ =	shalt  }
0x70: {  	_ =	shalt  }
0x71: {  	_ =	shalt  }
0x72: {  	_ =	shalt  }
0x73: {  	_ =	shalt  }
0x74: {  	_ =	shalt  }
0x75: {  	_ =	shalt  }
0x76: {  	_ =	shalt  }
0x77: {  	_ =	shalt  }
0x78: {  	_ =	shalt  }
0x79: {  	_ =	shalt  }
0x7a: {  	_ =	shalt  }
0x7b: {  	_ =	shalt  }
0x7c: {  	_ =	shalt  }
0x7d: {  	_ =	shalt  }
0x7e: {  	_ =	shalt  }
0x7f: {  	_ =	shalt  }
0x80: {  	_ =	shalt  }
0x81: {  	_ =	shalt  }
0x82: {  	_ =	shalt  }
0x83: {  	_ =	shalt  }
0x84: {  	_ =	shalt  }
0x85: {  	_ =	shalt  }
0x86: {  	_ =	shalt  }
0x87: {  	_ =	shalt  }
.Lfunc_end0:
.L_simem_size_0:
called_computation.1_lowered:
.L_overlay_start_0:
0x88: {  	s2 =	sld [smem:$0x3FD9]  }
0x89: {  	s3 =	sld [smem:$0x3FFE];
	_ =	sdelay $0x1  }
0x8a: {  	s1 =	srdreg.scid  }
0x8b: {  	s0 =	sand.u32 $0x1, s1  }
0x8c: {  	s14 =	sshll.u32 s0, $0xA;
	s2 =	sadd.s32 s3, s2  }
0x8d: {  	s2 =	sadd.s32 s2, s14  }
0x8e: {  	[smem:$0x3FB0] =	sst s2  }
0x8f: {  	_ = 	snop  }
0x90: {  	s2 =	sld [smem:$0x3FD0];
	_ =	sdelay $0x2  }
0x91: {  	s15 =	simm.s32 $0xA;
	s4 =	simm.s32 $0x10  }
0x92: {  	[smem:s4], [sflag:s15] =	dma.local [hbm:s2], $0x1  }
0x93: {  	_ =	swait.eq [sflag:s15], $0x1  }
0x94: {  	[sflag:s15] =	ssyncset.done $0x0  }
0x95: {  	s16 =	sld [smem:$0x10];
	[sflag:s15] =	ssyncadd.s32 $0xFFFFFFFF  }
0x96: {  	s17 =	sld [smem:$0x11];
	(tm) =	ssettm $0x1  }
0x97: {  	s18 =	sld [smem:$0x3FFB];
	_ =	sdelay $0x3  }
0x98: {  	_ =	strace s18  }
0x99: {  	s4 =	sld [smem:$0x3FFC];
	_ =	sdelay $0x3  }
0x9a: {  	_ =	strace s4  }
0x9b: {  	s4 =	sld [smem:$0x3FFD];
	_ =	sdelay $0x3  }
0x9c: {  	_ =	strace s4  }
0x9d: {  	_ =	strace $0x8FFFFFFF  }
0x9e: {  	s19 =	sld [smem:$0x3FDB];
	_ =	sdelay $0x1  }
0x9f: {  	s5 =	simm.s32 $_scs_section_size  }
0xa0: {  	s6 =	simm.s32 $_size__tile_overlayer_lowered;
	s7 =	simm.s32 $_tile_overlayer_lowered  }
0xa1: {  	s22 =	simm.s32 $0x1BFF;
	s21 =	sshll.u32 s7, $0x1;
	s4 =	sadd.s32 s5, s19  }
0xa2: {  	s8 =	simm.s32 $0x0;
	s20 =	sshll.u32 s6, $0x1;
	s6 =	sadd.s32 s21, s4  }
0xa3: {  	[timem:s8], [sflag:s22] =	dma.local [hbm:s6], s20  }
0xa4: {  	_ =	swait.ge [sflag:s22], s20  }
0xa5: {  	s5 =	ssub.s32 $0x0, s20;
	[sflag:s22] =	ssyncset.done $0x0  }
0xa6: {  	[sflag:s22] =	ssyncadd.s32 s5;
	_ =	sdelay $0x1  }
0xa7: {  	s23 =	simm.s32 $0x1B8B  }
0xa8: {  	_ =	swait.ge [sflag:s23], $0x1  }
0xa9: {  	[sflag:s23] =	ssyncset.done $0x0  }
0xaa: {  	s25 =	simm.s32 $0x1B8E;
	s24 =	sld [smem:$0x3FFE];
	[sflag:s23] =	ssyncadd.s32 $0xFFFFFFFF  }
0xab: {  	s26 =	simm.s32 $execute0_lowered;
	[smem:$0x3FD2] =	sst s25  }
0xac: {  	s6 =	sshll.u32 s26, $0x1;
	_ =	strace $0x80000049;
	[dreg:$0x1] =	wrdreg $0xFFFFFFFF  }
0xad: {  	s28 =	simm.s32 $_size_execute0_lowered;
	s4 =	sadd.s32 s4, s6;
	[dreg:$0x0] =	wrdreg $0x0  }
0xae: {  	s6 =	sshll.u32 s28, $0x1;
	[dreg:$0x2] =	wrdreg s4  }
0xaf: {  	[dreg:$0x3] =	wrdreg s6  }
0xb0: {  	[dreg:$0x4] =	wrdreg $0xC0  }
0xb1: {  	_ =	task [dreg:s8], $0x5FFFF  }
0xb2: {  	[dreg:$0x1] =	wrdreg $0xFFFFFFFF  }
0xb3: {  	[dreg:$0x0] =	wrdreg $0x60  }
0xb4: {  	[dreg:$0x2] =	wrdreg s17  }
0xb5: {  	[dreg:$0x3] =	wrdreg s24  }
0xb6: {  	[dreg:$0x4] =	wrdreg s16  }
0xb7: {  	[dreg:$0x5] =	wrdreg $0x9  }
0xb8: {  	_ =	task.clear_ibuf [dreg:s8], $0x6FFFF;
	_ =	strace $0x90000049  }
0xb9: {  	s29 =	simm.s32 $0x9;
	_ =	strace $0x8000004B  }
0xba: {  	_ =	swait.ge [sflag:s29], $0x1  }
0xbb: {  	[sflag:s29] =	ssyncadd.s32 $0xFFFFFFFF  }
0xbc: {  	_ =	strace $0x9000004B  }
0xbd: {  	_ =	sfence  }
0xbe: {  	s30 =	sld [smem:$0x0];
	_ =	sdelay $0x2  }
0xbf: {  	s31 =	sshll.u32 s1, $0xD;
	s1 =	sshrl.u32 s1, $0x2  }
0xc0: {  	s3 =	sand.u32 $0x4000, s31;
	s1 =	sadd.s32 s1, s30  }
0xc1: {  	s0 =	sor.u32 s3, s0;
	s1 =	sshll.u32 s1, $0x11  }
0xc2: {  	s0 =	sor.u32 s1, s0  }
0xc3: {  	s0 =	sadd.s32 $0x8F2B, s0  }
0xc4: {  	[sflag:s0] =	ssyncadd.remote.s32 $0x1  }
0xc5: {  	_ =	sfence.sel $0xFFFF  }
0xc6: {  	[dreg:$0x0] =	wrdreg $0xFFFFFFFF;
	(pc) =	sbr.abs _section_cstart, $3  }
0xc7: {  	[dreg:$0x1] =	wrdreg $0xFFFFFFFF  }
0xc8: {  	_ =	task.clear_ibuf [dreg:s8], $0x2FFFF;
	_ =	strace $0x9FFFFFFF  }
0xc9: {  	(tm) =	ssettm $0x7FFFFFFF  }
tec
execute0_lowered:
.L_overlay_start_1:
0x0: {  	(tag) =	ssettag $0x1  }
0x1: {  	s7 =	rddreg [dreg:$0x0]  }
0x2: {  	s6 =	rddreg [dreg:$0x1]  }
0x3: {  	s2 =	rddreg [dreg:$0x2]  }
0x4: {  	s0 =	rddreg [dreg:$0x3]  }
0x5: {  	s4 =	srdreg.scid;
	s1 =	stileid.u32  }
0x6: {  	s3 =	simm.s32 $0x0;
	s12 =	simm.s32 $0xA000;
	s13 =	simm.s32 $0xF000  }
0x7: {  	s14 =	simm.s32 $0x1B880;
	s15 =	simm.s32 $0x1C500;
	s16 =	simm.s32 $0x1  }
0x8: {  	s17 =	simm.s32 $0xF080;
	s4 =	sand.u32 $0x1, s4;
	s5 =	sshll.u32 s1, $0x1  }
0x9: {  	s18 =	simm.s32 $0x19080;
	[smem:$0x7FF] =	sst s3;
	s20 =	sor.u32 s4, s5  }
0xa: {  	s19 =	simm.s32 $0x2;
	_ =	strace $0x8000004A;
	s8 =	smul.u32 $0x1400, s20  }
.Ltmp0:
0xb: {  	s9 =	ssub.s32 $0x2, s4;
	s4 =	sadd.s32 $0x6C00, s6;
	(pc) =	sbr.rel .LBB2_1-.Ltmp0, $4  }
0xc: {  	s5 =	sadd.s32 $0x7600, s6;
	s10 =	sshrl.u32 s9, $0x1;
	p0 =	sne.s32 s20, $0x1F  }
0xd: {  	s20 =	simm.s32 $0x0;
	s10 =	ssub.s32 s9, s10;
	s11 =	sadd.s32 s8, s6  }
0xe: {  	s6 =	sadd.s32 $0x2F800, s6;
	s7 =	sadd.s32 s7, s8;
	s8 =	sadd.s32 $0x190, s2  }
0xf: {  	v0 =	vimm.f32 $0.0e+00;
	s10 =	smax.u32 s10, $0x1;
	s9 =	sadd.s32 $0x7800, s11;
	s11 =	simm.s32 $0x3  }
.LBB2_12:
0x10: {  	[hbm4b:s9+s3] =	stream.linear.scatter [tilespmem:s17], [sflag:$0x3], $0xA000, $0x38;
	[tilespmem:$0x1D180] =	vst v63  }
0x11: {  	_ =	swait.ge [sflag:s11], $0xA000  }
0x12: {  	s21 =	simm.s32 @!p0 $0x0;
	s20 =	sadd.s32 $0x1, s20;
	[sflag:s11] =	ssyncset.done $0x0  }
0x13: {  	s22 =	simm.s32 @!p0 $0x19080;
	p1 =	sne.s32 s20, s10;
	[sflag:s11] =	ssyncadd.s32 $0xFFFF6000  }
0x14: {  	[hbm4b:s6+s21] =	stream.linear.scatter @!p0 [tilespmem:s22], [sflag:$0x3], $0x2800, $0x38;
	[tilespmem:$0x1D180] =	vst v63  }
.Ltmp1:
0x15: {  	_ = 	snop;
	(pc) =	sbr.rel @!p1 .LBB2_13-.Ltmp1, $4  }
0x16: {  	s21 =	simm.s32 @!p0 $0x3  }
0x17: {  	_ =	swait.ge @!p0 [sflag:s21], $0x2800  }
0x18: {  	[sflag:s21] =	ssyncset.done @!p0 $0x0  }
0x19: {  	[sflag:s21] =	ssyncadd.s32 @!p0 $0xFFFFD800  }
.LBB2_1:
0x1a: {  	[tilespmem:s3], [sflag:$0x3] =	stream.linear.gather [hbm4b:s7+s3], $0xA000, $0x38;
	[tilespmem:$0x1D180] =	vst v63  }
0x1b: {  	_ =	swait.ge [sflag:s11], $0xA000  }
0x1c: {  	[sflag:s11] =	ssyncset.done $0x0  }
0x1d: {  	[sflag:s11] =	ssyncadd.s32 $0xFFFF6000  }
0x1e: {  	[tilespmem:s12], [sflag:$0x3] =	stream.linear.gather [hbm4b:s4+s3], $0x5000, $0x38;
	[tilespmem:$0x1D180] =	vst v63  }
0x1f: {  	_ =	swait.ge [sflag:s11], $0x5000  }
0x20: {  	[sflag:s11] =	ssyncset.done $0x0  }
0x21: {  	[sflag:s11] =	ssyncadd.s32 $0xFFFFB000  }
0x22: {  	[tilespmem:s13], [sflag:$0x3] =	stream.linear.gather [hbm4b:s5+s3], $0x80, $0x38;
	[tilespmem:$0x1D180] =	vst v63  }
0x23: {  	_ =	swait.ge [sflag:s11], $0x80  }
0x24: {  	[sflag:s11] =	ssyncset.done $0x0  }
0x25: {  	[sflag:s11] =	ssyncadd.s32 $0xFFFFFF80  }
0x26: {  	s21 =	simm.s32 $0x0;
	v1 =	vld [tilespmem:$0xF000]  }
.LBB2_2:
0x27: {  	p1 =	sne.s32 s21, $0x27FC0  }
.Ltmp2:
0x28: {  	_ = 	snop;
	(pc) =	sbr.rel @p1 .LBB2_2-.Ltmp2, $3  }
0x29: {  	_ =	sdelay $0x1  }
0x2a: {  	s22 =	sshra.s32 s21, $0x2  }
0x2b: {  	s21 =	sadd.s32 $0x40, s21;
	[tilespmem:s22+$0xF080] =	vst v0  }
0x2c: {  	s21 =	simm.s32 $0x40;
	s22 =	simm.s32 $0x0  }
.LBB2_4:
0x2d: {  	p1 =	sne.s32 s21, $0x9FC0;
	[tilespmem:s22+$0x19080] =	vst v0;
	s22 =	smov.u32 s21;
	s21 =	sadd.s32 $0x40, s21  }
.Ltmp3:
0x2e: {  	(pc) =	sbr.rel @p1 .LBB2_4-.Ltmp3, $2  }
0x2f: {  	_ =	sdelay $0x2  }
0x30: {  	s22 =	sshra.s32 s22, $0x2  }
0x31: {  	[tilespmem:s22+$0x19080] =	vst v0;
	s21 =	simm.s32 $0x0  }
0x32: {  	[tilespmem:s14], [sflag:$0x1] =	stream.linear.gather [hbm4b:s2+s21], $0xC80, $0x38;
	[tilespmem:$0x1D180] =	vst v63  }
0x33: {  	_ = 	snop  }
0x34: {  	[tilespmem:s15], [sflag:$0x2] =	stream.linear.gather [hbm4b:s8+s21], $0xC80, $0x38;
	[tilespmem:$0x1D180] =	vst v63  }
.LBB2_6:
0x35: {  	_ =	swait.ge [sflag:s16], $0xC80  }
0x36: {  	[sflag:s16] =	ssyncset.done $0x0  }
0x37: {  	s22 =	simm.s32 $0x0;
	[sflag:s16] =	ssyncadd.s32 $0xFFFFF380  }
0x38: {  	v3 =	vld [tilespmem:s22+$0x1B880];
	_ =	sdelay $0x4  }
0x39: {  	v2 =	vand.u32 $0x3FFF, v3  }
0x3a: {  	v4 =	vshrl.u32 v3, $0xE;
	v5 =	vadd.s32 $0x2800, v2  }
0x3b: {  	v6 =	vand.u32 $0x7F, v3;
	v5 =	vand.u32 $0x7F80, v5  }
0x3c: {  	v5 =	vor.u32 v6, v5;
	_ =	sdelay $0x2  }
0x3d: {  	v3 =	vld.idx.msk [tilespmem:v4+s12+$0x0], $0xffff;
	_ =	sdelay $0x1  }
0x3e: {  	v7 =	vld.idx.msk [tilespmem:v5+s12+$0x0], $0xffff;
	_ =	sdelay $0x2  }
0x3f: {  	v3 =	vsub.f32 v3, v1;
	_ =	sdelay $0x1  }
0x40: {  	v3 =	vadd.f32 v7, v3;
	_ =	sdelay $0x1  }
0x41: {  	v3 =	vmul.f32 $1.442695020e+00, v3;
	_ =	sdelay $0x1  }
0x42: {  	(erf) = vpow2.f32 v3;
	_ =	sdelay $0x4  }
0x43: {  	v62 =	vld.idx.msk [tilespmem:v4+s3+$0x0], $0xffff;
	v3 =	vadd.s32 $0x2800, v4  }
0x44: {  	v3 =	vand.u32 $0x7FF80, v3  }
0x45: {  	v8 =	vand.u32 $0x7F, v4  }
0x46: {  	v9 =	vor.u32 v8, v3  }
0x47: {  	v3 =	vpop (erf)  }
0x48: {  	v7 =	vmul.f32 v3, v62;
	_ =	sdelay $0x1  }
0x49: {  	[tilespmem:v2+s17+$0x0] =	vst.idx.add.f32.msk $0xffff, v7  }
0x4a: {  	v7 =	vld.idx.msk [tilespmem:v9+s3+$0x0], $0xffff  }
0x4b: {  	v63 =	vadd.s32 $0x5000, v4  }
0x4c: {  	v9 =	vand.u32 $0x7FF80, v63  }
0x4d: {  	v9 =	vor.u32 v8, v9;
	_ =	sdelay $0x1  }
0x4e: {  	v7 =	vmul.f32 v3, v7;
	_ =	sdelay $0x1  }
0x4f: {  	[tilespmem:v5+s17+$0x0] =	vst.idx.add.f32.msk $0xffff, v7  }
0x50: {  	v5 =	vadd.s32 $0x5000, v2;
	v7 =	vld.idx.msk [tilespmem:v9+s3+$0x0], $0xffff  }
0x51: {  	v4 =	vadd.s32 $0x7800, v4;
	v5 =	vand.u32 $0xFF80, v5  }
0x52: {  	v4 =	vand.u32 $0x7FF80, v4;
	v5 =	vor.u32 v6, v5  }
0x53: {  	v4 =	vor.u32 v8, v4;
	_ =	sdelay $0x1  }
0x54: {  	v7 =	vmul.f32 v7, v3;
	_ =	sdelay $0x1  }
0x55: {  	[tilespmem:v5+s17+$0x0] =	vst.idx.add.f32.msk $0xffff, v7  }
0x56: {  	v5 =	vadd.s32 $0x7800, v2;
	v4 =	vld.idx.msk [tilespmem:v4+s3+$0x0], $0xffff  }
0x57: {  	v5 =	vand.u32 $0xFF80, v5  }
0x58: {  	v5 =	vor.u32 v6, v5;
	_ =	sdelay $0x2  }
0x59: {  	v4 =	vmul.f32 v4, v3;
	_ =	sdelay $0x1  }
0x5a: {  	s23 =	simm.s32 $0x80;
	s22 =	simm.s32 $0x40;
	[tilespmem:v5+s17+$0x0] =	vst.idx.add.f32.msk $0xffff, v4  }
.LBB2_7:
0x5b: {  	p1 =	sne.s32 s23, $0x31C0  }
0x5c: {  	s24 =	sshra.s32 s22, $0x2;
	[tilespmem:v2+s18+$0x0] =	vst.idx.add.f32.msk $0xffff, v3;
	s22 =	smov.u32 s23;
	s23 =	sadd.s32 $0x40, s23  }
0x5d: {  	v3 =	vld [tilespmem:s24+$0x1B880];
	_ =	sdelay $0x4  }
0x5e: {  	v4 =	vshrl.u32 v3, $0xE;
	v2 =	vand.u32 $0x3FFF, v3  }
0x5f: {  	v5 =	vadd.s32 $0x2800, v2;
	v6 =	vadd.s32 $0x2800, v4;
	v7 =	vadd.s32 $0x5000, v4  }
0x60: {  	v3 =	vand.u32 $0x7F, v3;
	v5 =	vand.u32 $0x7F80, v5;
	v6 =	vand.u32 $0x7FF80, v6  }
0x61: {  	v8 =	vadd.s32 $0x5000, v2;
	v9 =	vadd.s32 $0x7800, v4;
	v5 =	vor.u32 v3, v5  }
0x62: {  	v10 =	vadd.s32 $0x7800, v2;
	v8 =	vand.u32 $0xFF80, v8  }
0x63: {  	v10 =	vand.u32 $0xFF80, v10;
	v8 =	vor.u32 v3, v8  }
0x64: {  	v10 =	vor.u32 v3, v10;
	v11 =	vld.idx.msk [tilespmem:v4+s12+$0x0], $0xffff;
	_ =	sdelay $0x1  }
0x65: {  	v3 =	vld.idx.msk [tilespmem:v5+s12+$0x0], $0xffff;
	_ =	sdelay $0x3  }
0x66: {  	v11 =	vsub.f32 v11, v1;
	_ =	sdelay $0x1  }
0x67: {  	v3 =	vadd.f32 v3, v11;
	_ =	sdelay $0x1  }
0x68: {  	v3 =	vmul.f32 $1.442695020e+00, v3;
	_ =	sdelay $0x1  }
0x69: {  	(erf) = vpow2.f32 v3;
	_ =	sdelay $0x3  }
0x6a: {  	v11 =	vld.idx.msk [tilespmem:v4+s3+$0x0], $0xffff;
	_ =	sdelay $0x2  }
0x6b: {  	v4 =	vand.u32 $0x7F, v4  }
0x6c: {  	v6 =	vor.u32 v4, v6  }
0x6d: {  	v3 =	vpop (erf)  }
0x6e: {  	v11 =	vmul.f32 v3, v11;
	_ =	sdelay $0x1  }
0x6f: {  	[tilespmem:v2+s17+$0x0] =	vst.idx.add.f32.msk $0xffff, v11  }
0x70: {  	v6 =	vld.idx.msk [tilespmem:v6+s3+$0x0], $0xffff;
	_ =	sdelay $0x2  }
0x71: {  	v7 =	vand.u32 $0x7FF80, v7  }
0x72: {  	v7 =	vor.u32 v4, v7;
	_ =	sdelay $0x1  }
0x73: {  	v6 =	vmul.f32 v3, v6;
	_ =	sdelay $0x1  }
0x74: {  	[tilespmem:v5+s17+$0x0] =	vst.idx.add.f32.msk $0xffff, v6  }
0x75: {  	v5 =	vld.idx.msk [tilespmem:v7+s3+$0x0], $0xffff;
	_ =	sdelay $0x2  }
0x76: {  	v6 =	vand.u32 $0x7FF80, v9  }
0x77: {  	v4 =	vor.u32 v4, v6;
	_ =	sdelay $0x1  }
0x78: {  	v5 =	vmul.f32 v5, v3;
	_ =	sdelay $0x1  }
0x79: {  	[tilespmem:v8+s17+$0x0] =	vst.idx.add.f32.msk $0xffff, v5  }
0x7a: {  	v4 =	vld.idx.msk [tilespmem:v4+s3+$0x0], $0xffff;
	_ =	sdelay $0x3  }
.Ltmp4:
0x7b: {  	(pc) =	sbr.rel @p1 .LBB2_7-.Ltmp4, $3  }
0x7c: {  	_ = 	snop  }
0x7d: {  	v4 =	vmul.f32 v4, v3;
	_ =	sdelay $0x1  }
0x7e: {  	[tilespmem:v10+s17+$0x0] =	vst.idx.add.f32.msk $0xffff, v4  }
0x7f: {  	_ =	sdelay $0x3  }
0x80: {  	s22 =	sshra.s32 s22, $0x2;
	[tilespmem:v2+s18+$0x0] =	vst.idx.add.f32.msk $0xffff, v3  }
0x81: {  	v2 =	vld [tilespmem:s22+$0x1B880];
	_ =	sdelay $0x4  }
0x82: {  	v3 =	vand.u32 $0x3FFF, v2  }
0x83: {  	v4 =	vshrl.u32 v2, $0xE;
	v5 =	vadd.s32 $0x2800, v3  }
0x84: {  	v2 =	vand.u32 $0x7F, v2;
	v5 =	vand.u32 $0x7F80, v5  }
0x85: {  	v5 =	vor.u32 v2, v5;
	_ =	sdelay $0x2  }
0x86: {  	v6 =	vld.idx.msk [tilespmem:v4+s12+$0x0], $0xffff;
	_ =	sdelay $0x1  }
0x87: {  	v7 =	vld.idx.msk [tilespmem:v5+s12+$0x0], $0xffff;
	_ =	sdelay $0x2  }
0x88: {  	v6 =	vsub.f32 v6, v1;
	_ =	sdelay $0x1  }
0x89: {  	v6 =	vadd.f32 v7, v6;
	_ =	sdelay $0x1  }
0x8a: {  	v6 =	vmul.f32 $1.442695020e+00, v6;
	_ =	sdelay $0x1  }
0x8b: {  	(erf) = vpow2.f32 v6;
	_ =	sdelay $0x4  }
0x8c: {  	v55 =	vld.idx.msk [tilespmem:v4+s3+$0x0], $0xffff  }
0x8d: {  	v56 =	vadd.s32 $0x2800, v4  }
0x8e: {  	v8 =	vand.u32 $0x7F, v4;
	v7 =	vand.u32 $0x7FF80, v56  }
0x8f: {  	v7 =	vor.u32 v8, v7  }
0x90: {  	v9 =	vpop (erf)  }
0x91: {  	v6 =	vmul.f32 v9, v55;
	_ =	sdelay $0x1  }
0x92: {  	[tilespmem:v3+s17+$0x0] =	vst.idx.add.f32.msk $0xffff, v6  }
0x93: {  	v6 =	vld.idx.msk [tilespmem:v7+s3+$0x0], $0xffff  }
0x94: {  	v57 =	vadd.s32 $0x5000, v4  }
0x95: {  	v7 =	vand.u32 $0x7FF80, v57  }
0x96: {  	v7 =	vor.u32 v8, v7;
	_ =	sdelay $0x1  }
0x97: {  	v6 =	vmul.f32 v9, v6;
	_ =	sdelay $0x1  }
0x98: {  	[tilespmem:v5+s17+$0x0] =	vst.idx.add.f32.msk $0xffff, v6  }
0x99: {  	v5 =	vadd.s32 $0x5000, v3;
	v6 =	vld.idx.msk [tilespmem:v7+s3+$0x0], $0xffff  }
0x9a: {  	v4 =	vadd.s32 $0x7800, v4;
	v5 =	vand.u32 $0xFF80, v5  }
0x9b: {  	v4 =	vand.u32 $0x7FF80, v4;
	v5 =	vor.u32 v2, v5  }
0x9c: {  	v4 =	vor.u32 v8, v4;
	_ =	sdelay $0x1  }
0x9d: {  	v6 =	vmul.f32 v6, v9;
	_ =	sdelay $0x1  }
0x9e: {  	[tilespmem:v5+s17+$0x0] =	vst.idx.add.f32.msk $0xffff, v6  }
0x9f: {  	v5 =	vadd.s32 $0x7800, v3;
	v4 =	vld.idx.msk [tilespmem:v4+s3+$0x0], $0xffff  }
0xa0: {  	v5 =	vand.u32 $0xFF80, v5  }
0xa1: {  	v2 =	vor.u32 v2, v5  }
0xa2: {  	p1 =	seq.s32 s21, $0x31  }
0xa3: {  	s22 =	smul.u32 @!p1 $0x1900, s21  }
0xa4: {  	v4 =	vmul.f32 v4, v9  }
0xa5: {  	s22 =	sshrl.u32 @!p1 s22, $0x3  }
0xa6: {  	s22 =	sadd.s32 @!p1 s2, s22;
	[tilespmem:v2+s17+$0x0] =	vst.idx.add.f32.msk $0xffff, v4  }
0xa7: {  	s23 =	simm.s32 @!p1 $0x0;
	s24 =	simm.s32 @!p1 $0x1B880;
	s22 =	sadd.s32 @!p1 $0x320, s22;
	[tilespmem:v3+s18+$0x0] =	vst.idx.add.f32.msk $0xffff, v9  }
0xa8: {  	[tilespmem:s24], [sflag:$0x1] =	stream.linear.gather @!p1 [hbm4b:s22+s23], $0xC80, $0x38;
	[tilespmem:$0x1D180] =	vst v63  }
0xa9: {  	_ =	swait.ge [sflag:s19], $0xC80  }
0xaa: {  	[sflag:s19] =	ssyncset.done $0x0  }
0xab: {  	s31 =	simm.s32 $0x0;
	[sflag:s19] =	ssyncadd.s32 $0xFFFFF380  }
0xac: {  	v3 =	vld [tilespmem:s31+$0x1C500];
	_ =	sdelay $0x4  }
0xad: {  	v2 =	vand.u32 $0x3FFF, v3  }
0xae: {  	v4 =	vshrl.u32 v3, $0xE;
	v5 =	vadd.s32 $0x2800, v2  }
0xaf: {  	v58 =	vand.u32 $0x7F, v3;
	v5 =	vand.u32 $0x7F80, v5  }
0xb0: {  	v5 =	vor.u32 v58, v5;
	_ =	sdelay $0x2  }
0xb1: {  	v3 =	vld.idx.msk [tilespmem:v4+s12+$0x0], $0xffff;
	_ =	sdelay $0x1  }
0xb2: {  	v59 =	vld.idx.msk [tilespmem:v5+s12+$0x0], $0xffff;
	_ =	sdelay $0x2  }
0xb3: {  	v3 =	vsub.f32 v3, v1;
	_ =	sdelay $0x1  }
0xb4: {  	v3 =	vadd.f32 v59, v3;
	_ =	sdelay $0x1  }
0xb5: {  	v3 =	vmul.f32 $1.442695020e+00, v3;
	_ =	sdelay $0x1  }
0xb6: {  	(erf) = vpow2.f32 v3;
	_ =	sdelay $0x4  }
0xb7: {  	v60 =	vld.idx.msk [tilespmem:v4+s3+$0x0], $0xffff;
	v3 =	vadd.s32 $0x2800, v4  }
0xb8: {  	v3 =	vand.u32 $0x7FF80, v3  }
0xb9: {  	v61 =	vand.u32 $0x7F, v4  }
0xba: {  	v62 =	vor.u32 v61, v3  }
0xbb: {  	v3 =	vpop (erf)  }
0xbc: {  	v7 =	vmul.f32 v3, v60;
	_ =	sdelay $0x1  }
0xbd: {  	[tilespmem:v2+s17+$0x0] =	vst.idx.add.f32.msk $0xffff, v7  }
0xbe: {  	v7 =	vld.idx.msk [tilespmem:v62+s3+$0x0], $0xffff  }
0xbf: {  	v63 =	vadd.s32 $0x5000, v4  }
0xc0: {  	v9 =	vand.u32 $0x7FF80, v63  }
0xc1: {  	v9 =	vor.u32 v61, v9;
	_ =	sdelay $0x1  }
0xc2: {  	v7 =	vmul.f32 v3, v7;
	_ =	sdelay $0x1  }
0xc3: {  	[tilespmem:v5+s17+$0x0] =	vst.idx.add.f32.msk $0xffff, v7  }
0xc4: {  	v5 =	vadd.s32 $0x5000, v2;
	v7 =	vld.idx.msk [tilespmem:v9+s3+$0x0], $0xffff  }
0xc5: {  	v4 =	vadd.s32 $0x7800, v4;
	v5 =	vand.u32 $0xFF80, v5  }
0xc6: {  	v4 =	vand.u32 $0x7FF80, v4;
	v5 =	vor.u32 v58, v5  }
0xc7: {  	v4 =	vor.u32 v61, v4;
	_ =	sdelay $0x1  }
0xc8: {  	v7 =	vmul.f32 v7, v3;
	_ =	sdelay $0x1  }
0xc9: {  	[tilespmem:v5+s17+$0x0] =	vst.idx.add.f32.msk $0xffff, v7  }
0xca: {  	v5 =	vadd.s32 $0x7800, v2;
	v4 =	vld.idx.msk [tilespmem:v4+s3+$0x0], $0xffff  }
0xcb: {  	v5 =	vand.u32 $0xFF80, v5  }
0xcc: {  	v5 =	vor.u32 v58, v5;
	_ =	sdelay $0x2  }
0xcd: {  	v4 =	vmul.f32 v4, v3;
	_ =	sdelay $0x1  }
0xce: {  	s22 =	simm.s32 $0x40;
	s23 =	simm.s32 $0x80;
	[tilespmem:v5+s17+$0x0] =	vst.idx.add.f32.msk $0xffff, v4  }
.LBB2_9:
0xcf: {  	p2 =	sne.s32 s23, $0x31C0  }
0xd0: {  	s24 =	sshra.s32 s22, $0x2;
	[tilespmem:v2+s18+$0x0] =	vst.idx.add.f32.msk $0xffff, v3;
	s22 =	smov.u32 s23;
	s23 =	sadd.s32 $0x40, s23  }
0xd1: {  	v3 =	vld [tilespmem:s24+$0x1C500];
	_ =	sdelay $0x4  }
0xd2: {  	v4 =	vshrl.u32 v3, $0xE;
	v2 =	vand.u32 $0x3FFF, v3  }
0xd3: {  	v5 =	vadd.s32 $0x2800, v2;
	v6 =	vadd.s32 $0x2800, v4;
	v7 =	vadd.s32 $0x5000, v4  }
0xd4: {  	v3 =	vand.u32 $0x7F, v3;
	v5 =	vand.u32 $0x7F80, v5;
	v6 =	vand.u32 $0x7FF80, v6  }
0xd5: {  	v8 =	vadd.s32 $0x5000, v2;
	v9 =	vadd.s32 $0x7800, v4;
	v5 =	vor.u32 v3, v5  }
0xd6: {  	v10 =	vadd.s32 $0x7800, v2;
	v8 =	vand.u32 $0xFF80, v8  }
0xd7: {  	v10 =	vand.u32 $0xFF80, v10;
	v8 =	vor.u32 v3, v8  }
0xd8: {  	v10 =	vor.u32 v3, v10;
	v11 =	vld.idx.msk [tilespmem:v4+s12+$0x0], $0xffff;
	_ =	sdelay $0x1  }
0xd9: {  	v3 =	vld.idx.msk [tilespmem:v5+s12+$0x0], $0xffff;
	_ =	sdelay $0x3  }
0xda: {  	v11 =	vsub.f32 v11, v1;
	_ =	sdelay $0x1  }
0xdb: {  	v3 =	vadd.f32 v3, v11;
	_ =	sdelay $0x1  }
0xdc: {  	v3 =	vmul.f32 $1.442695020e+00, v3;
	_ =	sdelay $0x1  }
0xdd: {  	(erf) = vpow2.f32 v3;
	_ =	sdelay $0x3  }
0xde: {  	v11 =	vld.idx.msk [tilespmem:v4+s3+$0x0], $0xffff;
	_ =	sdelay $0x2  }
0xdf: {  	v4 =	vand.u32 $0x7F, v4  }
0xe0: {  	v6 =	vor.u32 v4, v6  }
0xe1: {  	v3 =	vpop (erf)  }
0xe2: {  	v11 =	vmul.f32 v3, v11;
	_ =	sdelay $0x1  }
0xe3: {  	[tilespmem:v2+s17+$0x0] =	vst.idx.add.f32.msk $0xffff, v11  }
0xe4: {  	v6 =	vld.idx.msk [tilespmem:v6+s3+$0x0], $0xffff;
	_ =	sdelay $0x2  }
0xe5: {  	v7 =	vand.u32 $0x7FF80, v7  }
0xe6: {  	v7 =	vor.u32 v4, v7;
	_ =	sdelay $0x1  }
0xe7: {  	v6 =	vmul.f32 v3, v6;
	_ =	sdelay $0x1  }
0xe8: {  	[tilespmem:v5+s17+$0x0] =	vst.idx.add.f32.msk $0xffff, v6  }
0xe9: {  	v5 =	vld.idx.msk [tilespmem:v7+s3+$0x0], $0xffff;
	_ =	sdelay $0x2  }
0xea: {  	v6 =	vand.u32 $0x7FF80, v9  }
0xeb: {  	v4 =	vor.u32 v4, v6;
	_ =	sdelay $0x1  }
0xec: {  	v5 =	vmul.f32 v5, v3;
	_ =	sdelay $0x1  }
0xed: {  	[tilespmem:v8+s17+$0x0] =	vst.idx.add.f32.msk $0xffff, v5  }
0xee: {  	v4 =	vld.idx.msk [tilespmem:v4+s3+$0x0], $0xffff;
	_ =	sdelay $0x3  }
.Ltmp5:
0xef: {  	(pc) =	sbr.rel @p2 .LBB2_9-.Ltmp5, $3  }
0xf0: {  	_ = 	snop  }
0xf1: {  	v4 =	vmul.f32 v4, v3;
	_ =	sdelay $0x1  }
0xf2: {  	[tilespmem:v10+s17+$0x0] =	vst.idx.add.f32.msk $0xffff, v4  }
0xf3: {  	_ =	sdelay $0x3  }
0xf4: {  	s22 =	sshra.s32 s22, $0x2;
	[tilespmem:v2+s18+$0x0] =	vst.idx.add.f32.msk $0xffff, v3  }
0xf5: {  	v2 =	vld [tilespmem:s22+$0x1C500];
	_ =	sdelay $0x4  }
0xf6: {  	v3 =	vand.u32 $0x3FFF, v2  }
0xf7: {  	v4 =	vshrl.u32 v2, $0xE;
	v5 =	vadd.s32 $0x2800, v3  }
0xf8: {  	v2 =	vand.u32 $0x7F, v2;
	v5 =	vand.u32 $0x7F80, v5  }
0xf9: {  	v5 =	vor.u32 v2, v5;
	_ =	sdelay $0x2  }
0xfa: {  	v6 =	vld.idx.msk [tilespmem:v4+s12+$0x0], $0xffff;
	_ =	sdelay $0x1  }
0xfb: {  	v7 =	vld.idx.msk [tilespmem:v5+s12+$0x0], $0xffff;
	_ =	sdelay $0x2  }
0xfc: {  	v6 =	vsub.f32 v6, v1;
	_ =	sdelay $0x1  }
0xfd: {  	v6 =	vadd.f32 v7, v6;
	_ =	sdelay $0x1  }
0xfe: {  	v6 =	vmul.f32 $1.442695020e+00, v6;
	_ =	sdelay $0x1  }
0xff: {  	(erf) = vpow2.f32 v6;
	_ =	sdelay $0x4  }
0x100: {  	v59 =	vld.idx.msk [tilespmem:v4+s3+$0x0], $0xffff  }
0x101: {  	v60 =	vadd.s32 $0x2800, v4  }
0x102: {  	v8 =	vand.u32 $0x7F, v4;
	v7 =	vand.u32 $0x7FF80, v60  }
0x103: {  	v7 =	vor.u32 v8, v7  }
0x104: {  	v9 =	vpop (erf)  }
0x105: {  	v6 =	vmul.f32 v9, v59;
	_ =	sdelay $0x1  }
0x106: {  	[tilespmem:v3+s17+$0x0] =	vst.idx.add.f32.msk $0xffff, v6  }
0x107: {  	v6 =	vld.idx.msk [tilespmem:v7+s3+$0x0], $0xffff  }
0x108: {  	v61 =	vadd.s32 $0x5000, v4  }
0x109: {  	v7 =	vand.u32 $0x7FF80, v61  }
0x10a: {  	v7 =	vor.u32 v8, v7;
	_ =	sdelay $0x1  }
0x10b: {  	v6 =	vmul.f32 v9, v6;
	_ =	sdelay $0x1  }
0x10c: {  	[tilespmem:v5+s17+$0x0] =	vst.idx.add.f32.msk $0xffff, v6  }
0x10d: {  	v62 =	vadd.s32 $0x5000, v3;
	v6 =	vld.idx.msk [tilespmem:v7+s3+$0x0], $0xffff  }
0x10e: {  	v4 =	vadd.s32 $0x7800, v4;
	v5 =	vand.u32 $0xFF80, v62  }
0x10f: {  	v4 =	vand.u32 $0x7FF80, v4;
	v5 =	vor.u32 v2, v5  }
0x110: {  	v4 =	vor.u32 v8, v4;
	_ =	sdelay $0x1  }
0x111: {  	v6 =	vmul.f32 v6, v9;
	_ =	sdelay $0x1  }
0x112: {  	[tilespmem:v5+s17+$0x0] =	vst.idx.add.f32.msk $0xffff, v6  }
0x113: {  	v63 =	vadd.s32 $0x7800, v3;
	v4 =	vld.idx.msk [tilespmem:v4+s3+$0x0], $0xffff  }
0x114: {  	v5 =	vand.u32 $0xFF80, v63  }
0x115: {  	v2 =	vor.u32 v2, v5;
	_ =	sdelay $0x1  }
.Ltmp6:
0x116: {  	_ = 	snop;
	(pc) =	sbr.rel @p1 .LBB2_12-.Ltmp6, $3  }
0x117: {  	v4 =	vmul.f32 v4, v9;
	_ =	sdelay $0x1  }
0x118: {  	[tilespmem:v2+s17+$0x0] =	vst.idx.add.f32.msk $0xffff, v4  }
0x119: {  	[tilespmem:v3+s18+$0x0] =	vst.idx.add.f32.msk $0xffff, v9  }
0x11a: {  	s22 =	smul.u32 $0x1900, s21  }
.Ltmp7:
0x11b: {  	_ = 	snop;
	(pc) =	sbr.rel .LBB2_6-.Ltmp7, $4  }
0x11c: {  	s22 =	sshrl.u32 s22, $0x3  }
0x11d: {  	s22 =	sadd.s32 s2, s22  }
0x11e: {  	s21 =	sadd.s32 $0x1, s21;
	s22 =	sadd.s32 $0x4B0, s22  }
0x11f: {  	[tilespmem:s15], [sflag:$0x2] =	stream.linear.gather [hbm4b:s22+s3], $0xC80, $0x38;
	[tilespmem:$0x1D180] =	vst v63  }
.LBB2_13:
0x120: {  	_ =	sfence.sel $0x180000  }
0x121: {  	[bflag:$0x0] =	sbarrier.arrive $0xFFFF  }
0x122: {  	p0 =	sne.s32 s1, $0x0;
	_ =	strace $0x9000004A  }
0x123: {  	s0 =	sadd.s32 @!p0 $0x100000, s0;
	[bflag:$0x2] =	sbarrier.arrive $0xFFFF  }
0x124: {  	[sflag:s0] =	ssyncadd.tile.s32 @!p0 $0x1;
	_ =	shalt  }
.Lfunc_end2:
_tile_overlayer_lowered:
.L_overlay_start_2:
0x125: {  	(tag) =	ssettag $0x2  }
0x126: {  	s0 =	rddreg [dreg:$0x0];
	s2 =	stileid.u32  }
0x127: {  	s1 =	rddreg [dreg:$0x1];
	p0 =	sne.s32 s2, $0x0  }
0x128: {  	s3 =	rddreg [dreg:$0x2];
	[bflag:$0x3] =	sbarrier.arrive $0xFFFF;
	s2 =	simm.s32 @!p0 $0x1C03  }
0x129: {  	[timem:s3], [sflag:s2] =	dma.local @!p0 [hbm:s0], s1  }
0x12a: {  	s0 =	simm.s32 @!p0 $0x3  }
0x12b: {  	_ =	swait.ge @!p0 [sflag:s0], s1  }
0x12c: {  	s1 =	ssub.s32 @!p0 $0x0, s1;
	[sflag:s0] =	ssyncset.done @!p0 $0x0  }
0x12d: {  	[sflag:s0] =	ssyncadd.s32 @!p0 s1  }
0x12e: {  	[bflag:$0x3] =	sbarrier.arrive $0xFFFF  }
0x12f: {  	_ =	shalt  }

// kernel: kernel.16.cloned.1.call-start
scs
__scs_entry_jumppad:
0x0: {  	(pc) =	sbr.rel $0x88, $3  }
0x1: {  	(tag) =	ssettag $0x0;
	lr =	simm.s32 $0x1  }
0x2: {  	[smem:$0x3F89] =	sst lr;
	_ =	strace $0xD0000000  }
0x3: {  	_ = 	snop  }
0x4: {  	_ = 	snop  }
0x5: {  	_ = 	snop  }
0x6: {  	_ = 	snop  }
0x7: {  	_ = 	snop  }
__scs_overlays_trampoline_lowered:
0x8: {  	[smem:$0x3F98] =	sst s0  }
0x9: {  	[smem:$0x3F99] =	sst s1  }
0xa: {  	[smem:$0x3F9A] =	sst s2  }
0xb: {  	[smem:$0x3F9B] =	sst s3  }
0xc: {  	[smem:$0x3F9C] =	sst s4  }
0xd: {  	[smem:$0x3F9D] =	sst s5  }
0xe: {  	[smem:$0x3F9E] =	sst s6  }
0xf: {  	[smem:$0x3F9F] =	sst s7  }
0x10: {  	[smem:$0x3FA0] =	sst s8  }
0x11: {  	[smem:$0x3FA1] =	sst s9;
	s0 =	simm.s32 @!p0 $0x0  }
0x12: {  	s1 =	sld [smem:$0x3F87];
	s0 =	simm.s32 @p0 $0x1  }
0x13: {  	[smem:$0x3FA2] =	sst s0;
	s0 =	simm.s32 @!p1 $0x0  }
0x14: {  	s2 =	sld [smem:$0x3F86];
	s0 =	simm.s32 @p1 $0x1  }
0x15: {  	[smem:$0x3FA3] =	sst s0;
	s0 =	simm.s32 @!p2 $0x0  }
0x16: {  	s3 =	sld [smem:$0x3FDB];
	s0 =	simm.s32 @p2 $0x1  }
0x17: {  	s4 =	simm.s32 $0x1BF5;
	[smem:$0x3FA5] =	sst s0  }
0x18: {  	s0 =	sld [smem:$0x3F88];
	_ =	swait.ge [sflag:s4], $0x0  }
0x19: {  	s7 =	sld [smem:$0x3F89]  }
0x1a: {  	s8 =	sadd.s32 $0xFFFFE003, lr  }
0x1b: {  	s9 =	sadd.s32 $0xFFFFFEF7, lr;
	s5 =	simm.s32 $0xFFFFFFFF;
	p2 =	slt.u32 s8, $0xFFFFF086  }
0x1c: {  	p1 =	slt.u32 s9, $0xF7A;
	s5 =	simm.s32 @!p2 $0x0  }
0x1d: {  	s5 =	simm.s32 @p1 $0x1;
	p0 =	seq.s32 s7, s2  }
0x1e: {  	s7 =	smul.u32 @!p0 $0xF7A, s2;
	p2 =	seq.s32 @!p0 s5, $0x0  }
0x1f: {  	s9 =	smul.u32 $0xF7A, s1;
	s8 =	simm.s32 @!p0 $0x1BF5;
	p2 =	por !p2, p0  }
0x20: {  	[sflag:s8] =	ssyncset.s32 @!p0 $0xFFFFF086;
	s6 =	sadd.s32 @!p0 s3, s7;
	s7 =	simm.s32 @!p0 $0x108  }
0x21: {  	s3 =	sadd.s32 s3, s9;
	s6 =	sadd.s32 @!p0 $0x88, s6;
	s7 =	simm.s32 @p2 $0x1082  }
0x22: {  	[simem:s7], [sflag:s8] =	dma.local @!p0 [hbm:s6], $0xF7A  }
0x23: {  	s9 =	sor.u32 $0xD0000000, s2;
	s6 =	simm.s32 $0x108;
	_ =	swait.ge @!p0 [sflag:s8], $0x0  }
0x24: {  	s3 =	sadd.s32 $0x88, s3;
	s6 =	simm.s32 @!p1 $0x1082;
	[sflag:s4] =	ssyncset.s32 $0xFFFFF086  }
0x25: {  	[simem:s6], [sflag:s4] =	dma.local [hbm:s3], $0xF7A  }
0x26: {  	[smem:$0x3F89] =	sst s1;
	(tag) =	ssettag s2;
	_ =	strace s9  }
0x27: {  	s1 =	sld [smem:$0x3F99]  }
0x28: {  	s2 =	sld [smem:$0x3F9A]  }
0x29: {  	s4 =	sld [smem:$0x3F9C]  }
0x2a: {  	p0 =	seq.s32 s5, $0x0;
	s5 =	sld [smem:$0x3F9D]  }
0x2b: {  	s6 =	sld [smem:$0x3F9E]  }
0x2c: {  	s7 =	sld [smem:$0x3F9F]  }
0x2d: {  	s3 =	simm.s32 $0x108;
	s8 =	sld [smem:$0x3FA0]  }
0x2e: {  	s3 =	simm.s32 @!p0 $0x1082;
	s9 =	sld [smem:$0x3FA1]  }
0x2f: {  	lr =	sadd.s32 s0, s3;
	s0 =	sld [smem:$0x3F98]  }
0x30: {  	s3 =	sld [smem:$0x3F9B]  }
0x31: {  	[smem:$0x3FA4] =	sst s10  }
0x32: {  	s10 =	sld [smem:$0x3FA2];
	_ =	sdelay $0x3  }
0x33: {  	p0 =	seq.s32 s10, $0x1;
	s10 =	sld [smem:$0x3FA4];
	_ =	sdelay $0x3  }
0x34: {  	[smem:$0x3FA4] =	sst s10  }
0x35: {  	s10 =	sld [smem:$0x3FA3];
	_ =	sdelay $0x3  }
0x36: {  	p1 =	seq.s32 s10, $0x1;
	s10 =	sld [smem:$0x3FA4];
	_ =	sdelay $0x3  }
0x37: {  	[smem:$0x3FA4] =	sst s10  }
0x38: {  	s10 =	sld [smem:$0x3FA5]  }
0x39: {  	_ = 	snop;
	(pc) =	sbr.ind lr, $3  }
0x3a: {  	_ = 	snop  }
0x3b: {  	_ = 	snop  }
0x3c: {  	p2 =	seq.s32 s10, $0x1;
	s10 =	sld [smem:$0x3FA4]  }
0x3d: {  	_ =	shalt  }
0x3e: {  	_ =	shalt  }
0x3f: {  	_ =	shalt  }
0x40: {  	_ =	shalt  }
0x41: {  	_ =	shalt  }
0x42: {  	_ =	shalt  }
0x43: {  	_ =	shalt  }
0x44: {  	_ =	shalt  }
0x45: {  	_ =	shalt  }
0x46: {  	_ =	shalt  }
0x47: {  	_ =	shalt  }
0x48: {  	_ =	shalt  }
0x49: {  	_ =	shalt  }
0x4a: {  	_ =	shalt  }
0x4b: {  	_ =	shalt  }
0x4c: {  	_ =	shalt  }
0x4d: {  	_ =	shalt  }
0x4e: {  	_ =	shalt  }
0x4f: {  	_ =	shalt  }
0x50: {  	_ =	shalt  }
0x51: {  	_ =	shalt  }
0x52: {  	_ =	shalt  }
0x53: {  	_ =	shalt  }
0x54: {  	_ =	shalt  }
0x55: {  	_ =	shalt  }
0x56: {  	_ =	shalt  }
0x57: {  	_ =	shalt  }
0x58: {  	_ =	shalt  }
0x59: {  	_ =	shalt  }
0x5a: {  	_ =	shalt  }
0x5b: {  	_ =	shalt  }
0x5c: {  	_ =	shalt  }
0x5d: {  	_ =	shalt  }
0x5e: {  	_ =	shalt  }
0x5f: {  	_ =	shalt  }
0x60: {  	_ =	shalt  }
0x61: {  	_ =	shalt  }
0x62: {  	_ =	shalt  }
0x63: {  	_ =	shalt  }
0x64: {  	_ =	shalt  }
0x65: {  	_ =	shalt  }
0x66: {  	_ =	shalt  }
0x67: {  	_ =	shalt  }
0x68: {  	_ =	shalt  }
0x69: {  	_ =	shalt  }
0x6a: {  	_ =	shalt  }
0x6b: {  	_ =	shalt  }
0x6c: {  	_ =	shalt  }
0x6d: {  	_ =	shalt  }
0x6e: {  	_ =	shalt  }
0x6f: {  	_ =	shalt  }
0x70: {  	_ =	shalt  }
0x71: {  	_ =	shalt  }
0x72: {  	_ =	shalt  }
0x73: {  	_ =	shalt  }
0x74: {  	_ =	shalt  }
0x75: {  	_ =	shalt  }
0x76: {  	_ =	shalt  }
0x77: {  	_ =	shalt  }
0x78: {  	_ =	shalt  }
0x79: {  	_ =	shalt  }
0x7a: {  	_ =	shalt  }
0x7b: {  	_ =	shalt  }
0x7c: {  	_ =	shalt  }
0x7d: {  	_ =	shalt  }
0x7e: {  	_ =	shalt  }
0x7f: {  	_ =	shalt  }
0x80: {  	_ =	shalt  }
0x81: {  	_ =	shalt  }
0x82: {  	_ =	shalt  }
0x83: {  	_ =	shalt  }
0x84: {  	_ =	shalt  }
0x85: {  	_ =	shalt  }
0x86: {  	_ =	shalt  }
0x87: {  	_ =	shalt  }
.Lfunc_end0:
.L_simem_size_0:
called_computation.2_lowered:
.L_overlay_start_0:
0x88: {  	s2 =	sld [smem:$0x3FD9]  }
0x89: {  	s3 =	sld [smem:$0x3FFE];
	_ =	sdelay $0x1  }
0x8a: {  	s1 =	srdreg.scid  }
0x8b: {  	s0 =	sand.u32 $0x1, s1  }
0x8c: {  	s14 =	sshll.u32 s0, $0xA;
	s2 =	sadd.s32 s3, s2  }
0x8d: {  	s2 =	sadd.s32 s2, s14  }
0x8e: {  	[smem:$0x3FB0] =	sst s2  }
0x8f: {  	_ = 	snop  }
0x90: {  	s2 =	sld [smem:$0x3FD0];
	_ =	sdelay $0x2  }
0x91: {  	s15 =	simm.s32 $0xA;
	s4 =	simm.s32 $0x10  }
0x92: {  	[smem:s4], [sflag:s15] =	dma.local [hbm:s2], $0x1  }
0x93: {  	_ =	swait.eq [sflag:s15], $0x1  }
0x94: {  	[sflag:s15] =	ssyncset.done $0x0  }
0x95: {  	s16 =	sld [smem:$0x10];
	[sflag:s15] =	ssyncadd.s32 $0xFFFFFFFF  }
0x96: {  	s17 =	sld [smem:$0x11];
	(tm) =	ssettm $0x1  }
0x97: {  	s18 =	sld [smem:$0x3FFB];
	_ =	sdelay $0x3  }
0x98: {  	_ =	strace s18  }
0x99: {  	s4 =	sld [smem:$0x3FFC];
	_ =	sdelay $0x3  }
0x9a: {  	_ =	strace s4  }
0x9b: {  	s4 =	sld [smem:$0x3FFD];
	_ =	sdelay $0x3  }
0x9c: {  	_ =	strace s4  }
0x9d: {  	_ =	strace $0x8FFFFFFF  }
0x9e: {  	s19 =	sld [smem:$0x3FDB];
	_ =	sdelay $0x1  }
0x9f: {  	s5 =	simm.s32 $_scs_section_size  }
0xa0: {  	s6 =	simm.s32 $_size__tile_overlayer_lowered;
	s7 =	simm.s32 $_tile_overlayer_lowered  }
0xa1: {  	s22 =	simm.s32 $0x1BFF;
	s21 =	sshll.u32 s7, $0x1;
	s4 =	sadd.s32 s5, s19  }
0xa2: {  	s8 =	simm.s32 $0x0;
	s20 =	sshll.u32 s6, $0x1;
	s6 =	sadd.s32 s21, s4  }
0xa3: {  	[timem:s8], [sflag:s22] =	dma.local [hbm:s6], s20  }
0xa4: {  	_ =	swait.ge [sflag:s22], s20  }
0xa5: {  	s5 =	ssub.s32 $0x0, s20;
	[sflag:s22] =	ssyncset.done $0x0  }
0xa6: {  	[sflag:s22] =	ssyncadd.s32 s5;
	_ =	sdelay $0x1  }
0xa7: {  	s23 =	simm.s32 $0x1B8B  }
0xa8: {  	_ =	swait.ge [sflag:s23], $0x1  }
0xa9: {  	[sflag:s23] =	ssyncset.done $0x0  }
0xaa: {  	s25 =	simm.s32 $0x1B8E;
	s24 =	sld [smem:$0x3FFE];
	[sflag:s23] =	ssyncadd.s32 $0xFFFFFFFF  }
0xab: {  	s26 =	simm.s32 $execute0_lowered;
	[smem:$0x3FD2] =	sst s25  }
0xac: {  	s6 =	sshll.u32 s26, $0x1;
	_ =	strace $0x8000004C;
	[dreg:$0x1] =	wrdreg $0xFFFFFFFF  }
0xad: {  	s28 =	simm.s32 $_size_execute0_lowered;
	s4 =	sadd.s32 s4, s6;
	[dreg:$0x0] =	wrdreg $0x0  }
0xae: {  	s6 =	sshll.u32 s28, $0x1;
	[dreg:$0x2] =	wrdreg s4  }
0xaf: {  	[dreg:$0x3] =	wrdreg s6  }
0xb0: {  	[dreg:$0x4] =	wrdreg $0xC0  }
0xb1: {  	_ =	task [dreg:s8], $0x5FFFF  }
0xb2: {  	[dreg:$0x1] =	wrdreg $0xFFFFFFFF  }
0xb3: {  	[dreg:$0x0] =	wrdreg $0x60  }
0xb4: {  	[dreg:$0x2] =	wrdreg s17  }
0xb5: {  	[dreg:$0x3] =	wrdreg s24  }
0xb6: {  	[dreg:$0x4] =	wrdreg s16  }
0xb7: {  	[dreg:$0x5] =	wrdreg $0x9  }
0xb8: {  	_ =	task.clear_ibuf [dreg:s8], $0x6FFFF;
	_ =	strace $0x9000004C  }
0xb9: {  	s29 =	simm.s32 $0x9;
	_ =	strace $0x8000004E  }
0xba: {  	_ =	swait.ge [sflag:s29], $0x1  }
0xbb: {  	[sflag:s29] =	ssyncadd.s32 $0xFFFFFFFF  }
0xbc: {  	_ =	strace $0x9000004E  }
0xbd: {  	_ =	sfence  }
0xbe: {  	s30 =	sld [smem:$0x0];
	_ =	sdelay $0x2  }
0xbf: {  	s31 =	sshll.u32 s1, $0xD;
	s1 =	sshrl.u32 s1, $0x2  }
0xc0: {  	s3 =	sand.u32 $0x4000, s31;
	s1 =	sadd.s32 s1, s30  }
0xc1: {  	s0 =	sor.u32 s3, s0;
	s1 =	sshll.u32 s1, $0x11  }
0xc2: {  	s0 =	sor.u32 s1, s0  }
0xc3: {  	s0 =	sadd.s32 $0x8F2B, s0  }
0xc4: {  	[sflag:s0] =	ssyncadd.remote.s32 $0x1  }
0xc5: {  	_ =	sfence.sel $0xFFFF  }
0xc6: {  	[dreg:$0x0] =	wrdreg $0xFFFFFFFF;
	(pc) =	sbr.abs _section_cstart, $3  }
0xc7: {  	[dreg:$0x1] =	wrdreg $0xFFFFFFFF  }
0xc8: {  	_ =	task.clear_ibuf [dreg:s8], $0x2FFFF;
	_ =	strace $0x9FFFFFFF  }
0xc9: {  	(tm) =	ssettm $0x7FFFFFFF  }
tec
execute0_lowered:
.L_overlay_start_1:
0x0: {  	(tag) =	ssettag $0x1  }
0x1: {  	s7 =	rddreg [dreg:$0x0]  }
0x2: {  	s6 =	rddreg [dreg:$0x1]  }
0x3: {  	s2 =	rddreg [dreg:$0x2]  }
0x4: {  	s0 =	rddreg [dreg:$0x3]  }
0x5: {  	s4 =	srdreg.scid;
	s1 =	stileid.u32  }
0x6: {  	s3 =	simm.s32 $0x0;
	s12 =	simm.s32 $0xA000;
	s13 =	simm.s32 $0xF000  }
0x7: {  	s14 =	simm.s32 $0x1B880;
	s15 =	simm.s32 $0x1C500;
	s16 =	simm.s32 $0x1  }
0x8: {  	s17 =	simm.s32 $0xF080;
	s4 =	sand.u32 $0x1, s4;
	s5 =	sshll.u32 s1, $0x1  }
0x9: {  	s18 =	simm.s32 $0x19080;
	[smem:$0x7FF] =	sst s3;
	s20 =	sor.u32 s4, s5  }
0xa: {  	s19 =	simm.s32 $0x2;
	_ =	strace $0x8000004D;
	s8 =	smul.u32 $0x1400, s20  }
.Ltmp0:
0xb: {  	s9 =	ssub.s32 $0x2, s4;
	s4 =	sadd.s32 $0x6C00, s6;
	(pc) =	sbr.rel .LBB2_1-.Ltmp0, $4  }
0xc: {  	s5 =	sadd.s32 $0x7600, s6;
	s10 =	sshrl.u32 s9, $0x1;
	p0 =	sne.s32 s20, $0x1F  }
0xd: {  	s20 =	simm.s32 $0x0;
	s10 =	ssub.s32 s9, s10;
	s11 =	sadd.s32 s8, s6  }
0xe: {  	s6 =	sadd.s32 $0x2F800, s6;
	s7 =	sadd.s32 s7, s8;
	s8 =	sadd.s32 $0x190, s2  }
0xf: {  	v0 =	vimm.f32 $0.0e+00;
	s10 =	smax.u32 s10, $0x1;
	s9 =	sadd.s32 $0x7800, s11;
	s11 =	simm.s32 $0x3  }
.LBB2_12:
0x10: {  	[hbm4b:s9+s3] =	stream.linear.scatter [tilespmem:s17], [sflag:$0x3], $0xA000, $0x38;
	[tilespmem:$0x1D180] =	vst v63  }
0x11: {  	_ =	swait.ge [sflag:s11], $0xA000  }
0x12: {  	s21 =	simm.s32 @!p0 $0x0;
	s20 =	sadd.s32 $0x1, s20;
	[sflag:s11] =	ssyncset.done $0x0  }
0x13: {  	s22 =	simm.s32 @!p0 $0x19080;
	p1 =	sne.s32 s20, s10;
	[sflag:s11] =	ssyncadd.s32 $0xFFFF6000  }
0x14: {  	[hbm4b:s6+s21] =	stream.linear.scatter @!p0 [tilespmem:s22], [sflag:$0x3], $0x2800, $0x38;
	[tilespmem:$0x1D180] =	vst v63  }
.Ltmp1:
0x15: {  	_ = 	snop;
	(pc) =	sbr.rel @!p1 .LBB2_13-.Ltmp1, $4  }
0x16: {  	s21 =	simm.s32 @!p0 $0x3  }
0x17: {  	_ =	swait.ge @!p0 [sflag:s21], $0x2800  }
0x18: {  	[sflag:s21] =	ssyncset.done @!p0 $0x0  }
0x19: {  	[sflag:s21] =	ssyncadd.s32 @!p0 $0xFFFFD800  }
.LBB2_1:
0x1a: {  	[tilespmem:s3], [sflag:$0x3] =	stream.linear.gather [hbm4b:s7+s3], $0xA000, $0x38;
	[tilespmem:$0x1D180] =	vst v63  }
0x1b: {  	_ =	swait.ge [sflag:s11], $0xA000  }
0x1c: {  	[sflag:s11] =	ssyncset.done $0x0  }
0x1d: {  	[sflag:s11] =	ssyncadd.s32 $0xFFFF6000  }
0x1e: {  	[tilespmem:s12], [sflag:$0x3] =	stream.linear.gather [hbm4b:s4+s3], $0x5000, $0x38;
	[tilespmem:$0x1D180] =	vst v63  }
0x1f: {  	_ =	swait.ge [sflag:s11], $0x5000  }
0x20: {  	[sflag:s11] =	ssyncset.done $0x0  }
0x21: {  	[sflag:s11] =	ssyncadd.s32 $0xFFFFB000  }
0x22: {  	[tilespmem:s13], [sflag:$0x3] =	stream.linear.gather [hbm4b:s5+s3], $0x80, $0x38;
	[tilespmem:$0x1D180] =	vst v63  }
0x23: {  	_ =	swait.ge [sflag:s11], $0x80  }
0x24: {  	[sflag:s11] =	ssyncset.done $0x0  }
0x25: {  	[sflag:s11] =	ssyncadd.s32 $0xFFFFFF80  }
0x26: {  	s21 =	simm.s32 $0x0;
	v1 =	vld [tilespmem:$0xF000]  }
.LBB2_2:
0x27: {  	p1 =	sne.s32 s21, $0x27FC0  }
.Ltmp2:
0x28: {  	_ = 	snop;
	(pc) =	sbr.rel @p1 .LBB2_2-.Ltmp2, $3  }
0x29: {  	_ =	sdelay $0x1  }
0x2a: {  	s22 =	sshra.s32 s21, $0x2  }
0x2b: {  	s21 =	sadd.s32 $0x40, s21;
	[tilespmem:s22+$0xF080] =	vst v0  }
0x2c: {  	s21 =	simm.s32 $0x40;
	s22 =	simm.s32 $0x0  }
.LBB2_4:
0x2d: {  	p1 =	sne.s32 s21, $0x9FC0;
	[tilespmem:s22+$0x19080] =	vst v0;
	s22 =	smov.u32 s21;
	s21 =	sadd.s32 $0x40, s21  }
.Ltmp3:
0x2e: {  	(pc) =	sbr.rel @p1 .LBB2_4-.Ltmp3, $2  }
0x2f: {  	_ =	sdelay $0x2  }
0x30: {  	s22 =	sshra.s32 s22, $0x2  }
0x31: {  	[tilespmem:s22+$0x19080] =	vst v0;
	s21 =	simm.s32 $0x0  }
0x32: {  	[tilespmem:s14], [sflag:$0x1] =	stream.linear.gather [hbm4b:s2+s21], $0xC80, $0x38;
	[tilespmem:$0x1D180] =	vst v63  }
0x33: {  	_ = 	snop  }
0x34: {  	[tilespmem:s15], [sflag:$0x2] =	stream.linear.gather [hbm4b:s8+s21], $0xC80, $0x38;
	[tilespmem:$0x1D180] =	vst v63  }
.LBB2_6:
0x35: {  	_ =	swait.ge [sflag:s16], $0xC80  }
0x36: {  	[sflag:s16] =	ssyncset.done $0x0  }
0x37: {  	s22 =	simm.s32 $0x0;
	[sflag:s16] =	ssyncadd.s32 $0xFFFFF380  }
0x38: {  	v3 =	vld [tilespmem:s22+$0x1B880];
	_ =	sdelay $0x4  }
0x39: {  	v2 =	vand.u32 $0x3FFF, v3  }
0x3a: {  	v4 =	vshrl.u32 v3, $0xE;
	v5 =	vadd.s32 $0x2800, v2  }
0x3b: {  	v6 =	vand.u32 $0x7F, v3;
	v5 =	vand.u32 $0x7F80, v5  }
0x3c: {  	v5 =	vor.u32 v6, v5;
	_ =	sdelay $0x2  }
0x3d: {  	v3 =	vld.idx.msk [tilespmem:v4+s12+$0x0], $0xffff;
	_ =	sdelay $0x1  }
0x3e: {  	v7 =	vld.idx.msk [tilespmem:v5+s12+$0x0], $0xffff;
	_ =	sdelay $0x2  }
0x3f: {  	v3 =	vsub.f32 v3, v1;
	_ =	sdelay $0x1  }
0x40: {  	v3 =	vadd.f32 v7, v3;
	_ =	sdelay $0x1  }
0x41: {  	v3 =	vmul.f32 $1.442695020e+00, v3;
	_ =	sdelay $0x1  }
0x42: {  	(erf) = vpow2.f32 v3;
	_ =	sdelay $0x4  }
0x43: {  	v62 =	vld.idx.msk [tilespmem:v4+s3+$0x0], $0xffff;
	v3 =	vadd.s32 $0x2800, v4  }
0x44: {  	v3 =	vand.u32 $0x7FF80, v3  }
0x45: {  	v8 =	vand.u32 $0x7F, v4  }
0x46: {  	v9 =	vor.u32 v8, v3  }
0x47: {  	v3 =	vpop (erf)  }
0x48: {  	v7 =	vmul.f32 v3, v62;
	_ =	sdelay $0x1  }
0x49: {  	[tilespmem:v2+s17+$0x0] =	vst.idx.add.f32.msk $0xffff, v7  }
0x4a: {  	v7 =	vld.idx.msk [tilespmem:v9+s3+$0x0], $0xffff  }
0x4b: {  	v63 =	vadd.s32 $0x5000, v4  }
0x4c: {  	v9 =	vand.u32 $0x7FF80, v63  }
0x4d: {  	v9 =	vor.u32 v8, v9;
	_ =	sdelay $0x1  }
0x4e: {  	v7 =	vmul.f32 v3, v7;
	_ =	sdelay $0x1  }
0x4f: {  	[tilespmem:v5+s17+$0x0] =	vst.idx.add.f32.msk $0xffff, v7  }
0x50: {  	v5 =	vadd.s32 $0x5000, v2;
	v7 =	vld.idx.msk [tilespmem:v9+s3+$0x0], $0xffff  }
0x51: {  	v4 =	vadd.s32 $0x7800, v4;
	v5 =	vand.u32 $0xFF80, v5  }
0x52: {  	v4 =	vand.u32 $0x7FF80, v4;
	v5 =	vor.u32 v6, v5  }
0x53: {  	v4 =	vor.u32 v8, v4;
	_ =	sdelay $0x1  }
0x54: {  	v7 =	vmul.f32 v7, v3;
	_ =	sdelay $0x1  }
0x55: {  	[tilespmem:v5+s17+$0x0] =	vst.idx.add.f32.msk $0xffff, v7  }
0x56: {  	v5 =	vadd.s32 $0x7800, v2;
	v4 =	vld.idx.msk [tilespmem:v4+s3+$0x0], $0xffff  }
0x57: {  	v5 =	vand.u32 $0xFF80, v5  }
0x58: {  	v5 =	vor.u32 v6, v5;
	_ =	sdelay $0x2  }
0x59: {  	v4 =	vmul.f32 v4, v3;
	_ =	sdelay $0x1  }
0x5a: {  	s23 =	simm.s32 $0x80;
	s22 =	simm.s32 $0x40;
	[tilespmem:v5+s17+$0x0] =	vst.idx.add.f32.msk $0xffff, v4  }
.LBB2_7:
0x5b: {  	p1 =	sne.s32 s23, $0x31C0  }
0x5c: {  	s24 =	sshra.s32 s22, $0x2;
	[tilespmem:v2+s18+$0x0] =	vst.idx.add.f32.msk $0xffff, v3;
	s22 =	smov.u32 s23;
	s23 =	sadd.s32 $0x40, s23  }
0x5d: {  	v3 =	vld [tilespmem:s24+$0x1B880];
	_ =	sdelay $0x4  }
0x5e: {  	v4 =	vshrl.u32 v3, $0xE;
	v2 =	vand.u32 $0x3FFF, v3  }
0x5f: {  	v5 =	vadd.s32 $0x2800, v2;
	v6 =	vadd.s32 $0x2800, v4;
	v7 =	vadd.s32 $0x5000, v4  }
0x60: {  	v3 =	vand.u32 $0x7F, v3;
	v5 =	vand.u32 $0x7F80, v5;
	v6 =	vand.u32 $0x7FF80, v6  }
0x61: {  	v8 =	vadd.s32 $0x5000, v2;
	v9 =	vadd.s32 $0x7800, v4;
	v5 =	vor.u32 v3, v5  }
0x62: {  	v10 =	vadd.s32 $0x7800, v2;
	v8 =	vand.u32 $0xFF80, v8  }
0x63: {  	v10 =	vand.u32 $0xFF80, v10;
	v8 =	vor.u32 v3, v8  }
0x64: {  	v10 =	vor.u32 v3, v10;
	v11 =	vld.idx.msk [tilespmem:v4+s12+$0x0], $0xffff;
	_ =	sdelay $0x1  }
0x65: {  	v3 =	vld.idx.msk [tilespmem:v5+s12+$0x0], $0xffff;
	_ =	sdelay $0x3  }
0x66: {  	v11 =	vsub.f32 v11, v1;
	_ =	sdelay $0x1  }
0x67: {  	v3 =	vadd.f32 v3, v11;
	_ =	sdelay $0x1  }
0x68: {  	v3 =	vmul.f32 $1.442695020e+00, v3;
	_ =	sdelay $0x1  }
0x69: {  	(erf) = vpow2.f32 v3;
	_ =	sdelay $0x3  }
0x6a: {  	v11 =	vld.idx.msk [tilespmem:v4+s3+$0x0], $0xffff;
	_ =	sdelay $0x2  }
0x6b: {  	v4 =	vand.u32 $0x7F, v4  }
0x6c: {  	v6 =	vor.u32 v4, v6  }
0x6d: {  	v3 =	vpop (erf)  }
0x6e: {  	v11 =	vmul.f32 v3, v11;
	_ =	sdelay $0x1  }
0x6f: {  	[tilespmem:v2+s17+$0x0] =	vst.idx.add.f32.msk $0xffff, v11  }
0x70: {  	v6 =	vld.idx.msk [tilespmem:v6+s3+$0x0], $0xffff;
	_ =	sdelay $0x2  }
0x71: {  	v7 =	vand.u32 $0x7FF80, v7  }
0x72: {  	v7 =	vor.u32 v4, v7;
	_ =	sdelay $0x1  }
0x73: {  	v6 =	vmul.f32 v3, v6;
	_ =	sdelay $0x1  }
0x74: {  	[tilespmem:v5+s17+$0x0] =	vst.idx.add.f32.msk $0xffff, v6  }
0x75: {  	v5 =	vld.idx.msk [tilespmem:v7+s3+$0x0], $0xffff;
	_ =	sdelay $0x2  }
0x76: {  	v6 =	vand.u32 $0x7FF80, v9  }
0x77: {  	v4 =	vor.u32 v4, v6;
	_ =	sdelay $0x1  }
0x78: {  	v5 =	vmul.f32 v5, v3;
	_ =	sdelay $0x1  }
0x79: {  	[tilespmem:v8+s17+$0x0] =	vst.idx.add.f32.msk $0xffff, v5  }
0x7a: {  	v4 =	vld.idx.msk [tilespmem:v4+s3+$0x0], $0xffff;
	_ =	sdelay $0x3  }
.Ltmp4:
0x7b: {  	(pc) =	sbr.rel @p1 .LBB2_7-.Ltmp4, $3  }
0x7c: {  	_ = 	snop  }
0x7d: {  	v4 =	vmul.f32 v4, v3;
	_ =	sdelay $0x1  }
0x7e: {  	[tilespmem:v10+s17+$0x0] =	vst.idx.add.f32.msk $0xffff, v4  }
0x7f: {  	_ =	sdelay $0x3  }
0x80: {  	s22 =	sshra.s32 s22, $0x2;
	[tilespmem:v2+s18+$0x0] =	vst.idx.add.f32.msk $0xffff, v3  }
0x81: {  	v2 =	vld [tilespmem:s22+$0x1B880];
	_ =	sdelay $0x4  }
0x82: {  	v3 =	vand.u32 $0x3FFF, v2  }
0x83: {  	v4 =	vshrl.u32 v2, $0xE;
	v5 =	vadd.s32 $0x2800, v3  }
0x84: {  	v2 =	vand.u32 $0x7F, v2;
	v5 =	vand.u32 $0x7F80, v5  }
0x85: {  	v5 =	vor.u32 v2, v5;
	_ =	sdelay $0x2  }
0x86: {  	v6 =	vld.idx.msk [tilespmem:v4+s12+$0x0], $0xffff;
	_ =	sdelay $0x1  }
0x87: {  	v7 =	vld.idx.msk [tilespmem:v5+s12+$0x0], $0xffff;
	_ =	sdelay $0x2  }
0x88: {  	v6 =	vsub.f32 v6, v1;
	_ =	sdelay $0x1  }
0x89: {  	v6 =	vadd.f32 v7, v6;
	_ =	sdelay $0x1  }
0x8a: {  	v6 =	vmul.f32 $1.442695020e+00, v6;
	_ =	sdelay $0x1  }
0x8b: {  	(erf) = vpow2.f32 v6;
	_ =	sdelay $0x4  }
0x8c: {  	v55 =	vld.idx.msk [tilespmem:v4+s3+$0x0], $0xffff  }
0x8d: {  	v56 =	vadd.s32 $0x2800, v4  }
0x8e: {  	v8 =	vand.u32 $0x7F, v4;
	v7 =	vand.u32 $0x7FF80, v56  }
0x8f: {  	v7 =	vor.u32 v8, v7  }
0x90: {  	v9 =	vpop (erf)  }
0x91: {  	v6 =	vmul.f32 v9, v55;
	_ =	sdelay $0x1  }
0x92: {  	[tilespmem:v3+s17+$0x0] =	vst.idx.add.f32.msk $0xffff, v6  }
0x93: {  	v6 =	vld.idx.msk [tilespmem:v7+s3+$0x0], $0xffff  }
0x94: {  	v57 =	vadd.s32 $0x5000, v4  }
0x95: {  	v7 =	vand.u32 $0x7FF80, v57  }
0x96: {  	v7 =	vor.u32 v8, v7;
	_ =	sdelay $0x1  }
0x97: {  	v6 =	vmul.f32 v9, v6;
	_ =	sdelay $0x1  }
0x98: {  	[tilespmem:v5+s17+$0x0] =	vst.idx.add.f32.msk $0xffff, v6  }
0x99: {  	v5 =	vadd.s32 $0x5000, v3;
	v6 =	vld.idx.msk [tilespmem:v7+s3+$0x0], $0xffff  }
0x9a: {  	v4 =	vadd.s32 $0x7800, v4;
	v5 =	vand.u32 $0xFF80, v5  }
0x9b: {  	v4 =	vand.u32 $0x7FF80, v4;
	v5 =	vor.u32 v2, v5  }
0x9c: {  	v4 =	vor.u32 v8, v4;
	_ =	sdelay $0x1  }
0x9d: {  	v6 =	vmul.f32 v6, v9;
	_ =	sdelay $0x1  }
0x9e: {  	[tilespmem:v5+s17+$0x0] =	vst.idx.add.f32.msk $0xffff, v6  }
0x9f: {  	v5 =	vadd.s32 $0x7800, v3;
	v4 =	vld.idx.msk [tilespmem:v4+s3+$0x0], $0xffff  }
0xa0: {  	v5 =	vand.u32 $0xFF80, v5  }
0xa1: {  	v2 =	vor.u32 v2, v5  }
0xa2: {  	p1 =	seq.s32 s21, $0x31  }
0xa3: {  	s22 =	smul.u32 @!p1 $0x1900, s21  }
0xa4: {  	v4 =	vmul.f32 v4, v9  }
0xa5: {  	s22 =	sshrl.u32 @!p1 s22, $0x3  }
0xa6: {  	s22 =	sadd.s32 @!p1 s2, s22;
	[tilespmem:v2+s17+$0x0] =	vst.idx.add.f32.msk $0xffff, v4  }
0xa7: {  	s23 =	simm.s32 @!p1 $0x0;
	s24 =	simm.s32 @!p1 $0x1B880;
	s22 =	sadd.s32 @!p1 $0x320, s22;
	[tilespmem:v3+s18+$0x0] =	vst.idx.add.f32.msk $0xffff, v9  }
0xa8: {  	[tilespmem:s24], [sflag:$0x1] =	stream.linear.gather @!p1 [hbm4b:s22+s23], $0xC80, $0x38;
	[tilespmem:$0x1D180] =	vst v63  }
0xa9: {  	_ =	swait.ge [sflag:s19], $0xC80  }
0xaa: {  	[sflag:s19] =	ssyncset.done $0x0  }
0xab: {  	s31 =	simm.s32 $0x0;
	[sflag:s19] =	ssyncadd.s32 $0xFFFFF380  }
0xac: {  	v3 =	vld [tilespmem:s31+$0x1C500];
	_ =	sdelay $0x4  }
0xad: {  	v2 =	vand.u32 $0x3FFF, v3  }
0xae: {  	v4 =	vshrl.u32 v3, $0xE;
	v5 =	vadd.s32 $0x2800, v2  }
0xaf: {  	v58 =	vand.u32 $0x7F, v3;
	v5 =	vand.u32 $0x7F80, v5  }
0xb0: {  	v5 =	vor.u32 v58, v5;
	_ =	sdelay $0x2  }
0xb1: {  	v3 =	vld.idx.msk [tilespmem:v4+s12+$0x0], $0xffff;
	_ =	sdelay $0x1  }
0xb2: {  	v59 =	vld.idx.msk [tilespmem:v5+s12+$0x0], $0xffff;
	_ =	sdelay $0x2  }
0xb3: {  	v3 =	vsub.f32 v3, v1;
	_ =	sdelay $0x1  }
0xb4: {  	v3 =	vadd.f32 v59, v3;
	_ =	sdelay $0x1  }
0xb5: {  	v3 =	vmul.f32 $1.442695020e+00, v3;
	_ =	sdelay $0x1  }
0xb6: {  	(erf) = vpow2.f32 v3;
	_ =	sdelay $0x4  }
0xb7: {  	v60 =	vld.idx.msk [tilespmem:v4+s3+$0x0], $0xffff;
	v3 =	vadd.s32 $0x2800, v4  }
0xb8: {  	v3 =	vand.u32 $0x7FF80, v3  }
0xb9: {  	v61 =	vand.u32 $0x7F, v4  }
0xba: {  	v62 =	vor.u32 v61, v3  }
0xbb: {  	v3 =	vpop (erf)  }
0xbc: {  	v7 =	vmul.f32 v3, v60;
	_ =	sdelay $0x1  }
0xbd: {  	[tilespmem:v2+s17+$0x0] =	vst.idx.add.f32.msk $0xffff, v7  }
0xbe: {  	v7 =	vld.idx.msk [tilespmem:v62+s3+$0x0], $0xffff  }
0xbf: {  	v63 =	vadd.s32 $0x5000, v4  }
0xc0: {  	v9 =	vand.u32 $0x7FF80, v63  }
0xc1: {  	v9 =	vor.u32 v61, v9;
	_ =	sdelay $0x1  }
0xc2: {  	v7 =	vmul.f32 v3, v7;
	_ =	sdelay $0x1  }
0xc3: {  	[tilespmem:v5+s17+$0x0] =	vst.idx.add.f32.msk $0xffff, v7  }
0xc4: {  	v5 =	vadd.s32 $0x5000, v2;
	v7 =	vld.idx.msk [tilespmem:v9+s3+$0x0], $0xffff  }
0xc5: {  	v4 =	vadd.s32 $0x7800, v4;
	v5 =	vand.u32 $0xFF80, v5  }
0xc6: {  	v4 =	vand.u32 $0x7FF80, v4;
	v5 =	vor.u32 v58, v5  }
0xc7: {  	v4 =	vor.u32 v61, v4;
	_ =	sdelay $0x1  }
0xc8: {  	v7 =	vmul.f32 v7, v3;
	_ =	sdelay $0x1  }
0xc9: {  	[tilespmem:v5+s17+$0x0] =	vst.idx.add.f32.msk $0xffff, v7  }
0xca: {  	v5 =	vadd.s32 $0x7800, v2;
	v4 =	vld.idx.msk [tilespmem:v4+s3+$0x0], $0xffff  }
0xcb: {  	v5 =	vand.u32 $0xFF80, v5  }
0xcc: {  	v5 =	vor.u32 v58, v5;
	_ =	sdelay $0x2  }
0xcd: {  	v4 =	vmul.f32 v4, v3;
	_ =	sdelay $0x1  }
0xce: {  	s22 =	simm.s32 $0x40;
	s23 =	simm.s32 $0x80;
	[tilespmem:v5+s17+$0x0] =	vst.idx.add.f32.msk $0xffff, v4  }
.LBB2_9:
0xcf: {  	p2 =	sne.s32 s23, $0x31C0  }
0xd0: {  	s24 =	sshra.s32 s22, $0x2;
	[tilespmem:v2+s18+$0x0] =	vst.idx.add.f32.msk $0xffff, v3;
	s22 =	smov.u32 s23;
	s23 =	sadd.s32 $0x40, s23  }
0xd1: {  	v3 =	vld [tilespmem:s24+$0x1C500];
	_ =	sdelay $0x4  }
0xd2: {  	v4 =	vshrl.u32 v3, $0xE;
	v2 =	vand.u32 $0x3FFF, v3  }
0xd3: {  	v5 =	vadd.s32 $0x2800, v2;
	v6 =	vadd.s32 $0x2800, v4;
	v7 =	vadd.s32 $0x5000, v4  }
0xd4: {  	v3 =	vand.u32 $0x7F, v3;
	v5 =	vand.u32 $0x7F80, v5;
	v6 =	vand.u32 $0x7FF80, v6  }
0xd5: {  	v8 =	vadd.s32 $0x5000, v2;
	v9 =	vadd.s32 $0x7800, v4;
	v5 =	vor.u32 v3, v5  }
0xd6: {  	v10 =	vadd.s32 $0x7800, v2;
	v8 =	vand.u32 $0xFF80, v8  }
0xd7: {  	v10 =	vand.u32 $0xFF80, v10;
	v8 =	vor.u32 v3, v8  }
0xd8: {  	v10 =	vor.u32 v3, v10;
	v11 =	vld.idx.msk [tilespmem:v4+s12+$0x0], $0xffff;
	_ =	sdelay $0x1  }
0xd9: {  	v3 =	vld.idx.msk [tilespmem:v5+s12+$0x0], $0xffff;
	_ =	sdelay $0x3  }
0xda: {  	v11 =	vsub.f32 v11, v1;
	_ =	sdelay $0x1  }
0xdb: {  	v3 =	vadd.f32 v3, v11;
	_ =	sdelay $0x1  }
0xdc: {  	v3 =	vmul.f32 $1.442695020e+00, v3;
	_ =	sdelay $0x1  }
0xdd: {  	(erf) = vpow2.f32 v3;
	_ =	sdelay $0x3  }
0xde: {  	v11 =	vld.idx.msk [tilespmem:v4+s3+$0x0], $0xffff;
	_ =	sdelay $0x2  }
0xdf: {  	v4 =	vand.u32 $0x7F, v4  }
0xe0: {  	v6 =	vor.u32 v4, v6  }
0xe1: {  	v3 =	vpop (erf)  }
0xe2: {  	v11 =	vmul.f32 v3, v11;
	_ =	sdelay $0x1  }
0xe3: {  	[tilespmem:v2+s17+$0x0] =	vst.idx.add.f32.msk $0xffff, v11  }
0xe4: {  	v6 =	vld.idx.msk [tilespmem:v6+s3+$0x0], $0xffff;
	_ =	sdelay $0x2  }
0xe5: {  	v7 =	vand.u32 $0x7FF80, v7  }
0xe6: {  	v7 =	vor.u32 v4, v7;
	_ =	sdelay $0x1  }
0xe7: {  	v6 =	vmul.f32 v3, v6;
	_ =	sdelay $0x1  }
0xe8: {  	[tilespmem:v5+s17+$0x0] =	vst.idx.add.f32.msk $0xffff, v6  }
0xe9: {  	v5 =	vld.idx.msk [tilespmem:v7+s3+$0x0], $0xffff;
	_ =	sdelay $0x2  }
0xea: {  	v6 =	vand.u32 $0x7FF80, v9  }
0xeb: {  	v4 =	vor.u32 v4, v6;
	_ =	sdelay $0x1  }
0xec: {  	v5 =	vmul.f32 v5, v3;
	_ =	sdelay $0x1  }
0xed: {  	[tilespmem:v8+s17+$0x0] =	vst.idx.add.f32.msk $0xffff, v5  }
0xee: {  	v4 =	vld.idx.msk [tilespmem:v4+s3+$0x0], $0xffff;
	_ =	sdelay $0x3  }
.Ltmp5:
0xef: {  	(pc) =	sbr.rel @p2 .LBB2_9-.Ltmp5, $3  }
0xf0: {  	_ = 	snop  }
0xf1: {  	v4 =	vmul.f32 v4, v3;
	_ =	sdelay $0x1  }
0xf2: {  	[tilespmem:v10+s17+$0x0] =	vst.idx.add.f32.msk $0xffff, v4  }
0xf3: {  	_ =	sdelay $0x3  }
0xf4: {  	s22 =	sshra.s32 s22, $0x2;
	[tilespmem:v2+s18+$0x0] =	vst.idx.add.f32.msk $0xffff, v3  }
0xf5: {  	v2 =	vld [tilespmem:s22+$0x1C500];
	_ =	sdelay $0x4  }
0xf6: {  	v3 =	vand.u32 $0x3FFF, v2  }
0xf7: {  	v4 =	vshrl.u32 v2, $0xE;
	v5 =	vadd.s32 $0x2800, v3  }
0xf8: {  	v2 =	vand.u32 $0x7F, v2;
	v5 =	vand.u32 $0x7F80, v5  }
0xf9: {  	v5 =	vor.u32 v2, v5;
	_ =	sdelay $0x2  }
0xfa: {  	v6 =	vld.idx.msk [tilespmem:v4+s12+$0x0], $0xffff;
	_ =	sdelay $0x1  }
0xfb: {  	v7 =	vld.idx.msk [tilespmem:v5+s12+$0x0], $0xffff;
	_ =	sdelay $0x2  }
0xfc: {  	v6 =	vsub.f32 v6, v1;
	_ =	sdelay $0x1  }
0xfd: {  	v6 =	vadd.f32 v7, v6;
	_ =	sdelay $0x1  }
0xfe: {  	v6 =	vmul.f32 $1.442695020e+00, v6;
	_ =	sdelay $0x1  }
0xff: {  	(erf) = vpow2.f32 v6;
	_ =	sdelay $0x4  }
0x100: {  	v59 =	vld.idx.msk [tilespmem:v4+s3+$0x0], $0xffff  }
0x101: {  	v60 =	vadd.s32 $0x2800, v4  }
0x102: {  	v8 =	vand.u32 $0x7F, v4;
	v7 =	vand.u32 $0x7FF80, v60  }
0x103: {  	v7 =	vor.u32 v8, v7  }
0x104: {  	v9 =	vpop (erf)  }
0x105: {  	v6 =	vmul.f32 v9, v59;
	_ =	sdelay $0x1  }
0x106: {  	[tilespmem:v3+s17+$0x0] =	vst.idx.add.f32.msk $0xffff, v6  }
0x107: {  	v6 =	vld.idx.msk [tilespmem:v7+s3+$0x0], $0xffff  }
0x108: {  	v61 =	vadd.s32 $0x5000, v4  }
0x109: {  	v7 =	vand.u32 $0x7FF80, v61  }
0x10a: {  	v7 =	vor.u32 v8, v7;
	_ =	sdelay $0x1  }
0x10b: {  	v6 =	vmul.f32 v9, v6;
	_ =	sdelay $0x1  }
0x10c: {  	[tilespmem:v5+s17+$0x0] =	vst.idx.add.f32.msk $0xffff, v6  }
0x10d: {  	v62 =	vadd.s32 $0x5000, v3;
	v6 =	vld.idx.msk [tilespmem:v7+s3+$0x0], $0xffff  }
0x10e: {  	v4 =	vadd.s32 $0x7800, v4;
	v5 =	vand.u32 $0xFF80, v62  }
0x10f: {  	v4 =	vand.u32 $0x7FF80, v4;
	v5 =	vor.u32 v2, v5  }
0x110: {  	v4 =	vor.u32 v8, v4;
	_ =	sdelay $0x1  }
0x111: {  	v6 =	vmul.f32 v6, v9;
	_ =	sdelay $0x1  }
0x112: {  	[tilespmem:v5+s17+$0x0] =	vst.idx.add.f32.msk $0xffff, v6  }
0x113: {  	v63 =	vadd.s32 $0x7800, v3;
	v4 =	vld.idx.msk [tilespmem:v4+s3+$0x0], $0xffff  }
0x114: {  	v5 =	vand.u32 $0xFF80, v63  }
0x115: {  	v2 =	vor.u32 v2, v5;
	_ =	sdelay $0x1  }
.Ltmp6:
0x116: {  	_ = 	snop;
	(pc) =	sbr.rel @p1 .LBB2_12-.Ltmp6, $3  }
0x117: {  	v4 =	vmul.f32 v4, v9;
	_ =	sdelay $0x1  }
0x118: {  	[tilespmem:v2+s17+$0x0] =	vst.idx.add.f32.msk $0xffff, v4  }
0x119: {  	[tilespmem:v3+s18+$0x0] =	vst.idx.add.f32.msk $0xffff, v9  }
0x11a: {  	s22 =	smul.u32 $0x1900, s21  }
.Ltmp7:
0x11b: {  	_ = 	snop;
	(pc) =	sbr.rel .LBB2_6-.Ltmp7, $4  }
0x11c: {  	s22 =	sshrl.u32 s22, $0x3  }
0x11d: {  	s22 =	sadd.s32 s2, s22  }
0x11e: {  	s21 =	sadd.s32 $0x1, s21;
	s22 =	sadd.s32 $0x4B0, s22  }
0x11f: {  	[tilespmem:s15], [sflag:$0x2] =	stream.linear.gather [hbm4b:s22+s3], $0xC80, $0x38;
	[tilespmem:$0x1D180] =	vst v63  }
.LBB2_13:
0x120: {  	_ =	sfence.sel $0x180000  }
0x121: {  	[bflag:$0x0] =	sbarrier.arrive $0xFFFF  }
0x122: {  	p0 =	sne.s32 s1, $0x0;
	_ =	strace $0x9000004D  }
0x123: {  	s0 =	sadd.s32 @!p0 $0x100000, s0;
	[bflag:$0x2] =	sbarrier.arrive $0xFFFF  }
0x124: {  	[sflag:s0] =	ssyncadd.tile.s32 @!p0 $0x1;
	_ =	shalt  }
.Lfunc_end2:
_tile_overlayer_lowered:
.L_overlay_start_2:
0x125: {  	(tag) =	ssettag $0x2  }
0x126: {  	s0 =	rddreg [dreg:$0x0];
	s2 =	stileid.u32  }
0x127: {  	s1 =	rddreg [dreg:$0x1];
	p0 =	sne.s32 s2, $0x0  }
0x128: {  	s3 =	rddreg [dreg:$0x2];
	[bflag:$0x3] =	sbarrier.arrive $0xFFFF;
	s2 =	simm.s32 @!p0 $0x1C03  }
0x129: {  	[timem:s3], [sflag:s2] =	dma.local @!p0 [hbm:s0], s1  }
0x12a: {  	s0 =	simm.s32 @!p0 $0x3  }
0x12b: {  	_ =	swait.ge @!p0 [sflag:s0], s1  }
0x12c: {  	s1 =	ssub.s32 @!p0 $0x0, s1;
	[sflag:s0] =	ssyncset.done @!p0 $0x0  }
0x12d: {  	[sflag:s0] =	ssyncadd.s32 @!p0 s1  }
0x12e: {  	[bflag:$0x3] =	sbarrier.arrive $0xFFFF  }
0x12f: {  	_ =	shalt  }

</sc_bundles>
